<compile_context>
chip_gen: v7x
topology: tpu7x:2x2x1
jax: 0.10.2.dev20260603
libtpu: 0.0.44.dev20260713+nightly
codegen_flags: <defaults>
</compile_context>

<pallas_src>
import jax
import jax.numpy as jnp
from jax import lax
from jax.experimental import pallas as pl
from jax.experimental.pallas import tpu as pltpu
from jax.experimental.pallas import tpu_sc as plsc

B = 4096
L = 200
NE = 2
J = L + 2 * NE
H0 = 104
H1 = L - H0
DW = 64
DP = 16
DOUT = DW + 2 * DP
RB = 16

_info = plsc.get_sparse_core_info()
NC = _info.num_cores
NS = _info.num_subcores
NW = NC * NS
ROWS_PER_W = B // NW


def _body(seq_hbm, e1_hbm, e2_hbm, we_hbm, wpe_hbm, out_hbm,
          seq_rows, e1_rows, e2_rows, we0,
          wb0, pb10, pb20, wb1, pb11, pb21,
          sg0, sg1, sw0, sw1):
    sets = ((wb0, pb10, pb20, sg0, sw0),
            (wb1, pb11, pb21, sg1, sw1))
    wid = lax.axis_index("s") * NC + lax.axis_index("c")
    b0 = wid * ROWS_PER_W

    pltpu.sync_copy(we_hbm.at[pl.ds(0, 1)], we0)
    for k in range(DW // 16):
        v = we0[0, pl.ds(k * 16, 16)]
        for wbx in (wb0, wb1):
            for rr in (0, 1, J - 2, J - 1):
                wbx[rr, pl.ds(k * 16, 16)] = v

    def gathers(s, r):
        wbx, p1x, p2x, sg = sets[s][0], sets[s][1], sets[s][2], sets[s][3]
        g = lax.rem(r, RB)
        cps = []
        for (off, n) in ((0, H0), (H0, H1)):
            cps.append(pltpu.make_async_copy(
                we_hbm.at[seq_rows.at[g, pl.ds(off, n)]],
                wbx.at[pl.ds(NE + off, n)], sg))
            cps.append(pltpu.make_async_copy(
                wpe_hbm.at[e1_rows.at[g, pl.ds(off, n)]],
                p1x.at[pl.ds(NE + off, n)], sg))
            cps.append(pltpu.make_async_copy(
                wpe_hbm.at[e2_rows.at[g, pl.ds(off, n)]],
                p2x.at[pl.ds(NE + off, n)], sg))
        return cps

    def fixup(s):
        for px in (sets[s][1], sets[s][2]):
            v = px[NE]
            px[0] = v
            px[1] = v
            v = px[J - 3]
            px[J - 2] = v
            px[J - 1] = v

    def writes(s, b):
        wbx, p1x, p2x, sw = sets[s][0], sets[s][1], sets[s][2], sets[s][4]
        return [
            pltpu.make_async_copy(wbx, out_hbm.at[b, :, pl.ds(0, DW)], sw),
            pltpu.make_async_copy(p1x, out_hbm.at[b, :, pl.ds(DW, DP)], sw),
            pltpu.make_async_copy(p2x, out_hbm.at[b, :, pl.ds(DW + DP, DP)],
                                  sw),
        ]

    def stage_rows(r):
        @pl.when(lax.rem(r, RB) == 0)
        def _():
            base = pl.multiple_of(b0 + r, RB)
            pltpu.sync_copy(seq_hbm.at[pl.ds(base, RB)], seq_rows)
            pltpu.sync_copy(e1_hbm.at[pl.ds(base, RB)], e1_rows)
            pltpu.sync_copy(e2_hbm.at[pl.ds(base, RB)], e2_rows)

    def half(r, s, so, do_waitw):
        for cp in gathers(s, r):
            cp.wait()
        fixup(s)
        for cp in writes(s, b0 + r):
            cp.start()
        stage_rows(r + 1)
        if do_waitw:
            for cp in writes(so, b0 + r - 1):
                cp.wait()
        for cp in gathers(so, r + 1):
            cp.start()

    stage_rows(0)
    for cp in gathers(0, 0):
        cp.start()
    half(0, 0, 1, do_waitw=False)

    def pair(i, carry):
        r = 2 * i + 1
        half(r, 1, 0, do_waitw=True)
        half(r + 1, 0, 1, do_waitw=True)
        return carry

    lax.fori_loop(0, (ROWS_PER_W - 2) // 2, pair, 0)

    rlast = ROWS_PER_W - 1
    for cp in gathers(1, rlast):
        cp.wait()
    fixup(1)
    for cp in writes(1, b0 + rlast):
        cp.start()
    for cp in writes(0, b0 + rlast - 1):
        cp.wait()
    for cp in writes(1, b0 + rlast):
        cp.wait()


@jax.jit
def kernel(seq_inputs, e1_pos_inputs, e2_pos_inputs, we, wpe):
    run = pl.kernel(
        _body,
        mesh=plsc.VectorSubcoreMesh(core_axis_name="c", subcore_axis_name="s"),
        compiler_params=pltpu.CompilerParams(use_tc_tiling_on_sc=False,
                                             needs_layout_passes=False),
        out_type=jax.ShapeDtypeStruct((B, J, DOUT), jnp.float32),
        scratch_types=[
            pltpu.VMEM((RB, L), jnp.int32),
            pltpu.VMEM((RB, L), jnp.int32),
            pltpu.VMEM((RB, L), jnp.int32),
            pltpu.VMEM((1, DW), jnp.float32),
        ] + 2 * [
            pltpu.VMEM((J, DW), jnp.float32),
            pltpu.VMEM((J, DP), jnp.float32),
            pltpu.VMEM((J, DP), jnp.float32),
        ] + 4 * [pltpu.SemaphoreType.DMA],
    )
    return run(seq_inputs.astype(jnp.int32),
               e1_pos_inputs.astype(jnp.int32),
               e2_pos_inputs.astype(jnp.int32),
               we, wpe)

# --- scband reference (transcript-rebuilt; emitter-appended) ---
"""Pipeline reference for scband-encoder-layer-31653908972285 (READ-ONLY COPY).

The authoritative reference and input builder live on the scoring server;
editing this copy changes nothing except your own understanding.
"""

import jax, jax.numpy as jnp
import numpy as np

VOCAB_SIZE = 1000000
DW = 64
DP = 16
K = 3
INPUT_LEN = 200
BATCH = 4096
NUM_EXTRA = INPUT_LEN % K  # 2


def setup_inputs(seed: int = 0) -> dict:
    key = jax.random.key(seed)
    k1, k2, k3, k4, k5 = jax.random.split(key, 5)
    seq_inputs = jax.random.randint(k1, (BATCH, INPUT_LEN), 0, VOCAB_SIZE, dtype=jnp.int64 if jax.config.jax_enable_x64 else jnp.int32)
    e1_pos_inputs = jax.random.randint(k2, (BATCH, INPUT_LEN), 0, 2 * INPUT_LEN, dtype=seq_inputs.dtype)
    e2_pos_inputs = jax.random.randint(k3, (BATCH, INPUT_LEN), 0, 2 * INPUT_LEN, dtype=seq_inputs.dtype)
    we = jax.random.normal(k4, (VOCAB_SIZE, DW), dtype=jnp.float32) * 0.02
    wpe = jax.random.normal(k5, (2 * INPUT_LEN, DP), dtype=jnp.float32) * 0.02
    return {"seq_inputs": seq_inputs, "e1_pos_inputs": e1_pos_inputs, "e2_pos_inputs": e2_pos_inputs, "we": we, "wpe": wpe}


def _extra_sequence_padding(tensor):
    b = tensor.shape[0]
    padding = jnp.zeros((b, NUM_EXTRA), dtype=tensor.dtype)
    return jnp.concatenate([padding, tensor, padding], axis=1)


def _extra_pos_padding(tensor):
    head = jnp.repeat(tensor[:, 0:1], NUM_EXTRA, axis=1)
    tail = jnp.repeat(tensor[:, -1:], NUM_EXTRA, axis=1)
    return jnp.concatenate([head, tensor, tail], axis=1)


def reference(seq_inputs, e1_pos_inputs, e2_pos_inputs, we, wpe):
    seq = _extra_sequence_padding(seq_inputs)
    e1 = _extra_pos_padding(e1_pos_inputs)
    e2 = _extra_pos_padding(e2_pos_inputs)
    seq_emb = jnp.take(we, seq, axis=0)
    e1_pos_emb = jnp.take(wpe, e1, axis=0)
    e2_pos_emb = jnp.take(wpe, e2, axis=0)
    return jnp.concatenate([seq_emb, e1_pos_emb, e2_pos_emb], axis=-1)

if __name__ == "__main__":
    import jax
    _d = setup_inputs()
    print(jax.jit(kernel)(*tuple(_d.values())))

</pallas_src>

<mosaic_0001>
#map = affine_map<(d0, d1) -> (0, 0)>
#map1 = affine_map<(d0, d1) -> (0, 0, 0)>
module attributes {stable_mosaic.version = 14 : i64} {
  func.func @_body(%arg0: i32, %arg1: i32, %arg2: memref<4096x200xi32, #tpu.memory_space<hbm>>, %arg3: memref<4096x200xi32, #tpu.memory_space<hbm>>, %arg4: memref<4096x200xi32, #tpu.memory_space<hbm>>, %arg5: memref<1000000x64xf32, #tpu.memory_space<hbm>>, %arg6: memref<400x16xf32, #tpu.memory_space<hbm>>, %arg7: memref<4096x204x96xf32, #tpu.memory_space<hbm>>, %arg8: memref<16x200xi32, #tpu.memory_space<vmem>>, %arg9: memref<16x200xi32, #tpu.memory_space<vmem>>, %arg10: memref<16x200xi32, #tpu.memory_space<vmem>>, %arg11: memref<1x64xf32, #tpu.memory_space<vmem>>, %arg12: memref<204x64xf32, #tpu.memory_space<vmem>>, %arg13: memref<204x16xf32, #tpu.memory_space<vmem>>, %arg14: memref<204x16xf32, #tpu.memory_space<vmem>>, %arg15: memref<204x64xf32, #tpu.memory_space<vmem>>, %arg16: memref<204x16xf32, #tpu.memory_space<vmem>>, %arg17: memref<204x16xf32, #tpu.memory_space<vmem>>, %arg18: memref<!tpu.dma_semaphore, #tpu.memory_space<semaphore_mem>>, %arg19: memref<!tpu.dma_semaphore, #tpu.memory_space<semaphore_mem>>, %arg20: memref<!tpu.dma_semaphore, #tpu.memory_space<semaphore_mem>>, %arg21: memref<!tpu.dma_semaphore, #tpu.memory_space<semaphore_mem>>) attributes {dimension_semantics = [#tpu.dimension_semantics<core_parallel>, #tpu.dimension_semantics<subcore_parallel>], iteration_bounds = array<i64: 2, 16>, scalar_prefetch = 0 : i64, scratch_operands = 14 : i64, tpu.core_type = #tpu.core_type<sc_vector_subcore>, window_params = [{transform_indices = #map}, {transform_indices = #map}, {transform_indices = #map}, {transform_indices = #map}, {transform_indices = #map}, {transform_indices = #map1}]} {
    %mul3A = arith.constant 2 : i32
    %mul3A_0 = arith.muli %arg1, %mul3A : i32
    %add3A = arith.addi %mul3A_0, %arg0 : i32
    %mul3A_1 = arith.constant 128 : i32
    %mul3A_2 = arith.muli %add3A, %mul3A_1 : i32
    "tpu.region"() ({
      %run_scoped3A = tpu.sem_alloc : memref<!tpu.dma_semaphore, #tpu.memory_space<semaphore_mem>>
      %dma_start3A_589 = arith.constant 0 : i32
      %dma_start3A_590 = arith.constant 0 : i32
      %dma_start3A_591 = tpu.memref_slice %arg5[%dma_start3A_589, %dma_start3A_590] : memref<1000000x64xf32, #tpu.memory_space<hbm>> -> memref<1x64xf32, #tpu.memory_space<hbm>>
      %dma_start3A_592 = arith.constant 0 : i32
      %dma_start3A_593 = arith.constant 0 : i32
      %dma_start3A_594 = tpu.memref_slice %arg5[%dma_start3A_592, %dma_start3A_593] : memref<1000000x64xf32, #tpu.memory_space<hbm>> -> memref<1x64xf32, #tpu.memory_space<hbm>>
      tpu.enqueue_dma source(%dma_start3A_594 : memref<1x64xf32, #tpu.memory_space<hbm>>) target(%arg11 : memref<1x64xf32, #tpu.memory_space<vmem>>) target_semaphore(%run_scoped3A : memref<!tpu.dma_semaphore, #tpu.memory_space<semaphore_mem>>)
      %dma_wait3A_595 = arith.constant 0 : i32
      %dma_wait3A_596 = arith.constant 0 : i32
      %dma_wait3A_597 = tpu.memref_slice %arg5[%dma_wait3A_595, %dma_wait3A_596] : memref<1000000x64xf32, #tpu.memory_space<hbm>> -> memref<1x64xf32, #tpu.memory_space<hbm>>
      %dma_wait3A_598 = arith.constant 0 : i32
      %dma_wait3A_599 = arith.constant 0 : i32
      %dma_wait3A_600 = tpu.memref_slice %arg5[%dma_wait3A_598, %dma_wait3A_599] : memref<1000000x64xf32, #tpu.memory_space<hbm>> -> memref<1x64xf32, #tpu.memory_space<hbm>>
      tpu.wait_dma2 semaphore(%run_scoped3A : memref<!tpu.dma_semaphore, #tpu.memory_space<semaphore_mem>>) src(%dma_wait3A_600 : memref<1x64xf32, #tpu.memory_space<hbm>>) dst(%arg11 : memref<1x64xf32, #tpu.memory_space<vmem>>)
      tpu.yield
    }) : () -> ()
    %get3A = arith.constant 0 : i32
    %get3A_3 = arith.index_cast %get3A : i32 to index
    %get3A_4 = arith.constant 0 : index
    %get3A_5 = tpu.vector_load %arg11[%get3A_3, %get3A_4] {strides = array<i32>} : memref<1x64xf32, #tpu.memory_space<vmem>>, vector<16xf32>,
    %swap3A = arith.constant 0 : i32
    %swap3A_6 = arith.index_cast %swap3A : i32 to index
    %swap3A_7 = arith.constant 0 : index
    %swap3A_8 = tpu.vector_load %arg12[%swap3A_6, %swap3A_7] {strides = array<i32>} : memref<204x64xf32, #tpu.memory_space<vmem>>, vector<16xf32>,
    tpu.vector_store %arg12[%swap3A_6, %swap3A_7], %get3A_5 {strides = array<i32>} : memref<204x64xf32, #tpu.memory_space<vmem>>, vector<16xf32>,
    %swap3A_9 = arith.constant 1 : i32
    %swap3A_10 = arith.index_cast %swap3A_9 : i32 to index
    %swap3A_11 = arith.constant 0 : index
    %swap3A_12 = tpu.vector_load %arg12[%swap3A_10, %swap3A_11] {strides = array<i32>} : memref<204x64xf32, #tpu.memory_space<vmem>>, vector<16xf32>,
    tpu.vector_store %arg12[%swap3A_10, %swap3A_11], %get3A_5 {strides = array<i32>} : memref<204x64xf32, #tpu.memory_space<vmem>>, vector<16xf32>,
    %swap3A_13 = arith.constant 202 : i32
    %swap3A_14 = arith.index_cast %swap3A_13 : i32 to index
    %swap3A_15 = arith.constant 0 : index
    %swap3A_16 = tpu.vector_load %arg12[%swap3A_14, %swap3A_15] {strides = array<i32>} : memref<204x64xf32, #tpu.memory_space<vmem>>, vector<16xf32>,
    tpu.vector_store %arg12[%swap3A_14, %swap3A_15], %get3A_5 {strides = array<i32>} : memref<204x64xf32, #tpu.memory_space<vmem>>, vector<16xf32>,
    %swap3A_17 = arith.constant 203 : i32
    %swap3A_18 = arith.index_cast %swap3A_17 : i32 to index
    %swap3A_19 = arith.constant 0 : index
    %swap3A_20 = tpu.vector_load %arg12[%swap3A_18, %swap3A_19] {strides = array<i32>} : memref<204x64xf32, #tpu.memory_space<vmem>>, vector<16xf32>,
    tpu.vector_store %arg12[%swap3A_18, %swap3A_19], %get3A_5 {strides = array<i32>} : memref<204x64xf32, #tpu.memory_space<vmem>>, vector<16xf32>,
    %swap3A_21 = arith.constant 0 : i32
    %swap3A_22 = arith.index_cast %swap3A_21 : i32 to index
    %swap3A_23 = arith.constant 0 : index
    %swap3A_24 = tpu.vector_load %arg15[%swap3A_22, %swap3A_23] {strides = array<i32>} : memref<204x64xf32, #tpu.memory_space<vmem>>, vector<16xf32>,
    tpu.vector_store %arg15[%swap3A_22, %swap3A_23], %get3A_5 {strides = array<i32>} : memref<204x64xf32, #tpu.memory_space<vmem>>, vector<16xf32>,
    %swap3A_25 = arith.constant 1 : i32
    %swap3A_26 = arith.index_cast %swap3A_25 : i32 to index
    %swap3A_27 = arith.constant 0 : index
    %swap3A_28 = tpu.vector_load %arg15[%swap3A_26, %swap3A_27] {strides = array<i32>} : memref<204x64xf32, #tpu.memory_space<vmem>>, vector<16xf32>,
    tpu.vector_store %arg15[%swap3A_26, %swap3A_27], %get3A_5 {strides = array<i32>} : memref<204x64xf32, #tpu.memory_space<vmem>>, vector<16xf32>,
    %swap3A_29 = arith.constant 202 : i32
    %swap3A_30 = arith.index_cast %swap3A_29 : i32 to index
    %swap3A_31 = arith.constant 0 : index
    %swap3A_32 = tpu.vector_load %arg15[%swap3A_30, %swap3A_31] {strides = array<i32>} : memref<204x64xf32, #tpu.memory_space<vmem>>, vector<16xf32>,
    tpu.vector_store %arg15[%swap3A_30, %swap3A_31], %get3A_5 {strides = array<i32>} : memref<204x64xf32, #tpu.memory_space<vmem>>, vector<16xf32>,
    %swap3A_33 = arith.constant 203 : i32
    %swap3A_34 = arith.index_cast %swap3A_33 : i32 to index
    %swap3A_35 = arith.constant 0 : index
    %swap3A_36 = tpu.vector_load %arg15[%swap3A_34, %swap3A_35] {strides = array<i32>} : memref<204x64xf32, #tpu.memory_space<vmem>>, vector<16xf32>,
    tpu.vector_store %arg15[%swap3A_34, %swap3A_35], %get3A_5 {strides = array<i32>} : memref<204x64xf32, #tpu.memory_space<vmem>>, vector<16xf32>,
    %get3A_37 = arith.constant 0 : i32
    %get3A_38 = arith.index_cast %get3A_37 : i32 to index
    %get3A_39 = arith.constant 16 : index
    %get3A_40 = tpu.vector_load %arg11[%get3A_38, %get3A_39] {strides = array<i32>} : memref<1x64xf32, #tpu.memory_space<vmem>>, vector<16xf32>,
    %swap3A_41 = arith.constant 0 : i32
    %swap3A_42 = arith.index_cast %swap3A_41 : i32 to index
    %swap3A_43 = arith.constant 16 : index
    %swap3A_44 = tpu.vector_load %arg12[%swap3A_42, %swap3A_43] {strides = array<i32>} : memref<204x64xf32, #tpu.memory_space<vmem>>, vector<16xf32>,
    tpu.vector_store %arg12[%swap3A_42, %swap3A_43], %get3A_40 {strides = array<i32>} : memref<204x64xf32, #tpu.memory_space<vmem>>, vector<16xf32>,
    %swap3A_45 = arith.constant 1 : i32
    %swap3A_46 = arith.index_cast %swap3A_45 : i32 to index
    %swap3A_47 = arith.constant 16 : index
    %swap3A_48 = tpu.vector_load %arg12[%swap3A_46, %swap3A_47] {strides = array<i32>} : memref<204x64xf32, #tpu.memory_space<vmem>>, vector<16xf32>,
    tpu.vector_store %arg12[%swap3A_46, %swap3A_47], %get3A_40 {strides = array<i32>} : memref<204x64xf32, #tpu.memory_space<vmem>>, vector<16xf32>,
    %swap3A_49 = arith.constant 202 : i32
    %swap3A_50 = arith.index_cast %swap3A_49 : i32 to index
    %swap3A_51 = arith.constant 16 : index
    %swap3A_52 = tpu.vector_load %arg12[%swap3A_50, %swap3A_51] {strides = array<i32>} : memref<204x64xf32, #tpu.memory_space<vmem>>, vector<16xf32>,
    tpu.vector_store %arg12[%swap3A_50, %swap3A_51], %get3A_40 {strides = array<i32>} : memref<204x64xf32, #tpu.memory_space<vmem>>, vector<16xf32>,
    %swap3A_53 = arith.constant 203 : i32
    %swap3A_54 = arith.index_cast %swap3A_53 : i32 to index
    %swap3A_55 = arith.constant 16 : index
    %swap3A_56 = tpu.vector_load %arg12[%swap3A_54, %swap3A_55] {strides = array<i32>} : memref<204x64xf32, #tpu.memory_space<vmem>>, vector<16xf32>,
    tpu.vector_store %arg12[%swap3A_54, %swap3A_55], %get3A_40 {strides = array<i32>} : memref<204x64xf32, #tpu.memory_space<vmem>>, vector<16xf32>,
    %swap3A_57 = arith.constant 0 : i32
    %swap3A_58 = arith.index_cast %swap3A_57 : i32 to index
    %swap3A_59 = arith.constant 16 : index
    %swap3A_60 = tpu.vector_load %arg15[%swap3A_58, %swap3A_59] {strides = array<i32>} : memref<204x64xf32, #tpu.memory_space<vmem>>, vector<16xf32>,
    tpu.vector_store %arg15[%swap3A_58, %swap3A_59], %get3A_40 {strides = array<i32>} : memref<204x64xf32, #tpu.memory_space<vmem>>, vector<16xf32>,
    %swap3A_61 = arith.constant 1 : i32
    %swap3A_62 = arith.index_cast %swap3A_61 : i32 to index
    %swap3A_63 = arith.constant 16 : index
    %swap3A_64 = tpu.vector_load %arg15[%swap3A_62, %swap3A_63] {strides = array<i32>} : memref<204x64xf32, #tpu.memory_space<vmem>>, vector<16xf32>,
    tpu.vector_store %arg15[%swap3A_62, %swap3A_63], %get3A_40 {strides = array<i32>} : memref<204x64xf32, #tpu.memory_space<vmem>>, vector<16xf32>,
    %swap3A_65 = arith.constant 202 : i32
    %swap3A_66 = arith.index_cast %swap3A_65 : i32 to index
    %swap3A_67 = arith.constant 16 : index
    %swap3A_68 = tpu.vector_load %arg15[%swap3A_66, %swap3A_67] {strides = array<i32>} : memref<204x64xf32, #tpu.memory_space<vmem>>, vector<16xf32>,
    tpu.vector_store %arg15[%swap3A_66, %swap3A_67], %get3A_40 {strides = array<i32>} : memref<204x64xf32, #tpu.memory_space<vmem>>, vector<16xf32>,
    %swap3A_69 = arith.constant 203 : i32
    %swap3A_70 = arith.index_cast %swap3A_69 : i32 to index
    %swap3A_71 = arith.constant 16 : index
    %swap3A_72 = tpu.vector_load %arg15[%swap3A_70, %swap3A_71] {strides = array<i32>} : memref<204x64xf32, #tpu.memory_space<vmem>>, vector<16xf32>,
    tpu.vector_store %arg15[%swap3A_70, %swap3A_71], %get3A_40 {strides = array<i32>} : memref<204x64xf32, #tpu.memory_space<vmem>>, vector<16xf32>,
    %get3A_73 = arith.constant 0 : i32
    %get3A_74 = arith.index_cast %get3A_73 : i32 to index
    %get3A_75 = arith.constant 32 : index
    %get3A_76 = tpu.vector_load %arg11[%get3A_74, %get3A_75] {strides = array<i32>} : memref<1x64xf32, #tpu.memory_space<vmem>>, vector<16xf32>,
    %swap3A_77 = arith.constant 0 : i32
    %swap3A_78 = arith.index_cast %swap3A_77 : i32 to index
    %swap3A_79 = arith.constant 32 : index
    %swap3A_80 = tpu.vector_load %arg12[%swap3A_78, %swap3A_79] {strides = array<i32>} : memref<204x64xf32, #tpu.memory_space<vmem>>, vector<16xf32>,
    tpu.vector_store %arg12[%swap3A_78, %swap3A_79], %get3A_76 {strides = array<i32>} : memref<204x64xf32, #tpu.memory_space<vmem>>, vector<16xf32>,
    %swap3A_81 = arith.constant 1 : i32
    %swap3A_82 = arith.index_cast %swap3A_81 : i32 to index
    %swap3A_83 = arith.constant 32 : index
    %swap3A_84 = tpu.vector_load %arg12[%swap3A_82, %swap3A_83] {strides = array<i32>} : memref<204x64xf32, #tpu.memory_space<vmem>>, vector<16xf32>,
    tpu.vector_store %arg12[%swap3A_82, %swap3A_83], %get3A_76 {strides = array<i32>} : memref<204x64xf32, #tpu.memory_space<vmem>>, vector<16xf32>,
    %swap3A_85 = arith.constant 202 : i32
    %swap3A_86 = arith.index_cast %swap3A_85 : i32 to index
    %swap3A_87 = arith.constant 32 : index
    %swap3A_88 = tpu.vector_load %arg12[%swap3A_86, %swap3A_87] {strides = array<i32>} : memref<204x64xf32, #tpu.memory_space<vmem>>, vector<16xf32>,
    tpu.vector_store %arg12[%swap3A_86, %swap3A_87], %get3A_76 {strides = array<i32>} : memref<204x64xf32, #tpu.memory_space<vmem>>, vector<16xf32>,
    %swap3A_89 = arith.constant 203 : i32
    %swap3A_90 = arith.index_cast %swap3A_89 : i32 to index
    %swap3A_91 = arith.constant 32 : index
    %swap3A_92 = tpu.vector_load %arg12[%swap3A_90, %swap3A_91] {strides = array<i32>} : memref<204x64xf32, #tpu.memory_space<vmem>>, vector<16xf32>,
    tpu.vector_store %arg12[%swap3A_90, %swap3A_91], %get3A_76 {strides = array<i32>} : memref<204x64xf32, #tpu.memory_space<vmem>>, vector<16xf32>,
    %swap3A_93 = arith.constant 0 : i32
    %swap3A_94 = arith.index_cast %swap3A_93 : i32 to index
    %swap3A_95 = arith.constant 32 : index
    %swap3A_96 = tpu.vector_load %arg15[%swap3A_94, %swap3A_95] {strides = array<i32>} : memref<204x64xf32, #tpu.memory_space<vmem>>, vector<16xf32>,
    tpu.vector_store %arg15[%swap3A_94, %swap3A_95], %get3A_76 {strides = array<i32>} : memref<204x64xf32, #tpu.memory_space<vmem>>, vector<16xf32>,
    %swap3A_97 = arith.constant 1 : i32
    %swap3A_98 = arith.index_cast %swap3A_97 : i32 to index
    %swap3A_99 = arith.constant 32 : index
    %swap3A_100 = tpu.vector_load %arg15[%swap3A_98, %swap3A_99] {strides = array<i32>} : memref<204x64xf32, #tpu.memory_space<vmem>>, vector<16xf32>,
    tpu.vector_store %arg15[%swap3A_98, %swap3A_99], %get3A_76 {strides = array<i32>} : memref<204x64xf32, #tpu.memory_space<vmem>>, vector<16xf32>,
    %swap3A_101 = arith.constant 202 : i32
    %swap3A_102 = arith.index_cast %swap3A_101 : i32 to index
    %swap3A_103 = arith.constant 32 : index
    %swap3A_104 = tpu.vector_load %arg15[%swap3A_102, %swap3A_103] {strides = array<i32>} : memref<204x64xf32, #tpu.memory_space<vmem>>, vector<16xf32>,
    tpu.vector_store %arg15[%swap3A_102, %swap3A_103], %get3A_76 {strides = array<i32>} : memref<204x64xf32, #tpu.memory_space<vmem>>, vector<16xf32>,
    %swap3A_105 = arith.constant 203 : i32
    %swap3A_106 = arith.index_cast %swap3A_105 : i32 to index
    %swap3A_107 = arith.constant 32 : index
    %swap3A_108 = tpu.vector_load %arg15[%swap3A_106, %swap3A_107] {strides = array<i32>} : memref<204x64xf32, #tpu.memory_space<vmem>>, vector<16xf32>,
    tpu.vector_store %arg15[%swap3A_106, %swap3A_107], %get3A_76 {strides = array<i32>} : memref<204x64xf32, #tpu.memory_space<vmem>>, vector<16xf32>,
    %get3A_109 = arith.constant 0 : i32
    %get3A_110 = arith.index_cast %get3A_109 : i32 to index
    %get3A_111 = arith.constant 48 : index
    %get3A_112 = tpu.vector_load %arg11[%get3A_110, %get3A_111] {strides = array<i32>} : memref<1x64xf32, #tpu.memory_space<vmem>>, vector<16xf32>,
    %swap3A_113 = arith.constant 0 : i32
    %swap3A_114 = arith.index_cast %swap3A_113 : i32 to index
    %swap3A_115 = arith.constant 48 : index
    %swap3A_116 = tpu.vector_load %arg12[%swap3A_114, %swap3A_115] {strides = array<i32>} : memref<204x64xf32, #tpu.memory_space<vmem>>, vector<16xf32>,
    tpu.vector_store %arg12[%swap3A_114, %swap3A_115], %get3A_112 {strides = array<i32>} : memref<204x64xf32, #tpu.memory_space<vmem>>, vector<16xf32>,
    %swap3A_117 = arith.constant 1 : i32
    %swap3A_118 = arith.index_cast %swap3A_117 : i32 to index
    %swap3A_119 = arith.constant 48 : index
    %swap3A_120 = tpu.vector_load %arg12[%swap3A_118, %swap3A_119] {strides = array<i32>} : memref<204x64xf32, #tpu.memory_space<vmem>>, vector<16xf32>,
    tpu.vector_store %arg12[%swap3A_118, %swap3A_119], %get3A_112 {strides = array<i32>} : memref<204x64xf32, #tpu.memory_space<vmem>>, vector<16xf32>,
    %swap3A_121 = arith.constant 202 : i32
    %swap3A_122 = arith.index_cast %swap3A_121 : i32 to index
    %swap3A_123 = arith.constant 48 : index
    %swap3A_124 = tpu.vector_load %arg12[%swap3A_122, %swap3A_123] {strides = array<i32>} : memref<204x64xf32, #tpu.memory_space<vmem>>, vector<16xf32>,
    tpu.vector_store %arg12[%swap3A_122, %swap3A_123], %get3A_112 {strides = array<i32>} : memref<204x64xf32, #tpu.memory_space<vmem>>, vector<16xf32>,
    %swap3A_125 = arith.constant 203 : i32
    %swap3A_126 = arith.index_cast %swap3A_125 : i32 to index
    %swap3A_127 = arith.constant 48 : index
    %swap3A_128 = tpu.vector_load %arg12[%swap3A_126, %swap3A_127] {strides = array<i32>} : memref<204x64xf32, #tpu.memory_space<vmem>>, vector<16xf32>,
    tpu.vector_store %arg12[%swap3A_126, %swap3A_127], %get3A_112 {strides = array<i32>} : memref<204x64xf32, #tpu.memory_space<vmem>>, vector<16xf32>,
    %swap3A_129 = arith.constant 0 : i32
    %swap3A_130 = arith.index_cast %swap3A_129 : i32 to index
    %swap3A_131 = arith.constant 48 : index
    %swap3A_132 = tpu.vector_load %arg15[%swap3A_130, %swap3A_131] {strides = array<i32>} : memref<204x64xf32, #tpu.memory_space<vmem>>, vector<16xf32>,
    tpu.vector_store %arg15[%swap3A_130, %swap3A_131], %get3A_112 {strides = array<i32>} : memref<204x64xf32, #tpu.memory_space<vmem>>, vector<16xf32>,
    %swap3A_133 = arith.constant 1 : i32
    %swap3A_134 = arith.index_cast %swap3A_133 : i32 to index
    %swap3A_135 = arith.constant 48 : index
    %swap3A_136 = tpu.vector_load %arg15[%swap3A_134, %swap3A_135] {strides = array<i32>} : memref<204x64xf32, #tpu.memory_space<vmem>>, vector<16xf32>,
    tpu.vector_store %arg15[%swap3A_134, %swap3A_135], %get3A_112 {strides = array<i32>} : memref<204x64xf32, #tpu.memory_space<vmem>>, vector<16xf32>,
    %swap3A_137 = arith.constant 202 : i32
    %swap3A_138 = arith.index_cast %swap3A_137 : i32 to index
    %swap3A_139 = arith.constant 48 : index
    %swap3A_140 = tpu.vector_load %arg15[%swap3A_138, %swap3A_139] {strides = array<i32>} : memref<204x64xf32, #tpu.memory_space<vmem>>, vector<16xf32>,
    tpu.vector_store %arg15[%swap3A_138, %swap3A_139], %get3A_112 {strides = array<i32>} : memref<204x64xf32, #tpu.memory_space<vmem>>, vector<16xf32>,
    %swap3A_141 = arith.constant 203 : i32
    %swap3A_142 = arith.index_cast %swap3A_141 : i32 to index
    %swap3A_143 = arith.constant 48 : index
    %swap3A_144 = tpu.vector_load %arg15[%swap3A_142, %swap3A_143] {strides = array<i32>} : memref<204x64xf32, #tpu.memory_space<vmem>>, vector<16xf32>,
    tpu.vector_store %arg15[%swap3A_142, %swap3A_143], %get3A_112 {strides = array<i32>} : memref<204x64xf32, #tpu.memory_space<vmem>>, vector<16xf32>,
    %rem3A = arith.constant 0 : i32
    %rem3A_145 = arith.constant 16 : i32
    %rem3A_146 = arith.remsi %rem3A, %rem3A_145 : i32
    %eq3A = arith.constant 0 : i32
    %eq3A_147 = arith.cmpi eq, %rem3A_146, %eq3A : i32
    %convert_element_type3A = arith.extui %eq3A_147 : i1 to i32
    %cond3A = arith.constant 0 : i32
    %cond3A_148 = arith.cmpi ne, %convert_element_type3A, %cond3A : i32
    scf.if %cond3A_148 {
      %add3A_589 = arith.constant 0 : i32
      %add3A_590 = arith.addi %mul3A_2, %add3A_589 : i32
      %multiple_of3A = tpu.assume_multiple %add3A_590, 16 : i32
      "tpu.region"() ({
        %run_scoped3A = tpu.sem_alloc : memref<!tpu.dma_semaphore, #tpu.memory_space<semaphore_mem>>
        %dma_start3A_591 = arith.constant 0 : i32
        %dma_start3A_592 = tpu.memref_slice %arg2[%multiple_of3A, %dma_start3A_591] : memref<4096x200xi32, #tpu.memory_space<hbm>> -> memref<16x200xi32, #tpu.memory_space<hbm>>
        %dma_start3A_593 = arith.constant 0 : i32
        %dma_start3A_594 = tpu.memref_slice %arg2[%multiple_of3A, %dma_start3A_593] : memref<4096x200xi32, #tpu.memory_space<hbm>> -> memref<16x200xi32, #tpu.memory_space<hbm>>
        tpu.enqueue_dma source(%dma_start3A_594 : memref<16x200xi32, #tpu.memory_space<hbm>>) target(%arg8 : memref<16x200xi32, #tpu.memory_space<vmem>>) target_semaphore(%run_scoped3A : memref<!tpu.dma_semaphore, #tpu.memory_space<semaphore_mem>>)
        %dma_wait3A_595 = arith.constant 0 : i32
        %dma_wait3A_596 = tpu.memref_slice %arg2[%multiple_of3A, %dma_wait3A_595] : memref<4096x200xi32, #tpu.memory_space<hbm>> -> memref<16x200xi32, #tpu.memory_space<hbm>>
        %dma_wait3A_597 = arith.constant 0 : i32
        %dma_wait3A_598 = tpu.memref_slice %arg2[%multiple_of3A, %dma_wait3A_597] : memref<4096x200xi32, #tpu.memory_space<hbm>> -> memref<16x200xi32, #tpu.memory_space<hbm>>
        tpu.wait_dma2 semaphore(%run_scoped3A : memref<!tpu.dma_semaphore, #tpu.memory_space<semaphore_mem>>) src(%dma_wait3A_598 : memref<16x200xi32, #tpu.memory_space<hbm>>) dst(%arg8 : memref<16x200xi32, #tpu.memory_space<vmem>>)
        tpu.yield
      }) : () -> ()
      "tpu.region"() ({
        %run_scoped3A = tpu.sem_alloc : memref<!tpu.dma_semaphore, #tpu.memory_space<semaphore_mem>>
        %dma_start3A_591 = arith.constant 0 : i32
        %dma_start3A_592 = tpu.memref_slice %arg3[%multiple_of3A, %dma_start3A_591] : memref<4096x200xi32, #tpu.memory_space<hbm>> -> memref<16x200xi32, #tpu.memory_space<hbm>>
        %dma_start3A_593 = arith.constant 0 : i32
        %dma_start3A_594 = tpu.memref_slice %arg3[%multiple_of3A, %dma_start3A_593] : memref<4096x200xi32, #tpu.memory_space<hbm>> -> memref<16x200xi32, #tpu.memory_space<hbm>>
        tpu.enqueue_dma source(%dma_start3A_594 : memref<16x200xi32, #tpu.memory_space<hbm>>) target(%arg9 : memref<16x200xi32, #tpu.memory_space<vmem>>) target_semaphore(%run_scoped3A : memref<!tpu.dma_semaphore, #tpu.memory_space<semaphore_mem>>)
        %dma_wait3A_595 = arith.constant 0 : i32
        %dma_wait3A_596 = tpu.memref_slice %arg3[%multiple_of3A, %dma_wait3A_595] : memref<4096x200xi32, #tpu.memory_space<hbm>> -> memref<16x200xi32, #tpu.memory_space<hbm>>
        %dma_wait3A_597 = arith.constant 0 : i32
        %dma_wait3A_598 = tpu.memref_slice %arg3[%multiple_of3A, %dma_wait3A_597] : memref<4096x200xi32, #tpu.memory_space<hbm>> -> memref<16x200xi32, #tpu.memory_space<hbm>>
        tpu.wait_dma2 semaphore(%run_scoped3A : memref<!tpu.dma_semaphore, #tpu.memory_space<semaphore_mem>>) src(%dma_wait3A_598 : memref<16x200xi32, #tpu.memory_space<hbm>>) dst(%arg9 : memref<16x200xi32, #tpu.memory_space<vmem>>)
        tpu.yield
      }) : () -> ()
      "tpu.region"() ({
        %run_scoped3A = tpu.sem_alloc : memref<!tpu.dma_semaphore, #tpu.memory_space<semaphore_mem>>
        %dma_start3A_591 = arith.constant 0 : i32
        %dma_start3A_592 = tpu.memref_slice %arg4[%multiple_of3A, %dma_start3A_591] : memref<4096x200xi32, #tpu.memory_space<hbm>> -> memref<16x200xi32, #tpu.memory_space<hbm>>
        %dma_start3A_593 = arith.constant 0 : i32
        %dma_start3A_594 = tpu.memref_slice %arg4[%multiple_of3A, %dma_start3A_593] : memref<4096x200xi32, #tpu.memory_space<hbm>> -> memref<16x200xi32, #tpu.memory_space<hbm>>
        tpu.enqueue_dma source(%dma_start3A_594 : memref<16x200xi32, #tpu.memory_space<hbm>>) target(%arg10 : memref<16x200xi32, #tpu.memory_space<vmem>>) target_semaphore(%run_scoped3A : memref<!tpu.dma_semaphore, #tpu.memory_space<semaphore_mem>>)
        %dma_wait3A_595 = arith.constant 0 : i32
        %dma_wait3A_596 = tpu.memref_slice %arg4[%multiple_of3A, %dma_wait3A_595] : memref<4096x200xi32, #tpu.memory_space<hbm>> -> memref<16x200xi32, #tpu.memory_space<hbm>>
        %dma_wait3A_597 = arith.constant 0 : i32
        %dma_wait3A_598 = tpu.memref_slice %arg4[%multiple_of3A, %dma_wait3A_597] : memref<4096x200xi32, #tpu.memory_space<hbm>> -> memref<16x200xi32, #tpu.memory_space<hbm>>
        tpu.wait_dma2 semaphore(%run_scoped3A : memref<!tpu.dma_semaphore, #tpu.memory_space<semaphore_mem>>) src(%dma_wait3A_598 : memref<16x200xi32, #tpu.memory_space<hbm>>) dst(%arg10 : memref<16x200xi32, #tpu.memory_space<vmem>>)
        tpu.yield
      }) : () -> ()
    } else {
    }
    %rem3A_149 = arith.constant 0 : i32
    %rem3A_150 = arith.constant 16 : i32
    %rem3A_151 = arith.remsi %rem3A_149, %rem3A_150 : i32
    %dma_start3A = arith.constant 2 : i32
    %dma_start3A_152 = arith.constant 0 : i32
    %dma_start3A_153 = tpu.memref_slice %arg12[%dma_start3A, %dma_start3A_152] : memref<204x64xf32, #tpu.memory_space<vmem>> -> memref<104x64xf32, #tpu.memory_space<vmem>>
    %dma_start3A_154 = arith.constant 0 : i32
    %dma_start3A_155 = tpu.memref_slice %arg8[%rem3A_151, %dma_start3A_154] : memref<16x200xi32, #tpu.memory_space<vmem>> -> memref<1x104xi32, #tpu.memory_space<vmem>>
    %dma_start3A_156 = tpu.memref_squeeze %dma_start3A_155 : memref<1x104xi32, #tpu.memory_space<vmem>> -> memref<104xi32, #tpu.memory_space<vmem>>
    %dma_start3A_157 = arith.constant 0 : i32
    %dma_start3A_158 = arith.constant 0 : i32
    %dma_start3A_159 = tpu.memref_slice %arg5[%dma_start3A_157, %dma_start3A_158] : memref<1000000x64xf32, #tpu.memory_space<hbm>> -> memref<1000000x64xf32, #tpu.memory_space<hbm>>
    tpu.enqueue_indirect_dma source(%dma_start3A_159 : memref<1000000x64xf32, #tpu.memory_space<hbm>>) target(%dma_start3A_153 : memref<104x64xf32, #tpu.memory_space<vmem>>) offsets(%dma_start3A_156 : memref<104xi32, #tpu.memory_space<vmem>>) semaphore(%arg18 : memref<!tpu.dma_semaphore, #tpu.memory_space<semaphore_mem>>)
    %dma_start3A_160 = arith.constant 2 : i32
    %dma_start3A_161 = arith.constant 0 : i32
    %dma_start3A_162 = tpu.memref_slice %arg13[%dma_start3A_160, %dma_start3A_161] : memref<204x16xf32, #tpu.memory_space<vmem>> -> memref<104x16xf32, #tpu.memory_space<vmem>>
    %dma_start3A_163 = arith.constant 0 : i32
    %dma_start3A_164 = tpu.memref_slice %arg9[%rem3A_151, %dma_start3A_163] : memref<16x200xi32, #tpu.memory_space<vmem>> -> memref<1x104xi32, #tpu.memory_space<vmem>>
    %dma_start3A_165 = tpu.memref_squeeze %dma_start3A_164 : memref<1x104xi32, #tpu.memory_space<vmem>> -> memref<104xi32, #tpu.memory_space<vmem>>
    %dma_start3A_166 = arith.constant 0 : i32
    %dma_start3A_167 = arith.constant 0 : i32
    %dma_start3A_168 = tpu.memref_slice %arg6[%dma_start3A_166, %dma_start3A_167] : memref<400x16xf32, #tpu.memory_space<hbm>> -> memref<400x16xf32, #tpu.memory_space<hbm>>
    tpu.enqueue_indirect_dma source(%dma_start3A_168 : memref<400x16xf32, #tpu.memory_space<hbm>>) target(%dma_start3A_162 : memref<104x16xf32, #tpu.memory_space<vmem>>) offsets(%dma_start3A_165 : memref<104xi32, #tpu.memory_space<vmem>>) semaphore(%arg18 : memref<!tpu.dma_semaphore, #tpu.memory_space<semaphore_mem>>)
    %dma_start3A_169 = arith.constant 2 : i32
    %dma_start3A_170 = arith.constant 0 : i32
    %dma_start3A_171 = tpu.memref_slice %arg14[%dma_start3A_169, %dma_start3A_170] : memref<204x16xf32, #tpu.memory_space<vmem>> -> memref<104x16xf32, #tpu.memory_space<vmem>>
    %dma_start3A_172 = arith.constant 0 : i32
    %dma_start3A_173 = tpu.memref_slice %arg10[%rem3A_151, %dma_start3A_172] : memref<16x200xi32, #tpu.memory_space<vmem>> -> memref<1x104xi32, #tpu.memory_space<vmem>>
    %dma_start3A_174 = tpu.memref_squeeze %dma_start3A_173 : memref<1x104xi32, #tpu.memory_space<vmem>> -> memref<104xi32, #tpu.memory_space<vmem>>
    %dma_start3A_175 = arith.constant 0 : i32
    %dma_start3A_176 = arith.constant 0 : i32
    %dma_start3A_177 = tpu.memref_slice %arg6[%dma_start3A_175, %dma_start3A_176] : memref<400x16xf32, #tpu.memory_space<hbm>> -> memref<400x16xf32, #tpu.memory_space<hbm>>
    tpu.enqueue_indirect_dma source(%dma_start3A_177 : memref<400x16xf32, #tpu.memory_space<hbm>>) target(%dma_start3A_171 : memref<104x16xf32, #tpu.memory_space<vmem>>) offsets(%dma_start3A_174 : memref<104xi32, #tpu.memory_space<vmem>>) semaphore(%arg18 : memref<!tpu.dma_semaphore, #tpu.memory_space<semaphore_mem>>)
    %dma_start3A_178 = arith.constant 106 : i32
    %dma_start3A_179 = arith.constant 0 : i32
    %dma_start3A_180 = tpu.memref_slice %arg12[%dma_start3A_178, %dma_start3A_179] : memref<204x64xf32, #tpu.memory_space<vmem>> -> memref<96x64xf32, #tpu.memory_space<vmem>>
    %dma_start3A_181 = arith.constant 104 : i32
    %dma_start3A_182 = tpu.memref_slice %arg8[%rem3A_151, %dma_start3A_181] : memref<16x200xi32, #tpu.memory_space<vmem>> -> memref<1x96xi32, #tpu.memory_space<vmem>>
    %dma_start3A_183 = tpu.memref_squeeze %dma_start3A_182 : memref<1x96xi32, #tpu.memory_space<vmem>> -> memref<96xi32, #tpu.memory_space<vmem>>
    %dma_start3A_184 = arith.constant 0 : i32
    %dma_start3A_185 = arith.constant 0 : i32
    %dma_start3A_186 = tpu.memref_slice %arg5[%dma_start3A_184, %dma_start3A_185] : memref<1000000x64xf32, #tpu.memory_space<hbm>> -> memref<1000000x64xf32, #tpu.memory_space<hbm>>
    tpu.enqueue_indirect_dma source(%dma_start3A_186 : memref<1000000x64xf32, #tpu.memory_space<hbm>>) target(%dma_start3A_180 : memref<96x64xf32, #tpu.memory_space<vmem>>) offsets(%dma_start3A_183 : memref<96xi32, #tpu.memory_space<vmem>>) semaphore(%arg18 : memref<!tpu.dma_semaphore, #tpu.memory_space<semaphore_mem>>)
    %dma_start3A_187 = arith.constant 106 : i32
    %dma_start3A_188 = arith.constant 0 : i32
    %dma_start3A_189 = tpu.memref_slice %arg13[%dma_start3A_187, %dma_start3A_188] : memref<204x16xf32, #tpu.memory_space<vmem>> -> memref<96x16xf32, #tpu.memory_space<vmem>>
    %dma_start3A_190 = arith.constant 104 : i32
    %dma_start3A_191 = tpu.memref_slice %arg9[%rem3A_151, %dma_start3A_190] : memref<16x200xi32, #tpu.memory_space<vmem>> -> memref<1x96xi32, #tpu.memory_space<vmem>>
    %dma_start3A_192 = tpu.memref_squeeze %dma_start3A_191 : memref<1x96xi32, #tpu.memory_space<vmem>> -> memref<96xi32, #tpu.memory_space<vmem>>
    %dma_start3A_193 = arith.constant 0 : i32
    %dma_start3A_194 = arith.constant 0 : i32
    %dma_start3A_195 = tpu.memref_slice %arg6[%dma_start3A_193, %dma_start3A_194] : memref<400x16xf32, #tpu.memory_space<hbm>> -> memref<400x16xf32, #tpu.memory_space<hbm>>
    tpu.enqueue_indirect_dma source(%dma_start3A_195 : memref<400x16xf32, #tpu.memory_space<hbm>>) target(%dma_start3A_189 : memref<96x16xf32, #tpu.memory_space<vmem>>) offsets(%dma_start3A_192 : memref<96xi32, #tpu.memory_space<vmem>>) semaphore(%arg18 : memref<!tpu.dma_semaphore, #tpu.memory_space<semaphore_mem>>)
    %dma_start3A_196 = arith.constant 106 : i32
    %dma_start3A_197 = arith.constant 0 : i32
    %dma_start3A_198 = tpu.memref_slice %arg14[%dma_start3A_196, %dma_start3A_197] : memref<204x16xf32, #tpu.memory_space<vmem>> -> memref<96x16xf32, #tpu.memory_space<vmem>>
    %dma_start3A_199 = arith.constant 104 : i32
    %dma_start3A_200 = tpu.memref_slice %arg10[%rem3A_151, %dma_start3A_199] : memref<16x200xi32, #tpu.memory_space<vmem>> -> memref<1x96xi32, #tpu.memory_space<vmem>>
    %dma_start3A_201 = tpu.memref_squeeze %dma_start3A_200 : memref<1x96xi32, #tpu.memory_space<vmem>> -> memref<96xi32, #tpu.memory_space<vmem>>
    %dma_start3A_202 = arith.constant 0 : i32
    %dma_start3A_203 = arith.constant 0 : i32
    %dma_start3A_204 = tpu.memref_slice %arg6[%dma_start3A_202, %dma_start3A_203] : memref<400x16xf32, #tpu.memory_space<hbm>> -> memref<400x16xf32, #tpu.memory_space<hbm>>
    tpu.enqueue_indirect_dma source(%dma_start3A_204 : memref<400x16xf32, #tpu.memory_space<hbm>>) target(%dma_start3A_198 : memref<96x16xf32, #tpu.memory_space<vmem>>) offsets(%dma_start3A_201 : memref<96xi32, #tpu.memory_space<vmem>>) semaphore(%arg18 : memref<!tpu.dma_semaphore, #tpu.memory_space<semaphore_mem>>)
    %rem3A_205 = arith.constant 0 : i32
    %rem3A_206 = arith.constant 16 : i32
    %rem3A_207 = arith.remsi %rem3A_205, %rem3A_206 : i32
    %dma_wait3A = arith.constant 2 : i32
    %dma_wait3A_208 = arith.constant 0 : i32
    %dma_wait3A_209 = tpu.memref_slice %arg12[%dma_wait3A, %dma_wait3A_208] : memref<204x64xf32, #tpu.memory_space<vmem>> -> memref<104x64xf32, #tpu.memory_space<vmem>>
    %dma_wait3A_210 = arith.constant 0 : i32
    %dma_wait3A_211 = tpu.memref_slice %arg8[%rem3A_207, %dma_wait3A_210] : memref<16x200xi32, #tpu.memory_space<vmem>> -> memref<1x104xi32, #tpu.memory_space<vmem>>
    %dma_wait3A_212 = tpu.memref_squeeze %dma_wait3A_211 : memref<1x104xi32, #tpu.memory_space<vmem>> -> memref<104xi32, #tpu.memory_space<vmem>>
    %dma_wait3A_213 = arith.constant 0 : i32
    %dma_wait3A_214 = arith.constant 0 : i32
    %dma_wait3A_215 = tpu.memref_slice %arg5[%dma_wait3A_213, %dma_wait3A_214] : memref<1000000x64xf32, #tpu.memory_space<hbm>> -> memref<1000000x64xf32, #tpu.memory_space<hbm>>
    tpu.wait_indirect_dma semaphore(%arg18 : memref<!tpu.dma_semaphore, #tpu.memory_space<semaphore_mem>>) src(%dma_wait3A_215 : memref<1000000x64xf32, #tpu.memory_space<hbm>>) dst(%dma_wait3A_209 : memref<104x64xf32, #tpu.memory_space<vmem>>)
    %dma_wait3A_216 = arith.constant 2 : i32
    %dma_wait3A_217 = arith.constant 0 : i32
    %dma_wait3A_218 = tpu.memref_slice %arg13[%dma_wait3A_216, %dma_wait3A_217] : memref<204x16xf32, #tpu.memory_space<vmem>> -> memref<104x16xf32, #tpu.memory_space<vmem>>
    %dma_wait3A_219 = arith.constant 0 : i32
    %dma_wait3A_220 = tpu.memref_slice %arg9[%rem3A_207, %dma_wait3A_219] : memref<16x200xi32, #tpu.memory_space<vmem>> -> memref<1x104xi32, #tpu.memory_space<vmem>>
    %dma_wait3A_221 = tpu.memref_squeeze %dma_wait3A_220 : memref<1x104xi32, #tpu.memory_space<vmem>> -> memref<104xi32, #tpu.memory_space<vmem>>
    %dma_wait3A_222 = arith.constant 0 : i32
    %dma_wait3A_223 = arith.constant 0 : i32
    %dma_wait3A_224 = tpu.memref_slice %arg6[%dma_wait3A_222, %dma_wait3A_223] : memref<400x16xf32, #tpu.memory_space<hbm>> -> memref<400x16xf32, #tpu.memory_space<hbm>>
    tpu.wait_indirect_dma semaphore(%arg18 : memref<!tpu.dma_semaphore, #tpu.memory_space<semaphore_mem>>) src(%dma_wait3A_224 : memref<400x16xf32, #tpu.memory_space<hbm>>) dst(%dma_wait3A_218 : memref<104x16xf32, #tpu.memory_space<vmem>>)
    %dma_wait3A_225 = arith.constant 2 : i32
    %dma_wait3A_226 = arith.constant 0 : i32
    %dma_wait3A_227 = tpu.memref_slice %arg14[%dma_wait3A_225, %dma_wait3A_226] : memref<204x16xf32, #tpu.memory_space<vmem>> -> memref<104x16xf32, #tpu.memory_space<vmem>>
    %dma_wait3A_228 = arith.constant 0 : i32
    %dma_wait3A_229 = tpu.memref_slice %arg10[%rem3A_207, %dma_wait3A_228] : memref<16x200xi32, #tpu.memory_space<vmem>> -> memref<1x104xi32, #tpu.memory_space<vmem>>
    %dma_wait3A_230 = tpu.memref_squeeze %dma_wait3A_229 : memref<1x104xi32, #tpu.memory_space<vmem>> -> memref<104xi32, #tpu.memory_space<vmem>>
    %dma_wait3A_231 = arith.constant 0 : i32
    %dma_wait3A_232 = arith.constant 0 : i32
    %dma_wait3A_233 = tpu.memref_slice %arg6[%dma_wait3A_231, %dma_wait3A_232] : memref<400x16xf32, #tpu.memory_space<hbm>> -> memref<400x16xf32, #tpu.memory_space<hbm>>
    tpu.wait_indirect_dma semaphore(%arg18 : memref<!tpu.dma_semaphore, #tpu.memory_space<semaphore_mem>>) src(%dma_wait3A_233 : memref<400x16xf32, #tpu.memory_space<hbm>>) dst(%dma_wait3A_227 : memref<104x16xf32, #tpu.memory_space<vmem>>)
    %dma_wait3A_234 = arith.constant 106 : i32
    %dma_wait3A_235 = arith.constant 0 : i32
    %dma_wait3A_236 = tpu.memref_slice %arg12[%dma_wait3A_234, %dma_wait3A_235] : memref<204x64xf32, #tpu.memory_space<vmem>> -> memref<96x64xf32, #tpu.memory_space<vmem>>
    %dma_wait3A_237 = arith.constant 104 : i32
    %dma_wait3A_238 = tpu.memref_slice %arg8[%rem3A_207, %dma_wait3A_237] : memref<16x200xi32, #tpu.memory_space<vmem>> -> memref<1x96xi32, #tpu.memory_space<vmem>>
    %dma_wait3A_239 = tpu.memref_squeeze %dma_wait3A_238 : memref<1x96xi32, #tpu.memory_space<vmem>> -> memref<96xi32, #tpu.memory_space<vmem>>
    %dma_wait3A_240 = arith.constant 0 : i32
    %dma_wait3A_241 = arith.constant 0 : i32
    %dma_wait3A_242 = tpu.memref_slice %arg5[%dma_wait3A_240, %dma_wait3A_241] : memref<1000000x64xf32, #tpu.memory_space<hbm>> -> memref<1000000x64xf32, #tpu.memory_space<hbm>>
    tpu.wait_indirect_dma semaphore(%arg18 : memref<!tpu.dma_semaphore, #tpu.memory_space<semaphore_mem>>) src(%dma_wait3A_242 : memref<1000000x64xf32, #tpu.memory_space<hbm>>) dst(%dma_wait3A_236 : memref<96x64xf32, #tpu.memory_space<vmem>>)
    %dma_wait3A_243 = arith.constant 106 : i32
    %dma_wait3A_244 = arith.constant 0 : i32
    %dma_wait3A_245 = tpu.memref_slice %arg13[%dma_wait3A_243, %dma_wait3A_244] : memref<204x16xf32, #tpu.memory_space<vmem>> -> memref<96x16xf32, #tpu.memory_space<vmem>>
    %dma_wait3A_246 = arith.constant 104 : i32
    %dma_wait3A_247 = tpu.memref_slice %arg9[%rem3A_207, %dma_wait3A_246] : memref<16x200xi32, #tpu.memory_space<vmem>> -> memref<1x96xi32, #tpu.memory_space<vmem>>
    %dma_wait3A_248 = tpu.memref_squeeze %dma_wait3A_247 : memref<1x96xi32, #tpu.memory_space<vmem>> -> memref<96xi32, #tpu.memory_space<vmem>>
    %dma_wait3A_249 = arith.constant 0 : i32
    %dma_wait3A_250 = arith.constant 0 : i32
    %dma_wait3A_251 = tpu.memref_slice %arg6[%dma_wait3A_249, %dma_wait3A_250] : memref<400x16xf32, #tpu.memory_space<hbm>> -> memref<400x16xf32, #tpu.memory_space<hbm>>
    tpu.wait_indirect_dma semaphore(%arg18 : memref<!tpu.dma_semaphore, #tpu.memory_space<semaphore_mem>>) src(%dma_wait3A_251 : memref<400x16xf32, #tpu.memory_space<hbm>>) dst(%dma_wait3A_245 : memref<96x16xf32, #tpu.memory_space<vmem>>)
    %dma_wait3A_252 = arith.constant 106 : i32
    %dma_wait3A_253 = arith.constant 0 : i32
    %dma_wait3A_254 = tpu.memref_slice %arg14[%dma_wait3A_252, %dma_wait3A_253] : memref<204x16xf32, #tpu.memory_space<vmem>> -> memref<96x16xf32, #tpu.memory_space<vmem>>
    %dma_wait3A_255 = arith.constant 104 : i32
    %dma_wait3A_256 = tpu.memref_slice %arg10[%rem3A_207, %dma_wait3A_255] : memref<16x200xi32, #tpu.memory_space<vmem>> -> memref<1x96xi32, #tpu.memory_space<vmem>>
    %dma_wait3A_257 = tpu.memref_squeeze %dma_wait3A_256 : memref<1x96xi32, #tpu.memory_space<vmem>> -> memref<96xi32, #tpu.memory_space<vmem>>
    %dma_wait3A_258 = arith.constant 0 : i32
    %dma_wait3A_259 = arith.constant 0 : i32
    %dma_wait3A_260 = tpu.memref_slice %arg6[%dma_wait3A_258, %dma_wait3A_259] : memref<400x16xf32, #tpu.memory_space<hbm>> -> memref<400x16xf32, #tpu.memory_space<hbm>>
    tpu.wait_indirect_dma semaphore(%arg18 : memref<!tpu.dma_semaphore, #tpu.memory_space<semaphore_mem>>) src(%dma_wait3A_260 : memref<400x16xf32, #tpu.memory_space<hbm>>) dst(%dma_wait3A_254 : memref<96x16xf32, #tpu.memory_space<vmem>>)
    %get3A_261 = arith.constant 2 : i32
    %get3A_262 = arith.index_cast %get3A_261 : i32 to index
    %get3A_263 = arith.constant 0 : index
    %get3A_264 = tpu.vector_load %arg13[%get3A_262, %get3A_263] {strides = array<i32>} : memref<204x16xf32, #tpu.memory_space<vmem>>, vector<16xf32>,
    %swap3A_265 = arith.constant 0 : i32
    %swap3A_266 = arith.index_cast %swap3A_265 : i32 to index
    %swap3A_267 = arith.constant 0 : index
    %swap3A_268 = tpu.vector_load %arg13[%swap3A_266, %swap3A_267] {strides = array<i32>} : memref<204x16xf32, #tpu.memory_space<vmem>>, vector<16xf32>,
    tpu.vector_store %arg13[%swap3A_266, %swap3A_267], %get3A_264 {strides = array<i32>} : memref<204x16xf32, #tpu.memory_space<vmem>>, vector<16xf32>,
    %swap3A_269 = arith.constant 1 : i32
    %swap3A_270 = arith.index_cast %swap3A_269 : i32 to index
    %swap3A_271 = arith.constant 0 : index
    %swap3A_272 = tpu.vector_load %arg13[%swap3A_270, %swap3A_271] {strides = array<i32>} : memref<204x16xf32, #tpu.memory_space<vmem>>, vector<16xf32>,
    tpu.vector_store %arg13[%swap3A_270, %swap3A_271], %get3A_264 {strides = array<i32>} : memref<204x16xf32, #tpu.memory_space<vmem>>, vector<16xf32>,
    %get3A_273 = arith.constant 201 : i32
    %get3A_274 = arith.index_cast %get3A_273 : i32 to index
    %get3A_275 = arith.constant 0 : index
    %get3A_276 = tpu.vector_load %arg13[%get3A_274, %get3A_275] {strides = array<i32>} : memref<204x16xf32, #tpu.memory_space<vmem>>, vector<16xf32>,
    %swap3A_277 = arith.constant 202 : i32
    %swap3A_278 = arith.index_cast %swap3A_277 : i32 to index
    %swap3A_279 = arith.constant 0 : index
    %swap3A_280 = tpu.vector_load %arg13[%swap3A_278, %swap3A_279] {strides = array<i32>} : memref<204x16xf32, #tpu.memory_space<vmem>>, vector<16xf32>,
    tpu.vector_store %arg13[%swap3A_278, %swap3A_279], %get3A_276 {strides = array<i32>} : memref<204x16xf32, #tpu.memory_space<vmem>>, vector<16xf32>,
    %swap3A_281 = arith.constant 203 : i32
    %swap3A_282 = arith.index_cast %swap3A_281 : i32 to index
    %swap3A_283 = arith.constant 0 : index
    %swap3A_284 = tpu.vector_load %arg13[%swap3A_282, %swap3A_283] {strides = array<i32>} : memref<204x16xf32, #tpu.memory_space<vmem>>, vector<16xf32>,
    tpu.vector_store %arg13[%swap3A_282, %swap3A_283], %get3A_276 {strides = array<i32>} : memref<204x16xf32, #tpu.memory_space<vmem>>, vector<16xf32>,
    %get3A_285 = arith.constant 2 : i32
    %get3A_286 = arith.index_cast %get3A_285 : i32 to index
    %get3A_287 = arith.constant 0 : index
    %get3A_288 = tpu.vector_load %arg14[%get3A_286, %get3A_287] {strides = array<i32>} : memref<204x16xf32, #tpu.memory_space<vmem>>, vector<16xf32>,
    %swap3A_289 = arith.constant 0 : i32
    %swap3A_290 = arith.index_cast %swap3A_289 : i32 to index
    %swap3A_291 = arith.constant 0 : index
    %swap3A_292 = tpu.vector_load %arg14[%swap3A_290, %swap3A_291] {strides = array<i32>} : memref<204x16xf32, #tpu.memory_space<vmem>>, vector<16xf32>,
    tpu.vector_store %arg14[%swap3A_290, %swap3A_291], %get3A_288 {strides = array<i32>} : memref<204x16xf32, #tpu.memory_space<vmem>>, vector<16xf32>,
    %swap3A_293 = arith.constant 1 : i32
    %swap3A_294 = arith.index_cast %swap3A_293 : i32 to index
    %swap3A_295 = arith.constant 0 : index
    %swap3A_296 = tpu.vector_load %arg14[%swap3A_294, %swap3A_295] {strides = array<i32>} : memref<204x16xf32, #tpu.memory_space<vmem>>, vector<16xf32>,
    tpu.vector_store %arg14[%swap3A_294, %swap3A_295], %get3A_288 {strides = array<i32>} : memref<204x16xf32, #tpu.memory_space<vmem>>, vector<16xf32>,
    %get3A_297 = arith.constant 201 : i32
    %get3A_298 = arith.index_cast %get3A_297 : i32 to index
    %get3A_299 = arith.constant 0 : index
    %get3A_300 = tpu.vector_load %arg14[%get3A_298, %get3A_299] {strides = array<i32>} : memref<204x16xf32, #tpu.memory_space<vmem>>, vector<16xf32>,
    %swap3A_301 = arith.constant 202 : i32
    %swap3A_302 = arith.index_cast %swap3A_301 : i32 to index
    %swap3A_303 = arith.constant 0 : index
    %swap3A_304 = tpu.vector_load %arg14[%swap3A_302, %swap3A_303] {strides = array<i32>} : memref<204x16xf32, #tpu.memory_space<vmem>>, vector<16xf32>,
    tpu.vector_store %arg14[%swap3A_302, %swap3A_303], %get3A_300 {strides = array<i32>} : memref<204x16xf32, #tpu.memory_space<vmem>>, vector<16xf32>,
    %swap3A_305 = arith.constant 203 : i32
    %swap3A_306 = arith.index_cast %swap3A_305 : i32 to index
    %swap3A_307 = arith.constant 0 : index
    %swap3A_308 = tpu.vector_load %arg14[%swap3A_306, %swap3A_307] {strides = array<i32>} : memref<204x16xf32, #tpu.memory_space<vmem>>, vector<16xf32>,
    tpu.vector_store %arg14[%swap3A_306, %swap3A_307], %get3A_300 {strides = array<i32>} : memref<204x16xf32, #tpu.memory_space<vmem>>, vector<16xf32>,
    %add3A_309 = arith.constant 0 : i32
    %add3A_310 = arith.addi %mul3A_2, %add3A_309 : i32
    %dma_start3A_311 = arith.constant 0 : i32
    %dma_start3A_312 = arith.constant 0 : i32
    %dma_start3A_313 = tpu.memref_slice %arg7[%add3A_310, %dma_start3A_311, %dma_start3A_312] : memref<4096x204x96xf32, #tpu.memory_space<hbm>> -> memref<1x204x64xf32, #tpu.memory_space<hbm>>
    %dma_start3A_314 = tpu.memref_squeeze %dma_start3A_313 : memref<1x204x64xf32, #tpu.memory_space<hbm>> -> memref<204x64xf32, #tpu.memory_space<hbm>>
    %dma_start3A_315 = arith.constant 0 : i32
    %dma_start3A_316 = arith.constant 0 : i32
    %dma_start3A_317 = tpu.memref_slice %arg7[%add3A_310, %dma_start3A_315, %dma_start3A_316] : memref<4096x204x96xf32, #tpu.memory_space<hbm>> -> memref<1x204x64xf32, #tpu.memory_space<hbm>>
    %dma_start3A_318 = tpu.memref_squeeze %dma_start3A_317 : memref<1x204x64xf32, #tpu.memory_space<hbm>> -> memref<204x64xf32, #tpu.memory_space<hbm>>
    tpu.enqueue_dma source(%arg12 : memref<204x64xf32, #tpu.memory_space<vmem>>) target(%dma_start3A_318 : memref<204x64xf32, #tpu.memory_space<hbm>>) target_semaphore(%arg20 : memref<!tpu.dma_semaphore, #tpu.memory_space<semaphore_mem>>)
    %dma_start3A_319 = arith.constant 0 : i32
    %dma_start3A_320 = arith.constant 64 : i32
    %dma_start3A_321 = tpu.memref_slice %arg7[%add3A_310, %dma_start3A_319, %dma_start3A_320] : memref<4096x204x96xf32, #tpu.memory_space<hbm>> -> memref<1x204x16xf32, #tpu.memory_space<hbm>>
    %dma_start3A_322 = tpu.memref_squeeze %dma_start3A_321 : memref<1x204x16xf32, #tpu.memory_space<hbm>> -> memref<204x16xf32, #tpu.memory_space<hbm>>
    %dma_start3A_323 = arith.constant 0 : i32
    %dma_start3A_324 = arith.constant 64 : i32
    %dma_start3A_325 = tpu.memref_slice %arg7[%add3A_310, %dma_start3A_323, %dma_start3A_324] : memref<4096x204x96xf32, #tpu.memory_space<hbm>> -> memref<1x204x16xf32, #tpu.memory_space<hbm>>
    %dma_start3A_326 = tpu.memref_squeeze %dma_start3A_325 : memref<1x204x16xf32, #tpu.memory_space<hbm>> -> memref<204x16xf32, #tpu.memory_space<hbm>>
    tpu.enqueue_dma source(%arg13 : memref<204x16xf32, #tpu.memory_space<vmem>>) target(%dma_start3A_326 : memref<204x16xf32, #tpu.memory_space<hbm>>) target_semaphore(%arg20 : memref<!tpu.dma_semaphore, #tpu.memory_space<semaphore_mem>>)
    %dma_start3A_327 = arith.constant 0 : i32
    %dma_start3A_328 = arith.constant 80 : i32
    %dma_start3A_329 = tpu.memref_slice %arg7[%add3A_310, %dma_start3A_327, %dma_start3A_328] : memref<4096x204x96xf32, #tpu.memory_space<hbm>> -> memref<1x204x16xf32, #tpu.memory_space<hbm>>
    %dma_start3A_330 = tpu.memref_squeeze %dma_start3A_329 : memref<1x204x16xf32, #tpu.memory_space<hbm>> -> memref<204x16xf32, #tpu.memory_space<hbm>>
    %dma_start3A_331 = arith.constant 0 : i32
    %dma_start3A_332 = arith.constant 80 : i32
    %dma_start3A_333 = tpu.memref_slice %arg7[%add3A_310, %dma_start3A_331, %dma_start3A_332] : memref<4096x204x96xf32, #tpu.memory_space<hbm>> -> memref<1x204x16xf32, #tpu.memory_space<hbm>>
    %dma_start3A_334 = tpu.memref_squeeze %dma_start3A_333 : memref<1x204x16xf32, #tpu.memory_space<hbm>> -> memref<204x16xf32, #tpu.memory_space<hbm>>
    tpu.enqueue_dma source(%arg14 : memref<204x16xf32, #tpu.memory_space<vmem>>) target(%dma_start3A_334 : memref<204x16xf32, #tpu.memory_space<hbm>>) target_semaphore(%arg20 : memref<!tpu.dma_semaphore, #tpu.memory_space<semaphore_mem>>)
    %rem3A_335 = arith.constant 1 : i32
    %rem3A_336 = arith.constant 16 : i32
    %rem3A_337 = arith.remsi %rem3A_335, %rem3A_336 : i32
    %eq3A_338 = arith.constant 0 : i32
    %eq3A_339 = arith.cmpi eq, %rem3A_337, %eq3A_338 : i32
    %convert_element_type3A_340 = arith.extui %eq3A_339 : i1 to i32
    %cond3A_341 = arith.constant 0 : i32
    %cond3A_342 = arith.cmpi ne, %convert_element_type3A_340, %cond3A_341 : i32
    scf.if %cond3A_342 {
      %add3A_589 = arith.constant 1 : i32
      %add3A_590 = arith.addi %mul3A_2, %add3A_589 : i32
      %multiple_of3A = tpu.assume_multiple %add3A_590, 16 : i32
      "tpu.region"() ({
        %run_scoped3A = tpu.sem_alloc : memref<!tpu.dma_semaphore, #tpu.memory_space<semaphore_mem>>
        %dma_start3A_591 = arith.constant 0 : i32
        %dma_start3A_592 = tpu.memref_slice %arg2[%multiple_of3A, %dma_start3A_591] : memref<4096x200xi32, #tpu.memory_space<hbm>> -> memref<16x200xi32, #tpu.memory_space<hbm>>
        %dma_start3A_593 = arith.constant 0 : i32
        %dma_start3A_594 = tpu.memref_slice %arg2[%multiple_of3A, %dma_start3A_593] : memref<4096x200xi32, #tpu.memory_space<hbm>> -> memref<16x200xi32, #tpu.memory_space<hbm>>
        tpu.enqueue_dma source(%dma_start3A_594 : memref<16x200xi32, #tpu.memory_space<hbm>>) target(%arg8 : memref<16x200xi32, #tpu.memory_space<vmem>>) target_semaphore(%run_scoped3A : memref<!tpu.dma_semaphore, #tpu.memory_space<semaphore_mem>>)
        %dma_wait3A_595 = arith.constant 0 : i32
        %dma_wait3A_596 = tpu.memref_slice %arg2[%multiple_of3A, %dma_wait3A_595] : memref<4096x200xi32, #tpu.memory_space<hbm>> -> memref<16x200xi32, #tpu.memory_space<hbm>>
        %dma_wait3A_597 = arith.constant 0 : i32
        %dma_wait3A_598 = tpu.memref_slice %arg2[%multiple_of3A, %dma_wait3A_597] : memref<4096x200xi32, #tpu.memory_space<hbm>> -> memref<16x200xi32, #tpu.memory_space<hbm>>
        tpu.wait_dma2 semaphore(%run_scoped3A : memref<!tpu.dma_semaphore, #tpu.memory_space<semaphore_mem>>) src(%dma_wait3A_598 : memref<16x200xi32, #tpu.memory_space<hbm>>) dst(%arg8 : memref<16x200xi32, #tpu.memory_space<vmem>>)
        tpu.yield
      }) : () -> ()
      "tpu.region"() ({
        %run_scoped3A = tpu.sem_alloc : memref<!tpu.dma_semaphore, #tpu.memory_space<semaphore_mem>>
        %dma_start3A_591 = arith.constant 0 : i32
        %dma_start3A_592 = tpu.memref_slice %arg3[%multiple_of3A, %dma_start3A_591] : memref<4096x200xi32, #tpu.memory_space<hbm>> -> memref<16x200xi32, #tpu.memory_space<hbm>>
        %dma_start3A_593 = arith.constant 0 : i32
        %dma_start3A_594 = tpu.memref_slice %arg3[%multiple_of3A, %dma_start3A_593] : memref<4096x200xi32, #tpu.memory_space<hbm>> -> memref<16x200xi32, #tpu.memory_space<hbm>>
        tpu.enqueue_dma source(%dma_start3A_594 : memref<16x200xi32, #tpu.memory_space<hbm>>) target(%arg9 : memref<16x200xi32, #tpu.memory_space<vmem>>) target_semaphore(%run_scoped3A : memref<!tpu.dma_semaphore, #tpu.memory_space<semaphore_mem>>)
        %dma_wait3A_595 = arith.constant 0 : i32
        %dma_wait3A_596 = tpu.memref_slice %arg3[%multiple_of3A, %dma_wait3A_595] : memref<4096x200xi32, #tpu.memory_space<hbm>> -> memref<16x200xi32, #tpu.memory_space<hbm>>
        %dma_wait3A_597 = arith.constant 0 : i32
        %dma_wait3A_598 = tpu.memref_slice %arg3[%multiple_of3A, %dma_wait3A_597] : memref<4096x200xi32, #tpu.memory_space<hbm>> -> memref<16x200xi32, #tpu.memory_space<hbm>>
        tpu.wait_dma2 semaphore(%run_scoped3A : memref<!tpu.dma_semaphore, #tpu.memory_space<semaphore_mem>>) src(%dma_wait3A_598 : memref<16x200xi32, #tpu.memory_space<hbm>>) dst(%arg9 : memref<16x200xi32, #tpu.memory_space<vmem>>)
        tpu.yield
      }) : () -> ()
      "tpu.region"() ({
        %run_scoped3A = tpu.sem_alloc : memref<!tpu.dma_semaphore, #tpu.memory_space<semaphore_mem>>
        %dma_start3A_591 = arith.constant 0 : i32
        %dma_start3A_592 = tpu.memref_slice %arg4[%multiple_of3A, %dma_start3A_591] : memref<4096x200xi32, #tpu.memory_space<hbm>> -> memref<16x200xi32, #tpu.memory_space<hbm>>
        %dma_start3A_593 = arith.constant 0 : i32
        %dma_start3A_594 = tpu.memref_slice %arg4[%multiple_of3A, %dma_start3A_593] : memref<4096x200xi32, #tpu.memory_space<hbm>> -> memref<16x200xi32, #tpu.memory_space<hbm>>
        tpu.enqueue_dma source(%dma_start3A_594 : memref<16x200xi32, #tpu.memory_space<hbm>>) target(%arg10 : memref<16x200xi32, #tpu.memory_space<vmem>>) target_semaphore(%run_scoped3A : memref<!tpu.dma_semaphore, #tpu.memory_space<semaphore_mem>>)
        %dma_wait3A_595 = arith.constant 0 : i32
        %dma_wait3A_596 = tpu.memref_slice %arg4[%multiple_of3A, %dma_wait3A_595] : memref<4096x200xi32, #tpu.memory_space<hbm>> -> memref<16x200xi32, #tpu.memory_space<hbm>>
        %dma_wait3A_597 = arith.constant 0 : i32
        %dma_wait3A_598 = tpu.memref_slice %arg4[%multiple_of3A, %dma_wait3A_597] : memref<4096x200xi32, #tpu.memory_space<hbm>> -> memref<16x200xi32, #tpu.memory_space<hbm>>
        tpu.wait_dma2 semaphore(%run_scoped3A : memref<!tpu.dma_semaphore, #tpu.memory_space<semaphore_mem>>) src(%dma_wait3A_598 : memref<16x200xi32, #tpu.memory_space<hbm>>) dst(%arg10 : memref<16x200xi32, #tpu.memory_space<vmem>>)
        tpu.yield
      }) : () -> ()
    } else {
    }
    %rem3A_343 = arith.constant 1 : i32
    %rem3A_344 = arith.constant 16 : i32
    %rem3A_345 = arith.remsi %rem3A_343, %rem3A_344 : i32
    %dma_start3A_346 = arith.constant 2 : i32
    %dma_start3A_347 = arith.constant 0 : i32
    %dma_start3A_348 = tpu.memref_slice %arg15[%dma_start3A_346, %dma_start3A_347] : memref<204x64xf32, #tpu.memory_space<vmem>> -> memref<104x64xf32, #tpu.memory_space<vmem>>
    %dma_start3A_349 = arith.constant 0 : i32
    %dma_start3A_350 = tpu.memref_slice %arg8[%rem3A_345, %dma_start3A_349] : memref<16x200xi32, #tpu.memory_space<vmem>> -> memref<1x104xi32, #tpu.memory_space<vmem>>
    %dma_start3A_351 = tpu.memref_squeeze %dma_start3A_350 : memref<1x104xi32, #tpu.memory_space<vmem>> -> memref<104xi32, #tpu.memory_space<vmem>>
    %dma_start3A_352 = arith.constant 0 : i32
    %dma_start3A_353 = arith.constant 0 : i32
    %dma_start3A_354 = tpu.memref_slice %arg5[%dma_start3A_352, %dma_start3A_353] : memref<1000000x64xf32, #tpu.memory_space<hbm>> -> memref<1000000x64xf32, #tpu.memory_space<hbm>>
    tpu.enqueue_indirect_dma source(%dma_start3A_354 : memref<1000000x64xf32, #tpu.memory_space<hbm>>) target(%dma_start3A_348 : memref<104x64xf32, #tpu.memory_space<vmem>>) offsets(%dma_start3A_351 : memref<104xi32, #tpu.memory_space<vmem>>) semaphore(%arg19 : memref<!tpu.dma_semaphore, #tpu.memory_space<semaphore_mem>>)
    %dma_start3A_355 = arith.constant 2 : i32
    %dma_start3A_356 = arith.constant 0 : i32
    %dma_start3A_357 = tpu.memref_slice %arg16[%dma_start3A_355, %dma_start3A_356] : memref<204x16xf32, #tpu.memory_space<vmem>> -> memref<104x16xf32, #tpu.memory_space<vmem>>
    %dma_start3A_358 = arith.constant 0 : i32
    %dma_start3A_359 = tpu.memref_slice %arg9[%rem3A_345, %dma_start3A_358] : memref<16x200xi32, #tpu.memory_space<vmem>> -> memref<1x104xi32, #tpu.memory_space<vmem>>
    %dma_start3A_360 = tpu.memref_squeeze %dma_start3A_359 : memref<1x104xi32, #tpu.memory_space<vmem>> -> memref<104xi32, #tpu.memory_space<vmem>>
    %dma_start3A_361 = arith.constant 0 : i32
    %dma_start3A_362 = arith.constant 0 : i32
    %dma_start3A_363 = tpu.memref_slice %arg6[%dma_start3A_361, %dma_start3A_362] : memref<400x16xf32, #tpu.memory_space<hbm>> -> memref<400x16xf32, #tpu.memory_space<hbm>>
    tpu.enqueue_indirect_dma source(%dma_start3A_363 : memref<400x16xf32, #tpu.memory_space<hbm>>) target(%dma_start3A_357 : memref<104x16xf32, #tpu.memory_space<vmem>>) offsets(%dma_start3A_360 : memref<104xi32, #tpu.memory_space<vmem>>) semaphore(%arg19 : memref<!tpu.dma_semaphore, #tpu.memory_space<semaphore_mem>>)
    %dma_start3A_364 = arith.constant 2 : i32
    %dma_start3A_365 = arith.constant 0 : i32
    %dma_start3A_366 = tpu.memref_slice %arg17[%dma_start3A_364, %dma_start3A_365] : memref<204x16xf32, #tpu.memory_space<vmem>> -> memref<104x16xf32, #tpu.memory_space<vmem>>
    %dma_start3A_367 = arith.constant 0 : i32
    %dma_start3A_368 = tpu.memref_slice %arg10[%rem3A_345, %dma_start3A_367] : memref<16x200xi32, #tpu.memory_space<vmem>> -> memref<1x104xi32, #tpu.memory_space<vmem>>
    %dma_start3A_369 = tpu.memref_squeeze %dma_start3A_368 : memref<1x104xi32, #tpu.memory_space<vmem>> -> memref<104xi32, #tpu.memory_space<vmem>>
    %dma_start3A_370 = arith.constant 0 : i32
    %dma_start3A_371 = arith.constant 0 : i32
    %dma_start3A_372 = tpu.memref_slice %arg6[%dma_start3A_370, %dma_start3A_371] : memref<400x16xf32, #tpu.memory_space<hbm>> -> memref<400x16xf32, #tpu.memory_space<hbm>>
    tpu.enqueue_indirect_dma source(%dma_start3A_372 : memref<400x16xf32, #tpu.memory_space<hbm>>) target(%dma_start3A_366 : memref<104x16xf32, #tpu.memory_space<vmem>>) offsets(%dma_start3A_369 : memref<104xi32, #tpu.memory_space<vmem>>) semaphore(%arg19 : memref<!tpu.dma_semaphore, #tpu.memory_space<semaphore_mem>>)
    %dma_start3A_373 = arith.constant 106 : i32
    %dma_start3A_374 = arith.constant 0 : i32
    %dma_start3A_375 = tpu.memref_slice %arg15[%dma_start3A_373, %dma_start3A_374] : memref<204x64xf32, #tpu.memory_space<vmem>> -> memref<96x64xf32, #tpu.memory_space<vmem>>
    %dma_start3A_376 = arith.constant 104 : i32
    %dma_start3A_377 = tpu.memref_slice %arg8[%rem3A_345, %dma_start3A_376] : memref<16x200xi32, #tpu.memory_space<vmem>> -> memref<1x96xi32, #tpu.memory_space<vmem>>
    %dma_start3A_378 = tpu.memref_squeeze %dma_start3A_377 : memref<1x96xi32, #tpu.memory_space<vmem>> -> memref<96xi32, #tpu.memory_space<vmem>>
    %dma_start3A_379 = arith.constant 0 : i32
    %dma_start3A_380 = arith.constant 0 : i32
    %dma_start3A_381 = tpu.memref_slice %arg5[%dma_start3A_379, %dma_start3A_380] : memref<1000000x64xf32, #tpu.memory_space<hbm>> -> memref<1000000x64xf32, #tpu.memory_space<hbm>>
    tpu.enqueue_indirect_dma source(%dma_start3A_381 : memref<1000000x64xf32, #tpu.memory_space<hbm>>) target(%dma_start3A_375 : memref<96x64xf32, #tpu.memory_space<vmem>>) offsets(%dma_start3A_378 : memref<96xi32, #tpu.memory_space<vmem>>) semaphore(%arg19 : memref<!tpu.dma_semaphore, #tpu.memory_space<semaphore_mem>>)
    %dma_start3A_382 = arith.constant 106 : i32
    %dma_start3A_383 = arith.constant 0 : i32
    %dma_start3A_384 = tpu.memref_slice %arg16[%dma_start3A_382, %dma_start3A_383] : memref<204x16xf32, #tpu.memory_space<vmem>> -> memref<96x16xf32, #tpu.memory_space<vmem>>
    %dma_start3A_385 = arith.constant 104 : i32
    %dma_start3A_386 = tpu.memref_slice %arg9[%rem3A_345, %dma_start3A_385] : memref<16x200xi32, #tpu.memory_space<vmem>> -> memref<1x96xi32, #tpu.memory_space<vmem>>
    %dma_start3A_387 = tpu.memref_squeeze %dma_start3A_386 : memref<1x96xi32, #tpu.memory_space<vmem>> -> memref<96xi32, #tpu.memory_space<vmem>>
    %dma_start3A_388 = arith.constant 0 : i32
    %dma_start3A_389 = arith.constant 0 : i32
    %dma_start3A_390 = tpu.memref_slice %arg6[%dma_start3A_388, %dma_start3A_389] : memref<400x16xf32, #tpu.memory_space<hbm>> -> memref<400x16xf32, #tpu.memory_space<hbm>>
    tpu.enqueue_indirect_dma source(%dma_start3A_390 : memref<400x16xf32, #tpu.memory_space<hbm>>) target(%dma_start3A_384 : memref<96x16xf32, #tpu.memory_space<vmem>>) offsets(%dma_start3A_387 : memref<96xi32, #tpu.memory_space<vmem>>) semaphore(%arg19 : memref<!tpu.dma_semaphore, #tpu.memory_space<semaphore_mem>>)
    %dma_start3A_391 = arith.constant 106 : i32
    %dma_start3A_392 = arith.constant 0 : i32
    %dma_start3A_393 = tpu.memref_slice %arg17[%dma_start3A_391, %dma_start3A_392] : memref<204x16xf32, #tpu.memory_space<vmem>> -> memref<96x16xf32, #tpu.memory_space<vmem>>
    %dma_start3A_394 = arith.constant 104 : i32
    %dma_start3A_395 = tpu.memref_slice %arg10[%rem3A_345, %dma_start3A_394] : memref<16x200xi32, #tpu.memory_space<vmem>> -> memref<1x96xi32, #tpu.memory_space<vmem>>
    %dma_start3A_396 = tpu.memref_squeeze %dma_start3A_395 : memref<1x96xi32, #tpu.memory_space<vmem>> -> memref<96xi32, #tpu.memory_space<vmem>>
    %dma_start3A_397 = arith.constant 0 : i32
    %dma_start3A_398 = arith.constant 0 : i32
    %dma_start3A_399 = tpu.memref_slice %arg6[%dma_start3A_397, %dma_start3A_398] : memref<400x16xf32, #tpu.memory_space<hbm>> -> memref<400x16xf32, #tpu.memory_space<hbm>>
    tpu.enqueue_indirect_dma source(%dma_start3A_399 : memref<400x16xf32, #tpu.memory_space<hbm>>) target(%dma_start3A_393 : memref<96x16xf32, #tpu.memory_space<vmem>>) offsets(%dma_start3A_396 : memref<96xi32, #tpu.memory_space<vmem>>) semaphore(%arg19 : memref<!tpu.dma_semaphore, #tpu.memory_space<semaphore_mem>>)
    %scan3A = arith.constant 0 : i32
    %scan3A_400 = arith.constant 0 : i32
    %scan3A_401 = arith.constant 63 : i32
    %scan3A_402 = arith.addi %scan3A_400, %scan3A_401 : i32
    %scan3A_403 = arith.constant 1 : i32
    scf.for %scan3A_589 = %scan3A_400 to %scan3A_402 step %scan3A_403  : i32 {
      %mul3A_590 = arith.constant 2 : i32
      %mul3A_591 = arith.muli %mul3A_590, %scan3A_589 : i32
      %add3A_592 = arith.constant 1 : i32
      %add3A_593 = arith.addi %mul3A_591, %add3A_592 : i32
      %rem3A_594 = arith.constant 16 : i32
      %rem3A_595 = arith.remsi %add3A_593, %rem3A_594 : i32
      %dma_wait3A_596 = arith.constant 2 : i32
      %dma_wait3A_597 = arith.constant 0 : i32
      %dma_wait3A_598 = tpu.memref_slice %arg15[%dma_wait3A_596, %dma_wait3A_597] : memref<204x64xf32, #tpu.memory_space<vmem>> -> memref<104x64xf32, #tpu.memory_space<vmem>>
      %dma_wait3A_599 = arith.constant 0 : i32
      %dma_wait3A_600 = tpu.memref_slice %arg8[%rem3A_595, %dma_wait3A_599] : memref<16x200xi32, #tpu.memory_space<vmem>> -> memref<1x104xi32, #tpu.memory_space<vmem>>
      %dma_wait3A_601 = tpu.memref_squeeze %dma_wait3A_600 : memref<1x104xi32, #tpu.memory_space<vmem>> -> memref<104xi32, #tpu.memory_space<vmem>>
      %dma_wait3A_602 = arith.constant 0 : i32
      %dma_wait3A_603 = arith.constant 0 : i32
      %dma_wait3A_604 = tpu.memref_slice %arg5[%dma_wait3A_602, %dma_wait3A_603] : memref<1000000x64xf32, #tpu.memory_space<hbm>> -> memref<1000000x64xf32, #tpu.memory_space<hbm>>
      tpu.wait_indirect_dma semaphore(%arg19 : memref<!tpu.dma_semaphore, #tpu.memory_space<semaphore_mem>>) src(%dma_wait3A_604 : memref<1000000x64xf32, #tpu.memory_space<hbm>>) dst(%dma_wait3A_598 : memref<104x64xf32, #tpu.memory_space<vmem>>)
      %dma_wait3A_605 = arith.constant 2 : i32
      %dma_wait3A_606 = arith.constant 0 : i32
      %dma_wait3A_607 = tpu.memref_slice %arg16[%dma_wait3A_605, %dma_wait3A_606] : memref<204x16xf32, #tpu.memory_space<vmem>> -> memref<104x16xf32, #tpu.memory_space<vmem>>
      %dma_wait3A_608 = arith.constant 0 : i32
      %dma_wait3A_609 = tpu.memref_slice %arg9[%rem3A_595, %dma_wait3A_608] : memref<16x200xi32, #tpu.memory_space<vmem>> -> memref<1x104xi32, #tpu.memory_space<vmem>>
      %dma_wait3A_610 = tpu.memref_squeeze %dma_wait3A_609 : memref<1x104xi32, #tpu.memory_space<vmem>> -> memref<104xi32, #tpu.memory_space<vmem>>
      %dma_wait3A_611 = arith.constant 0 : i32
      %dma_wait3A_612 = arith.constant 0 : i32
      %dma_wait3A_613 = tpu.memref_slice %arg6[%dma_wait3A_611, %dma_wait3A_612] : memref<400x16xf32, #tpu.memory_space<hbm>> -> memref<400x16xf32, #tpu.memory_space<hbm>>
      tpu.wait_indirect_dma semaphore(%arg19 : memref<!tpu.dma_semaphore, #tpu.memory_space<semaphore_mem>>) src(%dma_wait3A_613 : memref<400x16xf32, #tpu.memory_space<hbm>>) dst(%dma_wait3A_607 : memref<104x16xf32, #tpu.memory_space<vmem>>)
      %dma_wait3A_614 = arith.constant 2 : i32
      %dma_wait3A_615 = arith.constant 0 : i32
      %dma_wait3A_616 = tpu.memref_slice %arg17[%dma_wait3A_614, %dma_wait3A_615] : memref<204x16xf32, #tpu.memory_space<vmem>> -> memref<104x16xf32, #tpu.memory_space<vmem>>
      %dma_wait3A_617 = arith.constant 0 : i32
      %dma_wait3A_618 = tpu.memref_slice %arg10[%rem3A_595, %dma_wait3A_617] : memref<16x200xi32, #tpu.memory_space<vmem>> -> memref<1x104xi32, #tpu.memory_space<vmem>>
      %dma_wait3A_619 = tpu.memref_squeeze %dma_wait3A_618 : memref<1x104xi32, #tpu.memory_space<vmem>> -> memref<104xi32, #tpu.memory_space<vmem>>
      %dma_wait3A_620 = arith.constant 0 : i32
      %dma_wait3A_621 = arith.constant 0 : i32
      %dma_wait3A_622 = tpu.memref_slice %arg6[%dma_wait3A_620, %dma_wait3A_621] : memref<400x16xf32, #tpu.memory_space<hbm>> -> memref<400x16xf32, #tpu.memory_space<hbm>>
      tpu.wait_indirect_dma semaphore(%arg19 : memref<!tpu.dma_semaphore, #tpu.memory_space<semaphore_mem>>) src(%dma_wait3A_622 : memref<400x16xf32, #tpu.memory_space<hbm>>) dst(%dma_wait3A_616 : memref<104x16xf32, #tpu.memory_space<vmem>>)
      %dma_wait3A_623 = arith.constant 106 : i32
      %dma_wait3A_624 = arith.constant 0 : i32
      %dma_wait3A_625 = tpu.memref_slice %arg15[%dma_wait3A_623, %dma_wait3A_624] : memref<204x64xf32, #tpu.memory_space<vmem>> -> memref<96x64xf32, #tpu.memory_space<vmem>>
      %dma_wait3A_626 = arith.constant 104 : i32
      %dma_wait3A_627 = tpu.memref_slice %arg8[%rem3A_595, %dma_wait3A_626] : memref<16x200xi32, #tpu.memory_space<vmem>> -> memref<1x96xi32, #tpu.memory_space<vmem>>
      %dma_wait3A_628 = tpu.memref_squeeze %dma_wait3A_627 : memref<1x96xi32, #tpu.memory_space<vmem>> -> memref<96xi32, #tpu.memory_space<vmem>>
      %dma_wait3A_629 = arith.constant 0 : i32
      %dma_wait3A_630 = arith.constant 0 : i32
      %dma_wait3A_631 = tpu.memref_slice %arg5[%dma_wait3A_629, %dma_wait3A_630] : memref<1000000x64xf32, #tpu.memory_space<hbm>> -> memref<1000000x64xf32, #tpu.memory_space<hbm>>
      tpu.wait_indirect_dma semaphore(%arg19 : memref<!tpu.dma_semaphore, #tpu.memory_space<semaphore_mem>>) src(%dma_wait3A_631 : memref<1000000x64xf32, #tpu.memory_space<hbm>>) dst(%dma_wait3A_625 : memref<96x64xf32, #tpu.memory_space<vmem>>)
      %dma_wait3A_632 = arith.constant 106 : i32
      %dma_wait3A_633 = arith.constant 0 : i32
      %dma_wait3A_634 = tpu.memref_slice %arg16[%dma_wait3A_632, %dma_wait3A_633] : memref<204x16xf32, #tpu.memory_space<vmem>> -> memref<96x16xf32, #tpu.memory_space<vmem>>
      %dma_wait3A_635 = arith.constant 104 : i32
      %dma_wait3A_636 = tpu.memref_slice %arg9[%rem3A_595, %dma_wait3A_635] : memref<16x200xi32, #tpu.memory_space<vmem>> -> memref<1x96xi32, #tpu.memory_space<vmem>>
      %dma_wait3A_637 = tpu.memref_squeeze %dma_wait3A_636 : memref<1x96xi32, #tpu.memory_space<vmem>> -> memref<96xi32, #tpu.memory_space<vmem>>
      %dma_wait3A_638 = arith.constant 0 : i32
      %dma_wait3A_639 = arith.constant 0 : i32
      %dma_wait3A_640 = tpu.memref_slice %arg6[%dma_wait3A_638, %dma_wait3A_639] : memref<400x16xf32, #tpu.memory_space<hbm>> -> memref<400x16xf32, #tpu.memory_space<hbm>>
      tpu.wait_indirect_dma semaphore(%arg19 : memref<!tpu.dma_semaphore, #tpu.memory_space<semaphore_mem>>) src(%dma_wait3A_640 : memref<400x16xf32, #tpu.memory_space<hbm>>) dst(%dma_wait3A_634 : memref<96x16xf32, #tpu.memory_space<vmem>>)
      %dma_wait3A_641 = arith.constant 106 : i32
      %dma_wait3A_642 = arith.constant 0 : i32
      %dma_wait3A_643 = tpu.memref_slice %arg17[%dma_wait3A_641, %dma_wait3A_642] : memref<204x16xf32, #tpu.memory_space<vmem>> -> memref<96x16xf32, #tpu.memory_space<vmem>>
      %dma_wait3A_644 = arith.constant 104 : i32
      %dma_wait3A_645 = tpu.memref_slice %arg10[%rem3A_595, %dma_wait3A_644] : memref<16x200xi32, #tpu.memory_space<vmem>> -> memref<1x96xi32, #tpu.memory_space<vmem>>
      %dma_wait3A_646 = tpu.memref_squeeze %dma_wait3A_645 : memref<1x96xi32, #tpu.memory_space<vmem>> -> memref<96xi32, #tpu.memory_space<vmem>>
      %dma_wait3A_647 = arith.constant 0 : i32
      %dma_wait3A_648 = arith.constant 0 : i32
      %dma_wait3A_649 = tpu.memref_slice %arg6[%dma_wait3A_647, %dma_wait3A_648] : memref<400x16xf32, #tpu.memory_space<hbm>> -> memref<400x16xf32, #tpu.memory_space<hbm>>
      tpu.wait_indirect_dma semaphore(%arg19 : memref<!tpu.dma_semaphore, #tpu.memory_space<semaphore_mem>>) src(%dma_wait3A_649 : memref<400x16xf32, #tpu.memory_space<hbm>>) dst(%dma_wait3A_643 : memref<96x16xf32, #tpu.memory_space<vmem>>)
      %get3A_650 = arith.constant 2 : i32
      %get3A_651 = arith.index_cast %get3A_650 : i32 to index
      %get3A_652 = arith.constant 0 : index
      %get3A_653 = tpu.vector_load %arg16[%get3A_651, %get3A_652] {strides = array<i32>} : memref<204x16xf32, #tpu.memory_space<vmem>>, vector<16xf32>,
      %swap3A_654 = arith.constant 0 : i32
      %swap3A_655 = arith.index_cast %swap3A_654 : i32 to index
      %swap3A_656 = arith.constant 0 : index
      %swap3A_657 = tpu.vector_load %arg16[%swap3A_655, %swap3A_656] {strides = array<i32>} : memref<204x16xf32, #tpu.memory_space<vmem>>, vector<16xf32>,
      tpu.vector_store %arg16[%swap3A_655, %swap3A_656], %get3A_653 {strides = array<i32>} : memref<204x16xf32, #tpu.memory_space<vmem>>, vector<16xf32>,
      %swap3A_658 = arith.constant 1 : i32
      %swap3A_659 = arith.index_cast %swap3A_658 : i32 to index
      %swap3A_660 = arith.constant 0 : index
      %swap3A_661 = tpu.vector_load %arg16[%swap3A_659, %swap3A_660] {strides = array<i32>} : memref<204x16xf32, #tpu.memory_space<vmem>>, vector<16xf32>,
      tpu.vector_store %arg16[%swap3A_659, %swap3A_660], %get3A_653 {strides = array<i32>} : memref<204x16xf32, #tpu.memory_space<vmem>>, vector<16xf32>,
      %get3A_662 = arith.constant 201 : i32
      %get3A_663 = arith.index_cast %get3A_662 : i32 to index
      %get3A_664 = arith.constant 0 : index
      %get3A_665 = tpu.vector_load %arg16[%get3A_663, %get3A_664] {strides = array<i32>} : memref<204x16xf32, #tpu.memory_space<vmem>>, vector<16xf32>,
      %swap3A_666 = arith.constant 202 : i32
      %swap3A_667 = arith.index_cast %swap3A_666 : i32 to index
      %swap3A_668 = arith.constant 0 : index
      %swap3A_669 = tpu.vector_load %arg16[%swap3A_667, %swap3A_668] {strides = array<i32>} : memref<204x16xf32, #tpu.memory_space<vmem>>, vector<16xf32>,
      tpu.vector_store %arg16[%swap3A_667, %swap3A_668], %get3A_665 {strides = array<i32>} : memref<204x16xf32, #tpu.memory_space<vmem>>, vector<16xf32>,
      %swap3A_670 = arith.constant 203 : i32
      %swap3A_671 = arith.index_cast %swap3A_670 : i32 to index
      %swap3A_672 = arith.constant 0 : index
      %swap3A_673 = tpu.vector_load %arg16[%swap3A_671, %swap3A_672] {strides = array<i32>} : memref<204x16xf32, #tpu.memory_space<vmem>>, vector<16xf32>,
      tpu.vector_store %arg16[%swap3A_671, %swap3A_672], %get3A_665 {strides = array<i32>} : memref<204x16xf32, #tpu.memory_space<vmem>>, vector<16xf32>,
      %get3A_674 = arith.constant 2 : i32
      %get3A_675 = arith.index_cast %get3A_674 : i32 to index
      %get3A_676 = arith.constant 0 : index
      %get3A_677 = tpu.vector_load %arg17[%get3A_675, %get3A_676] {strides = array<i32>} : memref<204x16xf32, #tpu.memory_space<vmem>>, vector<16xf32>,
      %swap3A_678 = arith.constant 0 : i32
      %swap3A_679 = arith.index_cast %swap3A_678 : i32 to index
      %swap3A_680 = arith.constant 0 : index
      %swap3A_681 = tpu.vector_load %arg17[%swap3A_679, %swap3A_680] {strides = array<i32>} : memref<204x16xf32, #tpu.memory_space<vmem>>, vector<16xf32>,
      tpu.vector_store %arg17[%swap3A_679, %swap3A_680], %get3A_677 {strides = array<i32>} : memref<204x16xf32, #tpu.memory_space<vmem>>, vector<16xf32>,
      %swap3A_682 = arith.constant 1 : i32
      %swap3A_683 = arith.index_cast %swap3A_682 : i32 to index
      %swap3A_684 = arith.constant 0 : index
      %swap3A_685 = tpu.vector_load %arg17[%swap3A_683, %swap3A_684] {strides = array<i32>} : memref<204x16xf32, #tpu.memory_space<vmem>>, vector<16xf32>,
      tpu.vector_store %arg17[%swap3A_683, %swap3A_684], %get3A_677 {strides = array<i32>} : memref<204x16xf32, #tpu.memory_space<vmem>>, vector<16xf32>,
      %get3A_686 = arith.constant 201 : i32
      %get3A_687 = arith.index_cast %get3A_686 : i32 to index
      %get3A_688 = arith.constant 0 : index
      %get3A_689 = tpu.vector_load %arg17[%get3A_687, %get3A_688] {strides = array<i32>} : memref<204x16xf32, #tpu.memory_space<vmem>>, vector<16xf32>,
      %swap3A_690 = arith.constant 202 : i32
      %swap3A_691 = arith.index_cast %swap3A_690 : i32 to index
      %swap3A_692 = arith.constant 0 : index
      %swap3A_693 = tpu.vector_load %arg17[%swap3A_691, %swap3A_692] {strides = array<i32>} : memref<204x16xf32, #tpu.memory_space<vmem>>, vector<16xf32>,
      tpu.vector_store %arg17[%swap3A_691, %swap3A_692], %get3A_689 {strides = array<i32>} : memref<204x16xf32, #tpu.memory_space<vmem>>, vector<16xf32>,
      %swap3A_694 = arith.constant 203 : i32
      %swap3A_695 = arith.index_cast %swap3A_694 : i32 to index
      %swap3A_696 = arith.constant 0 : index
      %swap3A_697 = tpu.vector_load %arg17[%swap3A_695, %swap3A_696] {strides = array<i32>} : memref<204x16xf32, #tpu.memory_space<vmem>>, vector<16xf32>,
      tpu.vector_store %arg17[%swap3A_695, %swap3A_696], %get3A_689 {strides = array<i32>} : memref<204x16xf32, #tpu.memory_space<vmem>>, vector<16xf32>,
      %add3A_698 = arith.addi %mul3A_2, %add3A_593 : i32
      %dma_start3A_699 = arith.constant 0 : i32
      %dma_start3A_700 = arith.constant 0 : i32
      %dma_start3A_701 = tpu.memref_slice %arg7[%add3A_698, %dma_start3A_699, %dma_start3A_700] : memref<4096x204x96xf32, #tpu.memory_space<hbm>> -> memref<1x204x64xf32, #tpu.memory_space<hbm>>
      %dma_start3A_702 = tpu.memref_squeeze %dma_start3A_701 : memref<1x204x64xf32, #tpu.memory_space<hbm>> -> memref<204x64xf32, #tpu.memory_space<hbm>>
      %dma_start3A_703 = arith.constant 0 : i32
      %dma_start3A_704 = arith.constant 0 : i32
      %dma_start3A_705 = tpu.memref_slice %arg7[%add3A_698, %dma_start3A_703, %dma_start3A_704] : memref<4096x204x96xf32, #tpu.memory_space<hbm>> -> memref<1x204x64xf32, #tpu.memory_space<hbm>>
      %dma_start3A_706 = tpu.memref_squeeze %dma_start3A_705 : memref<1x204x64xf32, #tpu.memory_space<hbm>> -> memref<204x64xf32, #tpu.memory_space<hbm>>
      tpu.enqueue_dma source(%arg15 : memref<204x64xf32, #tpu.memory_space<vmem>>) target(%dma_start3A_706 : memref<204x64xf32, #tpu.memory_space<hbm>>) target_semaphore(%arg21 : memref<!tpu.dma_semaphore, #tpu.memory_space<semaphore_mem>>)
      %dma_start3A_707 = arith.constant 0 : i32
      %dma_start3A_708 = arith.constant 64 : i32
      %dma_start3A_709 = tpu.memref_slice %arg7[%add3A_698, %dma_start3A_707, %dma_start3A_708] : memref<4096x204x96xf32, #tpu.memory_space<hbm>> -> memref<1x204x16xf32, #tpu.memory_space<hbm>>
      %dma_start3A_710 = tpu.memref_squeeze %dma_start3A_709 : memref<1x204x16xf32, #tpu.memory_space<hbm>> -> memref<204x16xf32, #tpu.memory_space<hbm>>
      %dma_start3A_711 = arith.constant 0 : i32
      %dma_start3A_712 = arith.constant 64 : i32
      %dma_start3A_713 = tpu.memref_slice %arg7[%add3A_698, %dma_start3A_711, %dma_start3A_712] : memref<4096x204x96xf32, #tpu.memory_space<hbm>> -> memref<1x204x16xf32, #tpu.memory_space<hbm>>
      %dma_start3A_714 = tpu.memref_squeeze %dma_start3A_713 : memref<1x204x16xf32, #tpu.memory_space<hbm>> -> memref<204x16xf32, #tpu.memory_space<hbm>>
      tpu.enqueue_dma source(%arg16 : memref<204x16xf32, #tpu.memory_space<vmem>>) target(%dma_start3A_714 : memref<204x16xf32, #tpu.memory_space<hbm>>) target_semaphore(%arg21 : memref<!tpu.dma_semaphore, #tpu.memory_space<semaphore_mem>>)
      %dma_start3A_715 = arith.constant 0 : i32
      %dma_start3A_716 = arith.constant 80 : i32
      %dma_start3A_717 = tpu.memref_slice %arg7[%add3A_698, %dma_start3A_715, %dma_start3A_716] : memref<4096x204x96xf32, #tpu.memory_space<hbm>> -> memref<1x204x16xf32, #tpu.memory_space<hbm>>
      %dma_start3A_718 = tpu.memref_squeeze %dma_start3A_717 : memref<1x204x16xf32, #tpu.memory_space<hbm>> -> memref<204x16xf32, #tpu.memory_space<hbm>>
      %dma_start3A_719 = arith.constant 0 : i32
      %dma_start3A_720 = arith.constant 80 : i32
      %dma_start3A_721 = tpu.memref_slice %arg7[%add3A_698, %dma_start3A_719, %dma_start3A_720] : memref<4096x204x96xf32, #tpu.memory_space<hbm>> -> memref<1x204x16xf32, #tpu.memory_space<hbm>>
      %dma_start3A_722 = tpu.memref_squeeze %dma_start3A_721 : memref<1x204x16xf32, #tpu.memory_space<hbm>> -> memref<204x16xf32, #tpu.memory_space<hbm>>
      tpu.enqueue_dma source(%arg17 : memref<204x16xf32, #tpu.memory_space<vmem>>) target(%dma_start3A_722 : memref<204x16xf32, #tpu.memory_space<hbm>>) target_semaphore(%arg21 : memref<!tpu.dma_semaphore, #tpu.memory_space<semaphore_mem>>)
      %add3A_723 = arith.constant 1 : i32
      %add3A_724 = arith.addi %add3A_593, %add3A_723 : i32
      %rem3A_725 = arith.constant 16 : i32
      %rem3A_726 = arith.remsi %add3A_724, %rem3A_725 : i32
      %eq3A_727 = arith.constant 0 : i32
      %eq3A_728 = arith.cmpi eq, %rem3A_726, %eq3A_727 : i32
      %convert_element_type3A_729 = arith.extui %eq3A_728 : i1 to i32
      %cond3A_730 = arith.constant 0 : i32
      %cond3A_731 = arith.cmpi ne, %convert_element_type3A_729, %cond3A_730 : i32
      scf.if %cond3A_731 {
        %add3A_1042 = arith.addi %mul3A_2, %add3A_724 : i32
        %multiple_of3A = tpu.assume_multiple %add3A_1042, 16 : i32
        "tpu.region"() ({
          %run_scoped3A = tpu.sem_alloc : memref<!tpu.dma_semaphore, #tpu.memory_space<semaphore_mem>>
          %dma_start3A_1043 = arith.constant 0 : i32
          %dma_start3A_1044 = tpu.memref_slice %arg2[%multiple_of3A, %dma_start3A_1043] : memref<4096x200xi32, #tpu.memory_space<hbm>> -> memref<16x200xi32, #tpu.memory_space<hbm>>
          %dma_start3A_1045 = arith.constant 0 : i32
          %dma_start3A_1046 = tpu.memref_slice %arg2[%multiple_of3A, %dma_start3A_1045] : memref<4096x200xi32, #tpu.memory_space<hbm>> -> memref<16x200xi32, #tpu.memory_space<hbm>>
          tpu.enqueue_dma source(%dma_start3A_1046 : memref<16x200xi32, #tpu.memory_space<hbm>>) target(%arg8 : memref<16x200xi32, #tpu.memory_space<vmem>>) target_semaphore(%run_scoped3A : memref<!tpu.dma_semaphore, #tpu.memory_space<semaphore_mem>>)
          %dma_wait3A_1047 = arith.constant 0 : i32
          %dma_wait3A_1048 = tpu.memref_slice %arg2[%multiple_of3A, %dma_wait3A_1047] : memref<4096x200xi32, #tpu.memory_space<hbm>> -> memref<16x200xi32, #tpu.memory_space<hbm>>
          %dma_wait3A_1049 = arith.constant 0 : i32
          %dma_wait3A_1050 = tpu.memref_slice %arg2[%multiple_of3A, %dma_wait3A_1049] : memref<4096x200xi32, #tpu.memory_space<hbm>> -> memref<16x200xi32, #tpu.memory_space<hbm>>
          tpu.wait_dma2 semaphore(%run_scoped3A : memref<!tpu.dma_semaphore, #tpu.memory_space<semaphore_mem>>) src(%dma_wait3A_1050 : memref<16x200xi32, #tpu.memory_space<hbm>>) dst(%arg8 : memref<16x200xi32, #tpu.memory_space<vmem>>)
          tpu.yield
        }) : () -> ()
        "tpu.region"() ({
          %run_scoped3A = tpu.sem_alloc : memref<!tpu.dma_semaphore, #tpu.memory_space<semaphore_mem>>
          %dma_start3A_1043 = arith.constant 0 : i32
          %dma_start3A_1044 = tpu.memref_slice %arg3[%multiple_of3A, %dma_start3A_1043] : memref<4096x200xi32, #tpu.memory_space<hbm>> -> memref<16x200xi32, #tpu.memory_space<hbm>>
          %dma_start3A_1045 = arith.constant 0 : i32
          %dma_start3A_1046 = tpu.memref_slice %arg3[%multiple_of3A, %dma_start3A_1045] : memref<4096x200xi32, #tpu.memory_space<hbm>> -> memref<16x200xi32, #tpu.memory_space<hbm>>
          tpu.enqueue_dma source(%dma_start3A_1046 : memref<16x200xi32, #tpu.memory_space<hbm>>) target(%arg9 : memref<16x200xi32, #tpu.memory_space<vmem>>) target_semaphore(%run_scoped3A : memref<!tpu.dma_semaphore, #tpu.memory_space<semaphore_mem>>)
          %dma_wait3A_1047 = arith.constant 0 : i32
          %dma_wait3A_1048 = tpu.memref_slice %arg3[%multiple_of3A, %dma_wait3A_1047] : memref<4096x200xi32, #tpu.memory_space<hbm>> -> memref<16x200xi32, #tpu.memory_space<hbm>>
          %dma_wait3A_1049 = arith.constant 0 : i32
          %dma_wait3A_1050 = tpu.memref_slice %arg3[%multiple_of3A, %dma_wait3A_1049] : memref<4096x200xi32, #tpu.memory_space<hbm>> -> memref<16x200xi32, #tpu.memory_space<hbm>>
          tpu.wait_dma2 semaphore(%run_scoped3A : memref<!tpu.dma_semaphore, #tpu.memory_space<semaphore_mem>>) src(%dma_wait3A_1050 : memref<16x200xi32, #tpu.memory_space<hbm>>) dst(%arg9 : memref<16x200xi32, #tpu.memory_space<vmem>>)
          tpu.yield
        }) : () -> ()
        "tpu.region"() ({
          %run_scoped3A = tpu.sem_alloc : memref<!tpu.dma_semaphore, #tpu.memory_space<semaphore_mem>>
          %dma_start3A_1043 = arith.constant 0 : i32
          %dma_start3A_1044 = tpu.memref_slice %arg4[%multiple_of3A, %dma_start3A_1043] : memref<4096x200xi32, #tpu.memory_space<hbm>> -> memref<16x200xi32, #tpu.memory_space<hbm>>
          %dma_start3A_1045 = arith.constant 0 : i32
          %dma_start3A_1046 = tpu.memref_slice %arg4[%multiple_of3A, %dma_start3A_1045] : memref<4096x200xi32, #tpu.memory_space<hbm>> -> memref<16x200xi32, #tpu.memory_space<hbm>>
          tpu.enqueue_dma source(%dma_start3A_1046 : memref<16x200xi32, #tpu.memory_space<hbm>>) target(%arg10 : memref<16x200xi32, #tpu.memory_space<vmem>>) target_semaphore(%run_scoped3A : memref<!tpu.dma_semaphore, #tpu.memory_space<semaphore_mem>>)
          %dma_wait3A_1047 = arith.constant 0 : i32
          %dma_wait3A_1048 = tpu.memref_slice %arg4[%multiple_of3A, %dma_wait3A_1047] : memref<4096x200xi32, #tpu.memory_space<hbm>> -> memref<16x200xi32, #tpu.memory_space<hbm>>
          %dma_wait3A_1049 = arith.constant 0 : i32
          %dma_wait3A_1050 = tpu.memref_slice %arg4[%multiple_of3A, %dma_wait3A_1049] : memref<4096x200xi32, #tpu.memory_space<hbm>> -> memref<16x200xi32, #tpu.memory_space<hbm>>
          tpu.wait_dma2 semaphore(%run_scoped3A : memref<!tpu.dma_semaphore, #tpu.memory_space<semaphore_mem>>) src(%dma_wait3A_1050 : memref<16x200xi32, #tpu.memory_space<hbm>>) dst(%arg10 : memref<16x200xi32, #tpu.memory_space<vmem>>)
          tpu.yield
        }) : () -> ()
      } else {
      }
      %add3A_732 = arith.addi %mul3A_2, %add3A_593 : i32
      %sub3A_733 = arith.constant 1 : i32
      %sub3A_734 = arith.subi %add3A_732, %sub3A_733 : i32
      %dma_wait3A_735 = arith.constant 0 : i32
      %dma_wait3A_736 = arith.constant 0 : i32
      %dma_wait3A_737 = tpu.memref_slice %arg7[%sub3A_734, %dma_wait3A_735, %dma_wait3A_736] : memref<4096x204x96xf32, #tpu.memory_space<hbm>> -> memref<1x204x64xf32, #tpu.memory_space<hbm>>
      %dma_wait3A_738 = tpu.memref_squeeze %dma_wait3A_737 : memref<1x204x64xf32, #tpu.memory_space<hbm>> -> memref<204x64xf32, #tpu.memory_space<hbm>>
      %dma_wait3A_739 = arith.constant 0 : i32
      %dma_wait3A_740 = arith.constant 0 : i32
      %dma_wait3A_741 = tpu.memref_slice %arg7[%sub3A_734, %dma_wait3A_739, %dma_wait3A_740] : memref<4096x204x96xf32, #tpu.memory_space<hbm>> -> memref<1x204x64xf32, #tpu.memory_space<hbm>>
      %dma_wait3A_742 = tpu.memref_squeeze %dma_wait3A_741 : memref<1x204x64xf32, #tpu.memory_space<hbm>> -> memref<204x64xf32, #tpu.memory_space<hbm>>
      tpu.wait_dma2 semaphore(%arg20 : memref<!tpu.dma_semaphore, #tpu.memory_space<semaphore_mem>>) src(%arg12 : memref<204x64xf32, #tpu.memory_space<vmem>>) dst(%dma_wait3A_742 : memref<204x64xf32, #tpu.memory_space<hbm>>)
      %dma_wait3A_743 = arith.constant 0 : i32
      %dma_wait3A_744 = arith.constant 64 : i32
      %dma_wait3A_745 = tpu.memref_slice %arg7[%sub3A_734, %dma_wait3A_743, %dma_wait3A_744] : memref<4096x204x96xf32, #tpu.memory_space<hbm>> -> memref<1x204x16xf32, #tpu.memory_space<hbm>>
      %dma_wait3A_746 = tpu.memref_squeeze %dma_wait3A_745 : memref<1x204x16xf32, #tpu.memory_space<hbm>> -> memref<204x16xf32, #tpu.memory_space<hbm>>
      %dma_wait3A_747 = arith.constant 0 : i32
      %dma_wait3A_748 = arith.constant 64 : i32
      %dma_wait3A_749 = tpu.memref_slice %arg7[%sub3A_734, %dma_wait3A_747, %dma_wait3A_748] : memref<4096x204x96xf32, #tpu.memory_space<hbm>> -> memref<1x204x16xf32, #tpu.memory_space<hbm>>
      %dma_wait3A_750 = tpu.memref_squeeze %dma_wait3A_749 : memref<1x204x16xf32, #tpu.memory_space<hbm>> -> memref<204x16xf32, #tpu.memory_space<hbm>>
      tpu.wait_dma2 semaphore(%arg20 : memref<!tpu.dma_semaphore, #tpu.memory_space<semaphore_mem>>) src(%arg13 : memref<204x16xf32, #tpu.memory_space<vmem>>) dst(%dma_wait3A_750 : memref<204x16xf32, #tpu.memory_space<hbm>>)
      %dma_wait3A_751 = arith.constant 0 : i32
      %dma_wait3A_752 = arith.constant 80 : i32
      %dma_wait3A_753 = tpu.memref_slice %arg7[%sub3A_734, %dma_wait3A_751, %dma_wait3A_752] : memref<4096x204x96xf32, #tpu.memory_space<hbm>> -> memref<1x204x16xf32, #tpu.memory_space<hbm>>
      %dma_wait3A_754 = tpu.memref_squeeze %dma_wait3A_753 : memref<1x204x16xf32, #tpu.memory_space<hbm>> -> memref<204x16xf32, #tpu.memory_space<hbm>>
      %dma_wait3A_755 = arith.constant 0 : i32
      %dma_wait3A_756 = arith.constant 80 : i32
      %dma_wait3A_757 = tpu.memref_slice %arg7[%sub3A_734, %dma_wait3A_755, %dma_wait3A_756] : memref<4096x204x96xf32, #tpu.memory_space<hbm>> -> memref<1x204x16xf32, #tpu.memory_space<hbm>>
      %dma_wait3A_758 = tpu.memref_squeeze %dma_wait3A_757 : memref<1x204x16xf32, #tpu.memory_space<hbm>> -> memref<204x16xf32, #tpu.memory_space<hbm>>
      tpu.wait_dma2 semaphore(%arg20 : memref<!tpu.dma_semaphore, #tpu.memory_space<semaphore_mem>>) src(%arg14 : memref<204x16xf32, #tpu.memory_space<vmem>>) dst(%dma_wait3A_758 : memref<204x16xf32, #tpu.memory_space<hbm>>)
      %add3A_759 = arith.constant 1 : i32
      %add3A_760 = arith.addi %add3A_593, %add3A_759 : i32
      %rem3A_761 = arith.constant 16 : i32
      %rem3A_762 = arith.remsi %add3A_760, %rem3A_761 : i32
      %dma_start3A_763 = arith.constant 2 : i32
      %dma_start3A_764 = arith.constant 0 : i32
      %dma_start3A_765 = tpu.memref_slice %arg12[%dma_start3A_763, %dma_start3A_764] : memref<204x64xf32, #tpu.memory_space<vmem>> -> memref<104x64xf32, #tpu.memory_space<vmem>>
      %dma_start3A_766 = arith.constant 0 : i32
      %dma_start3A_767 = tpu.memref_slice %arg8[%rem3A_762, %dma_start3A_766] : memref<16x200xi32, #tpu.memory_space<vmem>> -> memref<1x104xi32, #tpu.memory_space<vmem>>
      %dma_start3A_768 = tpu.memref_squeeze %dma_start3A_767 : memref<1x104xi32, #tpu.memory_space<vmem>> -> memref<104xi32, #tpu.memory_space<vmem>>
      %dma_start3A_769 = arith.constant 0 : i32
      %dma_start3A_770 = arith.constant 0 : i32
      %dma_start3A_771 = tpu.memref_slice %arg5[%dma_start3A_769, %dma_start3A_770] : memref<1000000x64xf32, #tpu.memory_space<hbm>> -> memref<1000000x64xf32, #tpu.memory_space<hbm>>
      tpu.enqueue_indirect_dma source(%dma_start3A_771 : memref<1000000x64xf32, #tpu.memory_space<hbm>>) target(%dma_start3A_765 : memref<104x64xf32, #tpu.memory_space<vmem>>) offsets(%dma_start3A_768 : memref<104xi32, #tpu.memory_space<vmem>>) semaphore(%arg18 : memref<!tpu.dma_semaphore, #tpu.memory_space<semaphore_mem>>)
      %dma_start3A_772 = arith.constant 2 : i32
      %dma_start3A_773 = arith.constant 0 : i32
      %dma_start3A_774 = tpu.memref_slice %arg13[%dma_start3A_772, %dma_start3A_773] : memref<204x16xf32, #tpu.memory_space<vmem>> -> memref<104x16xf32, #tpu.memory_space<vmem>>
      %dma_start3A_775 = arith.constant 0 : i32
      %dma_start3A_776 = tpu.memref_slice %arg9[%rem3A_762, %dma_start3A_775] : memref<16x200xi32, #tpu.memory_space<vmem>> -> memref<1x104xi32, #tpu.memory_space<vmem>>
      %dma_start3A_777 = tpu.memref_squeeze %dma_start3A_776 : memref<1x104xi32, #tpu.memory_space<vmem>> -> memref<104xi32, #tpu.memory_space<vmem>>
      %dma_start3A_778 = arith.constant 0 : i32
      %dma_start3A_779 = arith.constant 0 : i32
      %dma_start3A_780 = tpu.memref_slice %arg6[%dma_start3A_778, %dma_start3A_779] : memref<400x16xf32, #tpu.memory_space<hbm>> -> memref<400x16xf32, #tpu.memory_space<hbm>>
      tpu.enqueue_indirect_dma source(%dma_start3A_780 : memref<400x16xf32, #tpu.memory_space<hbm>>) target(%dma_start3A_774 : memref<104x16xf32, #tpu.memory_space<vmem>>) offsets(%dma_start3A_777 : memref<104xi32, #tpu.memory_space<vmem>>) semaphore(%arg18 : memref<!tpu.dma_semaphore, #tpu.memory_space<semaphore_mem>>)
      %dma_start3A_781 = arith.constant 2 : i32
      %dma_start3A_782 = arith.constant 0 : i32
      %dma_start3A_783 = tpu.memref_slice %arg14[%dma_start3A_781, %dma_start3A_782] : memref<204x16xf32, #tpu.memory_space<vmem>> -> memref<104x16xf32, #tpu.memory_space<vmem>>
      %dma_start3A_784 = arith.constant 0 : i32
      %dma_start3A_785 = tpu.memref_slice %arg10[%rem3A_762, %dma_start3A_784] : memref<16x200xi32, #tpu.memory_space<vmem>> -> memref<1x104xi32, #tpu.memory_space<vmem>>
      %dma_start3A_786 = tpu.memref_squeeze %dma_start3A_785 : memref<1x104xi32, #tpu.memory_space<vmem>> -> memref<104xi32, #tpu.memory_space<vmem>>
      %dma_start3A_787 = arith.constant 0 : i32
      %dma_start3A_788 = arith.constant 0 : i32
      %dma_start3A_789 = tpu.memref_slice %arg6[%dma_start3A_787, %dma_start3A_788] : memref<400x16xf32, #tpu.memory_space<hbm>> -> memref<400x16xf32, #tpu.memory_space<hbm>>
      tpu.enqueue_indirect_dma source(%dma_start3A_789 : memref<400x16xf32, #tpu.memory_space<hbm>>) target(%dma_start3A_783 : memref<104x16xf32, #tpu.memory_space<vmem>>) offsets(%dma_start3A_786 : memref<104xi32, #tpu.memory_space<vmem>>) semaphore(%arg18 : memref<!tpu.dma_semaphore, #tpu.memory_space<semaphore_mem>>)
      %dma_start3A_790 = arith.constant 106 : i32
      %dma_start3A_791 = arith.constant 0 : i32
      %dma_start3A_792 = tpu.memref_slice %arg12[%dma_start3A_790, %dma_start3A_791] : memref<204x64xf32, #tpu.memory_space<vmem>> -> memref<96x64xf32, #tpu.memory_space<vmem>>
      %dma_start3A_793 = arith.constant 104 : i32
      %dma_start3A_794 = tpu.memref_slice %arg8[%rem3A_762, %dma_start3A_793] : memref<16x200xi32, #tpu.memory_space<vmem>> -> memref<1x96xi32, #tpu.memory_space<vmem>>
      %dma_start3A_795 = tpu.memref_squeeze %dma_start3A_794 : memref<1x96xi32, #tpu.memory_space<vmem>> -> memref<96xi32, #tpu.memory_space<vmem>>
      %dma_start3A_796 = arith.constant 0 : i32
      %dma_start3A_797 = arith.constant 0 : i32
      %dma_start3A_798 = tpu.memref_slice %arg5[%dma_start3A_796, %dma_start3A_797] : memref<1000000x64xf32, #tpu.memory_space<hbm>> -> memref<1000000x64xf32, #tpu.memory_space<hbm>>
      tpu.enqueue_indirect_dma source(%dma_start3A_798 : memref<1000000x64xf32, #tpu.memory_space<hbm>>) target(%dma_start3A_792 : memref<96x64xf32, #tpu.memory_space<vmem>>) offsets(%dma_start3A_795 : memref<96xi32, #tpu.memory_space<vmem>>) semaphore(%arg18 : memref<!tpu.dma_semaphore, #tpu.memory_space<semaphore_mem>>)
      %dma_start3A_799 = arith.constant 106 : i32
      %dma_start3A_800 = arith.constant 0 : i32
      %dma_start3A_801 = tpu.memref_slice %arg13[%dma_start3A_799, %dma_start3A_800] : memref<204x16xf32, #tpu.memory_space<vmem>> -> memref<96x16xf32, #tpu.memory_space<vmem>>
      %dma_start3A_802 = arith.constant 104 : i32
      %dma_start3A_803 = tpu.memref_slice %arg9[%rem3A_762, %dma_start3A_802] : memref<16x200xi32, #tpu.memory_space<vmem>> -> memref<1x96xi32, #tpu.memory_space<vmem>>
      %dma_start3A_804 = tpu.memref_squeeze %dma_start3A_803 : memref<1x96xi32, #tpu.memory_space<vmem>> -> memref<96xi32, #tpu.memory_space<vmem>>
      %dma_start3A_805 = arith.constant 0 : i32
      %dma_start3A_806 = arith.constant 0 : i32
      %dma_start3A_807 = tpu.memref_slice %arg6[%dma_start3A_805, %dma_start3A_806] : memref<400x16xf32, #tpu.memory_space<hbm>> -> memref<400x16xf32, #tpu.memory_space<hbm>>
      tpu.enqueue_indirect_dma source(%dma_start3A_807 : memref<400x16xf32, #tpu.memory_space<hbm>>) target(%dma_start3A_801 : memref<96x16xf32, #tpu.memory_space<vmem>>) offsets(%dma_start3A_804 : memref<96xi32, #tpu.memory_space<vmem>>) semaphore(%arg18 : memref<!tpu.dma_semaphore, #tpu.memory_space<semaphore_mem>>)
      %dma_start3A_808 = arith.constant 106 : i32
      %dma_start3A_809 = arith.constant 0 : i32
      %dma_start3A_810 = tpu.memref_slice %arg14[%dma_start3A_808, %dma_start3A_809] : memref<204x16xf32, #tpu.memory_space<vmem>> -> memref<96x16xf32, #tpu.memory_space<vmem>>
      %dma_start3A_811 = arith.constant 104 : i32
      %dma_start3A_812 = tpu.memref_slice %arg10[%rem3A_762, %dma_start3A_811] : memref<16x200xi32, #tpu.memory_space<vmem>> -> memref<1x96xi32, #tpu.memory_space<vmem>>
      %dma_start3A_813 = tpu.memref_squeeze %dma_start3A_812 : memref<1x96xi32, #tpu.memory_space<vmem>> -> memref<96xi32, #tpu.memory_space<vmem>>
      %dma_start3A_814 = arith.constant 0 : i32
      %dma_start3A_815 = arith.constant 0 : i32
      %dma_start3A_816 = tpu.memref_slice %arg6[%dma_start3A_814, %dma_start3A_815] : memref<400x16xf32, #tpu.memory_space<hbm>> -> memref<400x16xf32, #tpu.memory_space<hbm>>
      tpu.enqueue_indirect_dma source(%dma_start3A_816 : memref<400x16xf32, #tpu.memory_space<hbm>>) target(%dma_start3A_810 : memref<96x16xf32, #tpu.memory_space<vmem>>) offsets(%dma_start3A_813 : memref<96xi32, #tpu.memory_space<vmem>>) semaphore(%arg18 : memref<!tpu.dma_semaphore, #tpu.memory_space<semaphore_mem>>)
      %add3A_817 = arith.constant 1 : i32
      %add3A_818 = arith.addi %add3A_593, %add3A_817 : i32
      %rem3A_819 = arith.constant 16 : i32
      %rem3A_820 = arith.remsi %add3A_818, %rem3A_819 : i32
      %dma_wait3A_821 = arith.constant 2 : i32
      %dma_wait3A_822 = arith.constant 0 : i32
      %dma_wait3A_823 = tpu.memref_slice %arg12[%dma_wait3A_821, %dma_wait3A_822] : memref<204x64xf32, #tpu.memory_space<vmem>> -> memref<104x64xf32, #tpu.memory_space<vmem>>
      %dma_wait3A_824 = arith.constant 0 : i32
      %dma_wait3A_825 = tpu.memref_slice %arg8[%rem3A_820, %dma_wait3A_824] : memref<16x200xi32, #tpu.memory_space<vmem>> -> memref<1x104xi32, #tpu.memory_space<vmem>>
      %dma_wait3A_826 = tpu.memref_squeeze %dma_wait3A_825 : memref<1x104xi32, #tpu.memory_space<vmem>> -> memref<104xi32, #tpu.memory_space<vmem>>
      %dma_wait3A_827 = arith.constant 0 : i32
      %dma_wait3A_828 = arith.constant 0 : i32
      %dma_wait3A_829 = tpu.memref_slice %arg5[%dma_wait3A_827, %dma_wait3A_828] : memref<1000000x64xf32, #tpu.memory_space<hbm>> -> memref<1000000x64xf32, #tpu.memory_space<hbm>>
      tpu.wait_indirect_dma semaphore(%arg18 : memref<!tpu.dma_semaphore, #tpu.memory_space<semaphore_mem>>) src(%dma_wait3A_829 : memref<1000000x64xf32, #tpu.memory_space<hbm>>) dst(%dma_wait3A_823 : memref<104x64xf32, #tpu.memory_space<vmem>>)
      %dma_wait3A_830 = arith.constant 2 : i32
      %dma_wait3A_831 = arith.constant 0 : i32
      %dma_wait3A_832 = tpu.memref_slice %arg13[%dma_wait3A_830, %dma_wait3A_831] : memref<204x16xf32, #tpu.memory_space<vmem>> -> memref<104x16xf32, #tpu.memory_space<vmem>>
      %dma_wait3A_833 = arith.constant 0 : i32
      %dma_wait3A_834 = tpu.memref_slice %arg9[%rem3A_820, %dma_wait3A_833] : memref<16x200xi32, #tpu.memory_space<vmem>> -> memref<1x104xi32, #tpu.memory_space<vmem>>
      %dma_wait3A_835 = tpu.memref_squeeze %dma_wait3A_834 : memref<1x104xi32, #tpu.memory_space<vmem>> -> memref<104xi32, #tpu.memory_space<vmem>>
      %dma_wait3A_836 = arith.constant 0 : i32
      %dma_wait3A_837 = arith.constant 0 : i32
      %dma_wait3A_838 = tpu.memref_slice %arg6[%dma_wait3A_836, %dma_wait3A_837] : memref<400x16xf32, #tpu.memory_space<hbm>> -> memref<400x16xf32, #tpu.memory_space<hbm>>
      tpu.wait_indirect_dma semaphore(%arg18 : memref<!tpu.dma_semaphore, #tpu.memory_space<semaphore_mem>>) src(%dma_wait3A_838 : memref<400x16xf32, #tpu.memory_space<hbm>>) dst(%dma_wait3A_832 : memref<104x16xf32, #tpu.memory_space<vmem>>)
      %dma_wait3A_839 = arith.constant 2 : i32
      %dma_wait3A_840 = arith.constant 0 : i32
      %dma_wait3A_841 = tpu.memref_slice %arg14[%dma_wait3A_839, %dma_wait3A_840] : memref<204x16xf32, #tpu.memory_space<vmem>> -> memref<104x16xf32, #tpu.memory_space<vmem>>
      %dma_wait3A_842 = arith.constant 0 : i32
      %dma_wait3A_843 = tpu.memref_slice %arg10[%rem3A_820, %dma_wait3A_842] : memref<16x200xi32, #tpu.memory_space<vmem>> -> memref<1x104xi32, #tpu.memory_space<vmem>>
      %dma_wait3A_844 = tpu.memref_squeeze %dma_wait3A_843 : memref<1x104xi32, #tpu.memory_space<vmem>> -> memref<104xi32, #tpu.memory_space<vmem>>
      %dma_wait3A_845 = arith.constant 0 : i32
      %dma_wait3A_846 = arith.constant 0 : i32
      %dma_wait3A_847 = tpu.memref_slice %arg6[%dma_wait3A_845, %dma_wait3A_846] : memref<400x16xf32, #tpu.memory_space<hbm>> -> memref<400x16xf32, #tpu.memory_space<hbm>>
      tpu.wait_indirect_dma semaphore(%arg18 : memref<!tpu.dma_semaphore, #tpu.memory_space<semaphore_mem>>) src(%dma_wait3A_847 : memref<400x16xf32, #tpu.memory_space<hbm>>) dst(%dma_wait3A_841 : memref<104x16xf32, #tpu.memory_space<vmem>>)
      %dma_wait3A_848 = arith.constant 106 : i32
      %dma_wait3A_849 = arith.constant 0 : i32
      %dma_wait3A_850 = tpu.memref_slice %arg12[%dma_wait3A_848, %dma_wait3A_849] : memref<204x64xf32, #tpu.memory_space<vmem>> -> memref<96x64xf32, #tpu.memory_space<vmem>>
      %dma_wait3A_851 = arith.constant 104 : i32
      %dma_wait3A_852 = tpu.memref_slice %arg8[%rem3A_820, %dma_wait3A_851] : memref<16x200xi32, #tpu.memory_space<vmem>> -> memref<1x96xi32, #tpu.memory_space<vmem>>
      %dma_wait3A_853 = tpu.memref_squeeze %dma_wait3A_852 : memref<1x96xi32, #tpu.memory_space<vmem>> -> memref<96xi32, #tpu.memory_space<vmem>>
      %dma_wait3A_854 = arith.constant 0 : i32
      %dma_wait3A_855 = arith.constant 0 : i32
      %dma_wait3A_856 = tpu.memref_slice %arg5[%dma_wait3A_854, %dma_wait3A_855] : memref<1000000x64xf32, #tpu.memory_space<hbm>> -> memref<1000000x64xf32, #tpu.memory_space<hbm>>
      tpu.wait_indirect_dma semaphore(%arg18 : memref<!tpu.dma_semaphore, #tpu.memory_space<semaphore_mem>>) src(%dma_wait3A_856 : memref<1000000x64xf32, #tpu.memory_space<hbm>>) dst(%dma_wait3A_850 : memref<96x64xf32, #tpu.memory_space<vmem>>)
      %dma_wait3A_857 = arith.constant 106 : i32
      %dma_wait3A_858 = arith.constant 0 : i32
      %dma_wait3A_859 = tpu.memref_slice %arg13[%dma_wait3A_857, %dma_wait3A_858] : memref<204x16xf32, #tpu.memory_space<vmem>> -> memref<96x16xf32, #tpu.memory_space<vmem>>
      %dma_wait3A_860 = arith.constant 104 : i32
      %dma_wait3A_861 = tpu.memref_slice %arg9[%rem3A_820, %dma_wait3A_860] : memref<16x200xi32, #tpu.memory_space<vmem>> -> memref<1x96xi32, #tpu.memory_space<vmem>>
      %dma_wait3A_862 = tpu.memref_squeeze %dma_wait3A_861 : memref<1x96xi32, #tpu.memory_space<vmem>> -> memref<96xi32, #tpu.memory_space<vmem>>
      %dma_wait3A_863 = arith.constant 0 : i32
      %dma_wait3A_864 = arith.constant 0 : i32
      %dma_wait3A_865 = tpu.memref_slice %arg6[%dma_wait3A_863, %dma_wait3A_864] : memref<400x16xf32, #tpu.memory_space<hbm>> -> memref<400x16xf32, #tpu.memory_space<hbm>>
      tpu.wait_indirect_dma semaphore(%arg18 : memref<!tpu.dma_semaphore, #tpu.memory_space<semaphore_mem>>) src(%dma_wait3A_865 : memref<400x16xf32, #tpu.memory_space<hbm>>) dst(%dma_wait3A_859 : memref<96x16xf32, #tpu.memory_space<vmem>>)
      %dma_wait3A_866 = arith.constant 106 : i32
      %dma_wait3A_867 = arith.constant 0 : i32
      %dma_wait3A_868 = tpu.memref_slice %arg14[%dma_wait3A_866, %dma_wait3A_867] : memref<204x16xf32, #tpu.memory_space<vmem>> -> memref<96x16xf32, #tpu.memory_space<vmem>>
      %dma_wait3A_869 = arith.constant 104 : i32
      %dma_wait3A_870 = tpu.memref_slice %arg10[%rem3A_820, %dma_wait3A_869] : memref<16x200xi32, #tpu.memory_space<vmem>> -> memref<1x96xi32, #tpu.memory_space<vmem>>
      %dma_wait3A_871 = tpu.memref_squeeze %dma_wait3A_870 : memref<1x96xi32, #tpu.memory_space<vmem>> -> memref<96xi32, #tpu.memory_space<vmem>>
      %dma_wait3A_872 = arith.constant 0 : i32
      %dma_wait3A_873 = arith.constant 0 : i32
      %dma_wait3A_874 = tpu.memref_slice %arg6[%dma_wait3A_872, %dma_wait3A_873] : memref<400x16xf32, #tpu.memory_space<hbm>> -> memref<400x16xf32, #tpu.memory_space<hbm>>
      tpu.wait_indirect_dma semaphore(%arg18 : memref<!tpu.dma_semaphore, #tpu.memory_space<semaphore_mem>>) src(%dma_wait3A_874 : memref<400x16xf32, #tpu.memory_space<hbm>>) dst(%dma_wait3A_868 : memref<96x16xf32, #tpu.memory_space<vmem>>)
      %get3A_875 = arith.constant 2 : i32
      %get3A_876 = arith.index_cast %get3A_875 : i32 to index
      %get3A_877 = arith.constant 0 : index
      %get3A_878 = tpu.vector_load %arg13[%get3A_876, %get3A_877] {strides = array<i32>} : memref<204x16xf32, #tpu.memory_space<vmem>>, vector<16xf32>,
      %swap3A_879 = arith.constant 0 : i32
      %swap3A_880 = arith.index_cast %swap3A_879 : i32 to index
      %swap3A_881 = arith.constant 0 : index
      %swap3A_882 = tpu.vector_load %arg13[%swap3A_880, %swap3A_881] {strides = array<i32>} : memref<204x16xf32, #tpu.memory_space<vmem>>, vector<16xf32>,
      tpu.vector_store %arg13[%swap3A_880, %swap3A_881], %get3A_878 {strides = array<i32>} : memref<204x16xf32, #tpu.memory_space<vmem>>, vector<16xf32>,
      %swap3A_883 = arith.constant 1 : i32
      %swap3A_884 = arith.index_cast %swap3A_883 : i32 to index
      %swap3A_885 = arith.constant 0 : index
      %swap3A_886 = tpu.vector_load %arg13[%swap3A_884, %swap3A_885] {strides = array<i32>} : memref<204x16xf32, #tpu.memory_space<vmem>>, vector<16xf32>,
      tpu.vector_store %arg13[%swap3A_884, %swap3A_885], %get3A_878 {strides = array<i32>} : memref<204x16xf32, #tpu.memory_space<vmem>>, vector<16xf32>,
      %get3A_887 = arith.constant 201 : i32
      %get3A_888 = arith.index_cast %get3A_887 : i32 to index
      %get3A_889 = arith.constant 0 : index
      %get3A_890 = tpu.vector_load %arg13[%get3A_888, %get3A_889] {strides = array<i32>} : memref<204x16xf32, #tpu.memory_space<vmem>>, vector<16xf32>,
      %swap3A_891 = arith.constant 202 : i32
      %swap3A_892 = arith.index_cast %swap3A_891 : i32 to index
      %swap3A_893 = arith.constant 0 : index
      %swap3A_894 = tpu.vector_load %arg13[%swap3A_892, %swap3A_893] {strides = array<i32>} : memref<204x16xf32, #tpu.memory_space<vmem>>, vector<16xf32>,
      tpu.vector_store %arg13[%swap3A_892, %swap3A_893], %get3A_890 {strides = array<i32>} : memref<204x16xf32, #tpu.memory_space<vmem>>, vector<16xf32>,
      %swap3A_895 = arith.constant 203 : i32
      %swap3A_896 = arith.index_cast %swap3A_895 : i32 to index
      %swap3A_897 = arith.constant 0 : index
      %swap3A_898 = tpu.vector_load %arg13[%swap3A_896, %swap3A_897] {strides = array<i32>} : memref<204x16xf32, #tpu.memory_space<vmem>>, vector<16xf32>,
      tpu.vector_store %arg13[%swap3A_896, %swap3A_897], %get3A_890 {strides = array<i32>} : memref<204x16xf32, #tpu.memory_space<vmem>>, vector<16xf32>,
      %get3A_899 = arith.constant 2 : i32
      %get3A_900 = arith.index_cast %get3A_899 : i32 to index
      %get3A_901 = arith.constant 0 : index
      %get3A_902 = tpu.vector_load %arg14[%get3A_900, %get3A_901] {strides = array<i32>} : memref<204x16xf32, #tpu.memory_space<vmem>>, vector<16xf32>,
      %swap3A_903 = arith.constant 0 : i32
      %swap3A_904 = arith.index_cast %swap3A_903 : i32 to index
      %swap3A_905 = arith.constant 0 : index
      %swap3A_906 = tpu.vector_load %arg14[%swap3A_904, %swap3A_905] {strides = array<i32>} : memref<204x16xf32, #tpu.memory_space<vmem>>, vector<16xf32>,
      tpu.vector_store %arg14[%swap3A_904, %swap3A_905], %get3A_902 {strides = array<i32>} : memref<204x16xf32, #tpu.memory_space<vmem>>, vector<16xf32>,
      %swap3A_907 = arith.constant 1 : i32
      %swap3A_908 = arith.index_cast %swap3A_907 : i32 to index
      %swap3A_909 = arith.constant 0 : index
      %swap3A_910 = tpu.vector_load %arg14[%swap3A_908, %swap3A_909] {strides = array<i32>} : memref<204x16xf32, #tpu.memory_space<vmem>>, vector<16xf32>,
      tpu.vector_store %arg14[%swap3A_908, %swap3A_909], %get3A_902 {strides = array<i32>} : memref<204x16xf32, #tpu.memory_space<vmem>>, vector<16xf32>,
      %get3A_911 = arith.constant 201 : i32
      %get3A_912 = arith.index_cast %get3A_911 : i32 to index
      %get3A_913 = arith.constant 0 : index
      %get3A_914 = tpu.vector_load %arg14[%get3A_912, %get3A_913] {strides = array<i32>} : memref<204x16xf32, #tpu.memory_space<vmem>>, vector<16xf32>,
      %swap3A_915 = arith.constant 202 : i32
      %swap3A_916 = arith.index_cast %swap3A_915 : i32 to index
      %swap3A_917 = arith.constant 0 : index
      %swap3A_918 = tpu.vector_load %arg14[%swap3A_916, %swap3A_917] {strides = array<i32>} : memref<204x16xf32, #tpu.memory_space<vmem>>, vector<16xf32>,
      tpu.vector_store %arg14[%swap3A_916, %swap3A_917], %get3A_914 {strides = array<i32>} : memref<204x16xf32, #tpu.memory_space<vmem>>, vector<16xf32>,
      %swap3A_919 = arith.constant 203 : i32
      %swap3A_920 = arith.index_cast %swap3A_919 : i32 to index
      %swap3A_921 = arith.constant 0 : index
      %swap3A_922 = tpu.vector_load %arg14[%swap3A_920, %swap3A_921] {strides = array<i32>} : memref<204x16xf32, #tpu.memory_space<vmem>>, vector<16xf32>,
      tpu.vector_store %arg14[%swap3A_920, %swap3A_921], %get3A_914 {strides = array<i32>} : memref<204x16xf32, #tpu.memory_space<vmem>>, vector<16xf32>,
      %add3A_923 = arith.addi %mul3A_2, %add3A_818 : i32
      %dma_start3A_924 = arith.constant 0 : i32
      %dma_start3A_925 = arith.constant 0 : i32
      %dma_start3A_926 = tpu.memref_slice %arg7[%add3A_923, %dma_start3A_924, %dma_start3A_925] : memref<4096x204x96xf32, #tpu.memory_space<hbm>> -> memref<1x204x64xf32, #tpu.memory_space<hbm>>
      %dma_start3A_927 = tpu.memref_squeeze %dma_start3A_926 : memref<1x204x64xf32, #tpu.memory_space<hbm>> -> memref<204x64xf32, #tpu.memory_space<hbm>>
      %dma_start3A_928 = arith.constant 0 : i32
      %dma_start3A_929 = arith.constant 0 : i32
      %dma_start3A_930 = tpu.memref_slice %arg7[%add3A_923, %dma_start3A_928, %dma_start3A_929] : memref<4096x204x96xf32, #tpu.memory_space<hbm>> -> memref<1x204x64xf32, #tpu.memory_space<hbm>>
      %dma_start3A_931 = tpu.memref_squeeze %dma_start3A_930 : memref<1x204x64xf32, #tpu.memory_space<hbm>> -> memref<204x64xf32, #tpu.memory_space<hbm>>
      tpu.enqueue_dma source(%arg12 : memref<204x64xf32, #tpu.memory_space<vmem>>) target(%dma_start3A_931 : memref<204x64xf32, #tpu.memory_space<hbm>>) target_semaphore(%arg20 : memref<!tpu.dma_semaphore, #tpu.memory_space<semaphore_mem>>)
      %dma_start3A_932 = arith.constant 0 : i32
      %dma_start3A_933 = arith.constant 64 : i32
      %dma_start3A_934 = tpu.memref_slice %arg7[%add3A_923, %dma_start3A_932, %dma_start3A_933] : memref<4096x204x96xf32, #tpu.memory_space<hbm>> -> memref<1x204x16xf32, #tpu.memory_space<hbm>>
      %dma_start3A_935 = tpu.memref_squeeze %dma_start3A_934 : memref<1x204x16xf32, #tpu.memory_space<hbm>> -> memref<204x16xf32, #tpu.memory_space<hbm>>
      %dma_start3A_936 = arith.constant 0 : i32
      %dma_start3A_937 = arith.constant 64 : i32
      %dma_start3A_938 = tpu.memref_slice %arg7[%add3A_923, %dma_start3A_936, %dma_start3A_937] : memref<4096x204x96xf32, #tpu.memory_space<hbm>> -> memref<1x204x16xf32, #tpu.memory_space<hbm>>
      %dma_start3A_939 = tpu.memref_squeeze %dma_start3A_938 : memref<1x204x16xf32, #tpu.memory_space<hbm>> -> memref<204x16xf32, #tpu.memory_space<hbm>>
      tpu.enqueue_dma source(%arg13 : memref<204x16xf32, #tpu.memory_space<vmem>>) target(%dma_start3A_939 : memref<204x16xf32, #tpu.memory_space<hbm>>) target_semaphore(%arg20 : memref<!tpu.dma_semaphore, #tpu.memory_space<semaphore_mem>>)
      %dma_start3A_940 = arith.constant 0 : i32
      %dma_start3A_941 = arith.constant 80 : i32
      %dma_start3A_942 = tpu.memref_slice %arg7[%add3A_923, %dma_start3A_940, %dma_start3A_941] : memref<4096x204x96xf32, #tpu.memory_space<hbm>> -> memref<1x204x16xf32, #tpu.memory_space<hbm>>
      %dma_start3A_943 = tpu.memref_squeeze %dma_start3A_942 : memref<1x204x16xf32, #tpu.memory_space<hbm>> -> memref<204x16xf32, #tpu.memory_space<hbm>>
      %dma_start3A_944 = arith.constant 0 : i32
      %dma_start3A_945 = arith.constant 80 : i32
      %dma_start3A_946 = tpu.memref_slice %arg7[%add3A_923, %dma_start3A_944, %dma_start3A_945] : memref<4096x204x96xf32, #tpu.memory_space<hbm>> -> memref<1x204x16xf32, #tpu.memory_space<hbm>>
      %dma_start3A_947 = tpu.memref_squeeze %dma_start3A_946 : memref<1x204x16xf32, #tpu.memory_space<hbm>> -> memref<204x16xf32, #tpu.memory_space<hbm>>
      tpu.enqueue_dma source(%arg14 : memref<204x16xf32, #tpu.memory_space<vmem>>) target(%dma_start3A_947 : memref<204x16xf32, #tpu.memory_space<hbm>>) target_semaphore(%arg20 : memref<!tpu.dma_semaphore, #tpu.memory_space<semaphore_mem>>)
      %add3A_948 = arith.constant 1 : i32
      %add3A_949 = arith.addi %add3A_818, %add3A_948 : i32
      %rem3A_950 = arith.constant 16 : i32
      %rem3A_951 = arith.remsi %add3A_949, %rem3A_950 : i32
      %eq3A_952 = arith.constant 0 : i32
      %eq3A_953 = arith.cmpi eq, %rem3A_951, %eq3A_952 : i32
      %convert_element_type3A_954 = arith.extui %eq3A_953 : i1 to i32
      %cond3A_955 = arith.constant 0 : i32
      %cond3A_956 = arith.cmpi ne, %convert_element_type3A_954, %cond3A_955 : i32
      scf.if %cond3A_956 {
        %add3A_1042 = arith.addi %mul3A_2, %add3A_949 : i32
        %multiple_of3A = tpu.assume_multiple %add3A_1042, 16 : i32
        "tpu.region"() ({
          %run_scoped3A = tpu.sem_alloc : memref<!tpu.dma_semaphore, #tpu.memory_space<semaphore_mem>>
          %dma_start3A_1043 = arith.constant 0 : i32
          %dma_start3A_1044 = tpu.memref_slice %arg2[%multiple_of3A, %dma_start3A_1043] : memref<4096x200xi32, #tpu.memory_space<hbm>> -> memref<16x200xi32, #tpu.memory_space<hbm>>
          %dma_start3A_1045 = arith.constant 0 : i32
          %dma_start3A_1046 = tpu.memref_slice %arg2[%multiple_of3A, %dma_start3A_1045] : memref<4096x200xi32, #tpu.memory_space<hbm>> -> memref<16x200xi32, #tpu.memory_space<hbm>>
          tpu.enqueue_dma source(%dma_start3A_1046 : memref<16x200xi32, #tpu.memory_space<hbm>>) target(%arg8 : memref<16x200xi32, #tpu.memory_space<vmem>>) target_semaphore(%run_scoped3A : memref<!tpu.dma_semaphore, #tpu.memory_space<semaphore_mem>>)
          %dma_wait3A_1047 = arith.constant 0 : i32
          %dma_wait3A_1048 = tpu.memref_slice %arg2[%multiple_of3A, %dma_wait3A_1047] : memref<4096x200xi32, #tpu.memory_space<hbm>> -> memref<16x200xi32, #tpu.memory_space<hbm>>
          %dma_wait3A_1049 = arith.constant 0 : i32
          %dma_wait3A_1050 = tpu.memref_slice %arg2[%multiple_of3A, %dma_wait3A_1049] : memref<4096x200xi32, #tpu.memory_space<hbm>> -> memref<16x200xi32, #tpu.memory_space<hbm>>
          tpu.wait_dma2 semaphore(%run_scoped3A : memref<!tpu.dma_semaphore, #tpu.memory_space<semaphore_mem>>) src(%dma_wait3A_1050 : memref<16x200xi32, #tpu.memory_space<hbm>>) dst(%arg8 : memref<16x200xi32, #tpu.memory_space<vmem>>)
          tpu.yield
        }) : () -> ()
        "tpu.region"() ({
          %run_scoped3A = tpu.sem_alloc : memref<!tpu.dma_semaphore, #tpu.memory_space<semaphore_mem>>
          %dma_start3A_1043 = arith.constant 0 : i32
          %dma_start3A_1044 = tpu.memref_slice %arg3[%multiple_of3A, %dma_start3A_1043] : memref<4096x200xi32, #tpu.memory_space<hbm>> -> memref<16x200xi32, #tpu.memory_space<hbm>>
          %dma_start3A_1045 = arith.constant 0 : i32
          %dma_start3A_1046 = tpu.memref_slice %arg3[%multiple_of3A, %dma_start3A_1045] : memref<4096x200xi32, #tpu.memory_space<hbm>> -> memref<16x200xi32, #tpu.memory_space<hbm>>
          tpu.enqueue_dma source(%dma_start3A_1046 : memref<16x200xi32, #tpu.memory_space<hbm>>) target(%arg9 : memref<16x200xi32, #tpu.memory_space<vmem>>) target_semaphore(%run_scoped3A : memref<!tpu.dma_semaphore, #tpu.memory_space<semaphore_mem>>)
          %dma_wait3A_1047 = arith.constant 0 : i32
          %dma_wait3A_1048 = tpu.memref_slice %arg3[%multiple_of3A, %dma_wait3A_1047] : memref<4096x200xi32, #tpu.memory_space<hbm>> -> memref<16x200xi32, #tpu.memory_space<hbm>>
          %dma_wait3A_1049 = arith.constant 0 : i32
          %dma_wait3A_1050 = tpu.memref_slice %arg3[%multiple_of3A, %dma_wait3A_1049] : memref<4096x200xi32, #tpu.memory_space<hbm>> -> memref<16x200xi32, #tpu.memory_space<hbm>>
          tpu.wait_dma2 semaphore(%run_scoped3A : memref<!tpu.dma_semaphore, #tpu.memory_space<semaphore_mem>>) src(%dma_wait3A_1050 : memref<16x200xi32, #tpu.memory_space<hbm>>) dst(%arg9 : memref<16x200xi32, #tpu.memory_space<vmem>>)
          tpu.yield
        }) : () -> ()
        "tpu.region"() ({
          %run_scoped3A = tpu.sem_alloc : memref<!tpu.dma_semaphore, #tpu.memory_space<semaphore_mem>>
          %dma_start3A_1043 = arith.constant 0 : i32
          %dma_start3A_1044 = tpu.memref_slice %arg4[%multiple_of3A, %dma_start3A_1043] : memref<4096x200xi32, #tpu.memory_space<hbm>> -> memref<16x200xi32, #tpu.memory_space<hbm>>
          %dma_start3A_1045 = arith.constant 0 : i32
          %dma_start3A_1046 = tpu.memref_slice %arg4[%multiple_of3A, %dma_start3A_1045] : memref<4096x200xi32, #tpu.memory_space<hbm>> -> memref<16x200xi32, #tpu.memory_space<hbm>>
          tpu.enqueue_dma source(%dma_start3A_1046 : memref<16x200xi32, #tpu.memory_space<hbm>>) target(%arg10 : memref<16x200xi32, #tpu.memory_space<vmem>>) target_semaphore(%run_scoped3A : memref<!tpu.dma_semaphore, #tpu.memory_space<semaphore_mem>>)
          %dma_wait3A_1047 = arith.constant 0 : i32
          %dma_wait3A_1048 = tpu.memref_slice %arg4[%multiple_of3A, %dma_wait3A_1047] : memref<4096x200xi32, #tpu.memory_space<hbm>> -> memref<16x200xi32, #tpu.memory_space<hbm>>
          %dma_wait3A_1049 = arith.constant 0 : i32
          %dma_wait3A_1050 = tpu.memref_slice %arg4[%multiple_of3A, %dma_wait3A_1049] : memref<4096x200xi32, #tpu.memory_space<hbm>> -> memref<16x200xi32, #tpu.memory_space<hbm>>
          tpu.wait_dma2 semaphore(%run_scoped3A : memref<!tpu.dma_semaphore, #tpu.memory_space<semaphore_mem>>) src(%dma_wait3A_1050 : memref<16x200xi32, #tpu.memory_space<hbm>>) dst(%arg10 : memref<16x200xi32, #tpu.memory_space<vmem>>)
          tpu.yield
        }) : () -> ()
      } else {
      }
      %add3A_957 = arith.addi %mul3A_2, %add3A_818 : i32
      %sub3A_958 = arith.constant 1 : i32
      %sub3A_959 = arith.subi %add3A_957, %sub3A_958 : i32
      %dma_wait3A_960 = arith.constant 0 : i32
      %dma_wait3A_961 = arith.constant 0 : i32
      %dma_wait3A_962 = tpu.memref_slice %arg7[%sub3A_959, %dma_wait3A_960, %dma_wait3A_961] : memref<4096x204x96xf32, #tpu.memory_space<hbm>> -> memref<1x204x64xf32, #tpu.memory_space<hbm>>
      %dma_wait3A_963 = tpu.memref_squeeze %dma_wait3A_962 : memref<1x204x64xf32, #tpu.memory_space<hbm>> -> memref<204x64xf32, #tpu.memory_space<hbm>>
      %dma_wait3A_964 = arith.constant 0 : i32
      %dma_wait3A_965 = arith.constant 0 : i32
      %dma_wait3A_966 = tpu.memref_slice %arg7[%sub3A_959, %dma_wait3A_964, %dma_wait3A_965] : memref<4096x204x96xf32, #tpu.memory_space<hbm>> -> memref<1x204x64xf32, #tpu.memory_space<hbm>>
      %dma_wait3A_967 = tpu.memref_squeeze %dma_wait3A_966 : memref<1x204x64xf32, #tpu.memory_space<hbm>> -> memref<204x64xf32, #tpu.memory_space<hbm>>
      tpu.wait_dma2 semaphore(%arg21 : memref<!tpu.dma_semaphore, #tpu.memory_space<semaphore_mem>>) src(%arg15 : memref<204x64xf32, #tpu.memory_space<vmem>>) dst(%dma_wait3A_967 : memref<204x64xf32, #tpu.memory_space<hbm>>)
      %dma_wait3A_968 = arith.constant 0 : i32
      %dma_wait3A_969 = arith.constant 64 : i32
      %dma_wait3A_970 = tpu.memref_slice %arg7[%sub3A_959, %dma_wait3A_968, %dma_wait3A_969] : memref<4096x204x96xf32, #tpu.memory_space<hbm>> -> memref<1x204x16xf32, #tpu.memory_space<hbm>>
      %dma_wait3A_971 = tpu.memref_squeeze %dma_wait3A_970 : memref<1x204x16xf32, #tpu.memory_space<hbm>> -> memref<204x16xf32, #tpu.memory_space<hbm>>
      %dma_wait3A_972 = arith.constant 0 : i32
      %dma_wait3A_973 = arith.constant 64 : i32
      %dma_wait3A_974 = tpu.memref_slice %arg7[%sub3A_959, %dma_wait3A_972, %dma_wait3A_973] : memref<4096x204x96xf32, #tpu.memory_space<hbm>> -> memref<1x204x16xf32, #tpu.memory_space<hbm>>
      %dma_wait3A_975 = tpu.memref_squeeze %dma_wait3A_974 : memref<1x204x16xf32, #tpu.memory_space<hbm>> -> memref<204x16xf32, #tpu.memory_space<hbm>>
      tpu.wait_dma2 semaphore(%arg21 : memref<!tpu.dma_semaphore, #tpu.memory_space<semaphore_mem>>) src(%arg16 : memref<204x16xf32, #tpu.memory_space<vmem>>) dst(%dma_wait3A_975 : memref<204x16xf32, #tpu.memory_space<hbm>>)
      %dma_wait3A_976 = arith.constant 0 : i32
      %dma_wait3A_977 = arith.constant 80 : i32
      %dma_wait3A_978 = tpu.memref_slice %arg7[%sub3A_959, %dma_wait3A_976, %dma_wait3A_977] : memref<4096x204x96xf32, #tpu.memory_space<hbm>> -> memref<1x204x16xf32, #tpu.memory_space<hbm>>
      %dma_wait3A_979 = tpu.memref_squeeze %dma_wait3A_978 : memref<1x204x16xf32, #tpu.memory_space<hbm>> -> memref<204x16xf32, #tpu.memory_space<hbm>>
      %dma_wait3A_980 = arith.constant 0 : i32
      %dma_wait3A_981 = arith.constant 80 : i32
      %dma_wait3A_982 = tpu.memref_slice %arg7[%sub3A_959, %dma_wait3A_980, %dma_wait3A_981] : memref<4096x204x96xf32, #tpu.memory_space<hbm>> -> memref<1x204x16xf32, #tpu.memory_space<hbm>>
      %dma_wait3A_983 = tpu.memref_squeeze %dma_wait3A_982 : memref<1x204x16xf32, #tpu.memory_space<hbm>> -> memref<204x16xf32, #tpu.memory_space<hbm>>
      tpu.wait_dma2 semaphore(%arg21 : memref<!tpu.dma_semaphore, #tpu.memory_space<semaphore_mem>>) src(%arg17 : memref<204x16xf32, #tpu.memory_space<vmem>>) dst(%dma_wait3A_983 : memref<204x16xf32, #tpu.memory_space<hbm>>)
      %add3A_984 = arith.constant 1 : i32
      %add3A_985 = arith.addi %add3A_818, %add3A_984 : i32
      %rem3A_986 = arith.constant 16 : i32
      %rem3A_987 = arith.remsi %add3A_985, %rem3A_986 : i32
      %dma_start3A_988 = arith.constant 2 : i32
      %dma_start3A_989 = arith.constant 0 : i32
      %dma_start3A_990 = tpu.memref_slice %arg15[%dma_start3A_988, %dma_start3A_989] : memref<204x64xf32, #tpu.memory_space<vmem>> -> memref<104x64xf32, #tpu.memory_space<vmem>>
      %dma_start3A_991 = arith.constant 0 : i32
      %dma_start3A_992 = tpu.memref_slice %arg8[%rem3A_987, %dma_start3A_991] : memref<16x200xi32, #tpu.memory_space<vmem>> -> memref<1x104xi32, #tpu.memory_space<vmem>>
      %dma_start3A_993 = tpu.memref_squeeze %dma_start3A_992 : memref<1x104xi32, #tpu.memory_space<vmem>> -> memref<104xi32, #tpu.memory_space<vmem>>
      %dma_start3A_994 = arith.constant 0 : i32
      %dma_start3A_995 = arith.constant 0 : i32
      %dma_start3A_996 = tpu.memref_slice %arg5[%dma_start3A_994, %dma_start3A_995] : memref<1000000x64xf32, #tpu.memory_space<hbm>> -> memref<1000000x64xf32, #tpu.memory_space<hbm>>
      tpu.enqueue_indirect_dma source(%dma_start3A_996 : memref<1000000x64xf32, #tpu.memory_space<hbm>>) target(%dma_start3A_990 : memref<104x64xf32, #tpu.memory_space<vmem>>) offsets(%dma_start3A_993 : memref<104xi32, #tpu.memory_space<vmem>>) semaphore(%arg19 : memref<!tpu.dma_semaphore, #tpu.memory_space<semaphore_mem>>)
      %dma_start3A_997 = arith.constant 2 : i32
      %dma_start3A_998 = arith.constant 0 : i32
      %dma_start3A_999 = tpu.memref_slice %arg16[%dma_start3A_997, %dma_start3A_998] : memref<204x16xf32, #tpu.memory_space<vmem>> -> memref<104x16xf32, #tpu.memory_space<vmem>>
      %dma_start3A_1000 = arith.constant 0 : i32
      %dma_start3A_1001 = tpu.memref_slice %arg9[%rem3A_987, %dma_start3A_1000] : memref<16x200xi32, #tpu.memory_space<vmem>> -> memref<1x104xi32, #tpu.memory_space<vmem>>
      %dma_start3A_1002 = tpu.memref_squeeze %dma_start3A_1001 : memref<1x104xi32, #tpu.memory_space<vmem>> -> memref<104xi32, #tpu.memory_space<vmem>>
      %dma_start3A_1003 = arith.constant 0 : i32
      %dma_start3A_1004 = arith.constant 0 : i32
      %dma_start3A_1005 = tpu.memref_slice %arg6[%dma_start3A_1003, %dma_start3A_1004] : memref<400x16xf32, #tpu.memory_space<hbm>> -> memref<400x16xf32, #tpu.memory_space<hbm>>
      tpu.enqueue_indirect_dma source(%dma_start3A_1005 : memref<400x16xf32, #tpu.memory_space<hbm>>) target(%dma_start3A_999 : memref<104x16xf32, #tpu.memory_space<vmem>>) offsets(%dma_start3A_1002 : memref<104xi32, #tpu.memory_space<vmem>>) semaphore(%arg19 : memref<!tpu.dma_semaphore, #tpu.memory_space<semaphore_mem>>)
      %dma_start3A_1006 = arith.constant 2 : i32
      %dma_start3A_1007 = arith.constant 0 : i32
      %dma_start3A_1008 = tpu.memref_slice %arg17[%dma_start3A_1006, %dma_start3A_1007] : memref<204x16xf32, #tpu.memory_space<vmem>> -> memref<104x16xf32, #tpu.memory_space<vmem>>
      %dma_start3A_1009 = arith.constant 0 : i32
      %dma_start3A_1010 = tpu.memref_slice %arg10[%rem3A_987, %dma_start3A_1009] : memref<16x200xi32, #tpu.memory_space<vmem>> -> memref<1x104xi32, #tpu.memory_space<vmem>>
      %dma_start3A_1011 = tpu.memref_squeeze %dma_start3A_1010 : memref<1x104xi32, #tpu.memory_space<vmem>> -> memref<104xi32, #tpu.memory_space<vmem>>
      %dma_start3A_1012 = arith.constant 0 : i32
      %dma_start3A_1013 = arith.constant 0 : i32
      %dma_start3A_1014 = tpu.memref_slice %arg6[%dma_start3A_1012, %dma_start3A_1013] : memref<400x16xf32, #tpu.memory_space<hbm>> -> memref<400x16xf32, #tpu.memory_space<hbm>>
      tpu.enqueue_indirect_dma source(%dma_start3A_1014 : memref<400x16xf32, #tpu.memory_space<hbm>>) target(%dma_start3A_1008 : memref<104x16xf32, #tpu.memory_space<vmem>>) offsets(%dma_start3A_1011 : memref<104xi32, #tpu.memory_space<vmem>>) semaphore(%arg19 : memref<!tpu.dma_semaphore, #tpu.memory_space<semaphore_mem>>)
      %dma_start3A_1015 = arith.constant 106 : i32
      %dma_start3A_1016 = arith.constant 0 : i32
      %dma_start3A_1017 = tpu.memref_slice %arg15[%dma_start3A_1015, %dma_start3A_1016] : memref<204x64xf32, #tpu.memory_space<vmem>> -> memref<96x64xf32, #tpu.memory_space<vmem>>
      %dma_start3A_1018 = arith.constant 104 : i32
      %dma_start3A_1019 = tpu.memref_slice %arg8[%rem3A_987, %dma_start3A_1018] : memref<16x200xi32, #tpu.memory_space<vmem>> -> memref<1x96xi32, #tpu.memory_space<vmem>>
      %dma_start3A_1020 = tpu.memref_squeeze %dma_start3A_1019 : memref<1x96xi32, #tpu.memory_space<vmem>> -> memref<96xi32, #tpu.memory_space<vmem>>
      %dma_start3A_1021 = arith.constant 0 : i32
      %dma_start3A_1022 = arith.constant 0 : i32
      %dma_start3A_1023 = tpu.memref_slice %arg5[%dma_start3A_1021, %dma_start3A_1022] : memref<1000000x64xf32, #tpu.memory_space<hbm>> -> memref<1000000x64xf32, #tpu.memory_space<hbm>>
      tpu.enqueue_indirect_dma source(%dma_start3A_1023 : memref<1000000x64xf32, #tpu.memory_space<hbm>>) target(%dma_start3A_1017 : memref<96x64xf32, #tpu.memory_space<vmem>>) offsets(%dma_start3A_1020 : memref<96xi32, #tpu.memory_space<vmem>>) semaphore(%arg19 : memref<!tpu.dma_semaphore, #tpu.memory_space<semaphore_mem>>)
      %dma_start3A_1024 = arith.constant 106 : i32
      %dma_start3A_1025 = arith.constant 0 : i32
      %dma_start3A_1026 = tpu.memref_slice %arg16[%dma_start3A_1024, %dma_start3A_1025] : memref<204x16xf32, #tpu.memory_space<vmem>> -> memref<96x16xf32, #tpu.memory_space<vmem>>
      %dma_start3A_1027 = arith.constant 104 : i32
      %dma_start3A_1028 = tpu.memref_slice %arg9[%rem3A_987, %dma_start3A_1027] : memref<16x200xi32, #tpu.memory_space<vmem>> -> memref<1x96xi32, #tpu.memory_space<vmem>>
      %dma_start3A_1029 = tpu.memref_squeeze %dma_start3A_1028 : memref<1x96xi32, #tpu.memory_space<vmem>> -> memref<96xi32, #tpu.memory_space<vmem>>
      %dma_start3A_1030 = arith.constant 0 : i32
      %dma_start3A_1031 = arith.constant 0 : i32
      %dma_start3A_1032 = tpu.memref_slice %arg6[%dma_start3A_1030, %dma_start3A_1031] : memref<400x16xf32, #tpu.memory_space<hbm>> -> memref<400x16xf32, #tpu.memory_space<hbm>>
      tpu.enqueue_indirect_dma source(%dma_start3A_1032 : memref<400x16xf32, #tpu.memory_space<hbm>>) target(%dma_start3A_1026 : memref<96x16xf32, #tpu.memory_space<vmem>>) offsets(%dma_start3A_1029 : memref<96xi32, #tpu.memory_space<vmem>>) semaphore(%arg19 : memref<!tpu.dma_semaphore, #tpu.memory_space<semaphore_mem>>)
      %dma_start3A_1033 = arith.constant 106 : i32
      %dma_start3A_1034 = arith.constant 0 : i32
      %dma_start3A_1035 = tpu.memref_slice %arg17[%dma_start3A_1033, %dma_start3A_1034] : memref<204x16xf32, #tpu.memory_space<vmem>> -> memref<96x16xf32, #tpu.memory_space<vmem>>
      %dma_start3A_1036 = arith.constant 104 : i32
      %dma_start3A_1037 = tpu.memref_slice %arg10[%rem3A_987, %dma_start3A_1036] : memref<16x200xi32, #tpu.memory_space<vmem>> -> memref<1x96xi32, #tpu.memory_space<vmem>>
      %dma_start3A_1038 = tpu.memref_squeeze %dma_start3A_1037 : memref<1x96xi32, #tpu.memory_space<vmem>> -> memref<96xi32, #tpu.memory_space<vmem>>
      %dma_start3A_1039 = arith.constant 0 : i32
      %dma_start3A_1040 = arith.constant 0 : i32
      %dma_start3A_1041 = tpu.memref_slice %arg6[%dma_start3A_1039, %dma_start3A_1040] : memref<400x16xf32, #tpu.memory_space<hbm>> -> memref<400x16xf32, #tpu.memory_space<hbm>>
      tpu.enqueue_indirect_dma source(%dma_start3A_1041 : memref<400x16xf32, #tpu.memory_space<hbm>>) target(%dma_start3A_1035 : memref<96x16xf32, #tpu.memory_space<vmem>>) offsets(%dma_start3A_1038 : memref<96xi32, #tpu.memory_space<vmem>>) semaphore(%arg19 : memref<!tpu.dma_semaphore, #tpu.memory_space<semaphore_mem>>)
    }
    %scan3A_404 = arith.constant 63 : i32
    %rem3A_405 = arith.constant 127 : i32
    %rem3A_406 = arith.constant 16 : i32
    %rem3A_407 = arith.remsi %rem3A_405, %rem3A_406 : i32
    %dma_wait3A_408 = arith.constant 2 : i32
    %dma_wait3A_409 = arith.constant 0 : i32
    %dma_wait3A_410 = tpu.memref_slice %arg15[%dma_wait3A_408, %dma_wait3A_409] : memref<204x64xf32, #tpu.memory_space<vmem>> -> memref<104x64xf32, #tpu.memory_space<vmem>>
    %dma_wait3A_411 = arith.constant 0 : i32
    %dma_wait3A_412 = tpu.memref_slice %arg8[%rem3A_407, %dma_wait3A_411] : memref<16x200xi32, #tpu.memory_space<vmem>> -> memref<1x104xi32, #tpu.memory_space<vmem>>
    %dma_wait3A_413 = tpu.memref_squeeze %dma_wait3A_412 : memref<1x104xi32, #tpu.memory_space<vmem>> -> memref<104xi32, #tpu.memory_space<vmem>>
    %dma_wait3A_414 = arith.constant 0 : i32
    %dma_wait3A_415 = arith.constant 0 : i32
    %dma_wait3A_416 = tpu.memref_slice %arg5[%dma_wait3A_414, %dma_wait3A_415] : memref<1000000x64xf32, #tpu.memory_space<hbm>> -> memref<1000000x64xf32, #tpu.memory_space<hbm>>
    tpu.wait_indirect_dma semaphore(%arg19 : memref<!tpu.dma_semaphore, #tpu.memory_space<semaphore_mem>>) src(%dma_wait3A_416 : memref<1000000x64xf32, #tpu.memory_space<hbm>>) dst(%dma_wait3A_410 : memref<104x64xf32, #tpu.memory_space<vmem>>)
    %dma_wait3A_417 = arith.constant 2 : i32
    %dma_wait3A_418 = arith.constant 0 : i32
    %dma_wait3A_419 = tpu.memref_slice %arg16[%dma_wait3A_417, %dma_wait3A_418] : memref<204x16xf32, #tpu.memory_space<vmem>> -> memref<104x16xf32, #tpu.memory_space<vmem>>
    %dma_wait3A_420 = arith.constant 0 : i32
    %dma_wait3A_421 = tpu.memref_slice %arg9[%rem3A_407, %dma_wait3A_420] : memref<16x200xi32, #tpu.memory_space<vmem>> -> memref<1x104xi32, #tpu.memory_space<vmem>>
    %dma_wait3A_422 = tpu.memref_squeeze %dma_wait3A_421 : memref<1x104xi32, #tpu.memory_space<vmem>> -> memref<104xi32, #tpu.memory_space<vmem>>
    %dma_wait3A_423 = arith.constant 0 : i32
    %dma_wait3A_424 = arith.constant 0 : i32
    %dma_wait3A_425 = tpu.memref_slice %arg6[%dma_wait3A_423, %dma_wait3A_424] : memref<400x16xf32, #tpu.memory_space<hbm>> -> memref<400x16xf32, #tpu.memory_space<hbm>>
    tpu.wait_indirect_dma semaphore(%arg19 : memref<!tpu.dma_semaphore, #tpu.memory_space<semaphore_mem>>) src(%dma_wait3A_425 : memref<400x16xf32, #tpu.memory_space<hbm>>) dst(%dma_wait3A_419 : memref<104x16xf32, #tpu.memory_space<vmem>>)
    %dma_wait3A_426 = arith.constant 2 : i32
    %dma_wait3A_427 = arith.constant 0 : i32
    %dma_wait3A_428 = tpu.memref_slice %arg17[%dma_wait3A_426, %dma_wait3A_427] : memref<204x16xf32, #tpu.memory_space<vmem>> -> memref<104x16xf32, #tpu.memory_space<vmem>>
    %dma_wait3A_429 = arith.constant 0 : i32
    %dma_wait3A_430 = tpu.memref_slice %arg10[%rem3A_407, %dma_wait3A_429] : memref<16x200xi32, #tpu.memory_space<vmem>> -> memref<1x104xi32, #tpu.memory_space<vmem>>
    %dma_wait3A_431 = tpu.memref_squeeze %dma_wait3A_430 : memref<1x104xi32, #tpu.memory_space<vmem>> -> memref<104xi32, #tpu.memory_space<vmem>>
    %dma_wait3A_432 = arith.constant 0 : i32
    %dma_wait3A_433 = arith.constant 0 : i32
    %dma_wait3A_434 = tpu.memref_slice %arg6[%dma_wait3A_432, %dma_wait3A_433] : memref<400x16xf32, #tpu.memory_space<hbm>> -> memref<400x16xf32, #tpu.memory_space<hbm>>
    tpu.wait_indirect_dma semaphore(%arg19 : memref<!tpu.dma_semaphore, #tpu.memory_space<semaphore_mem>>) src(%dma_wait3A_434 : memref<400x16xf32, #tpu.memory_space<hbm>>) dst(%dma_wait3A_428 : memref<104x16xf32, #tpu.memory_space<vmem>>)
    %dma_wait3A_435 = arith.constant 106 : i32
    %dma_wait3A_436 = arith.constant 0 : i32
    %dma_wait3A_437 = tpu.memref_slice %arg15[%dma_wait3A_435, %dma_wait3A_436] : memref<204x64xf32, #tpu.memory_space<vmem>> -> memref<96x64xf32, #tpu.memory_space<vmem>>
    %dma_wait3A_438 = arith.constant 104 : i32
    %dma_wait3A_439 = tpu.memref_slice %arg8[%rem3A_407, %dma_wait3A_438] : memref<16x200xi32, #tpu.memory_space<vmem>> -> memref<1x96xi32, #tpu.memory_space<vmem>>
    %dma_wait3A_440 = tpu.memref_squeeze %dma_wait3A_439 : memref<1x96xi32, #tpu.memory_space<vmem>> -> memref<96xi32, #tpu.memory_space<vmem>>
    %dma_wait3A_441 = arith.constant 0 : i32
    %dma_wait3A_442 = arith.constant 0 : i32
    %dma_wait3A_443 = tpu.memref_slice %arg5[%dma_wait3A_441, %dma_wait3A_442] : memref<1000000x64xf32, #tpu.memory_space<hbm>> -> memref<1000000x64xf32, #tpu.memory_space<hbm>>
    tpu.wait_indirect_dma semaphore(%arg19 : memref<!tpu.dma_semaphore, #tpu.memory_space<semaphore_mem>>) src(%dma_wait3A_443 : memref<1000000x64xf32, #tpu.memory_space<hbm>>) dst(%dma_wait3A_437 : memref<96x64xf32, #tpu.memory_space<vmem>>)
    %dma_wait3A_444 = arith.constant 106 : i32
    %dma_wait3A_445 = arith.constant 0 : i32
    %dma_wait3A_446 = tpu.memref_slice %arg16[%dma_wait3A_444, %dma_wait3A_445] : memref<204x16xf32, #tpu.memory_space<vmem>> -> memref<96x16xf32, #tpu.memory_space<vmem>>
    %dma_wait3A_447 = arith.constant 104 : i32
    %dma_wait3A_448 = tpu.memref_slice %arg9[%rem3A_407, %dma_wait3A_447] : memref<16x200xi32, #tpu.memory_space<vmem>> -> memref<1x96xi32, #tpu.memory_space<vmem>>
    %dma_wait3A_449 = tpu.memref_squeeze %dma_wait3A_448 : memref<1x96xi32, #tpu.memory_space<vmem>> -> memref<96xi32, #tpu.memory_space<vmem>>
    %dma_wait3A_450 = arith.constant 0 : i32
    %dma_wait3A_451 = arith.constant 0 : i32
    %dma_wait3A_452 = tpu.memref_slice %arg6[%dma_wait3A_450, %dma_wait3A_451] : memref<400x16xf32, #tpu.memory_space<hbm>> -> memref<400x16xf32, #tpu.memory_space<hbm>>
    tpu.wait_indirect_dma semaphore(%arg19 : memref<!tpu.dma_semaphore, #tpu.memory_space<semaphore_mem>>) src(%dma_wait3A_452 : memref<400x16xf32, #tpu.memory_space<hbm>>) dst(%dma_wait3A_446 : memref<96x16xf32, #tpu.memory_space<vmem>>)
    %dma_wait3A_453 = arith.constant 106 : i32
    %dma_wait3A_454 = arith.constant 0 : i32
    %dma_wait3A_455 = tpu.memref_slice %arg17[%dma_wait3A_453, %dma_wait3A_454] : memref<204x16xf32, #tpu.memory_space<vmem>> -> memref<96x16xf32, #tpu.memory_space<vmem>>
    %dma_wait3A_456 = arith.constant 104 : i32
    %dma_wait3A_457 = tpu.memref_slice %arg10[%rem3A_407, %dma_wait3A_456] : memref<16x200xi32, #tpu.memory_space<vmem>> -> memref<1x96xi32, #tpu.memory_space<vmem>>
    %dma_wait3A_458 = tpu.memref_squeeze %dma_wait3A_457 : memref<1x96xi32, #tpu.memory_space<vmem>> -> memref<96xi32, #tpu.memory_space<vmem>>
    %dma_wait3A_459 = arith.constant 0 : i32
    %dma_wait3A_460 = arith.constant 0 : i32
    %dma_wait3A_461 = tpu.memref_slice %arg6[%dma_wait3A_459, %dma_wait3A_460] : memref<400x16xf32, #tpu.memory_space<hbm>> -> memref<400x16xf32, #tpu.memory_space<hbm>>
    tpu.wait_indirect_dma semaphore(%arg19 : memref<!tpu.dma_semaphore, #tpu.memory_space<semaphore_mem>>) src(%dma_wait3A_461 : memref<400x16xf32, #tpu.memory_space<hbm>>) dst(%dma_wait3A_455 : memref<96x16xf32, #tpu.memory_space<vmem>>)
    %get3A_462 = arith.constant 2 : i32
    %get3A_463 = arith.index_cast %get3A_462 : i32 to index
    %get3A_464 = arith.constant 0 : index
    %get3A_465 = tpu.vector_load %arg16[%get3A_463, %get3A_464] {strides = array<i32>} : memref<204x16xf32, #tpu.memory_space<vmem>>, vector<16xf32>,
    %swap3A_466 = arith.constant 0 : i32
    %swap3A_467 = arith.index_cast %swap3A_466 : i32 to index
    %swap3A_468 = arith.constant 0 : index
    %swap3A_469 = tpu.vector_load %arg16[%swap3A_467, %swap3A_468] {strides = array<i32>} : memref<204x16xf32, #tpu.memory_space<vmem>>, vector<16xf32>,
    tpu.vector_store %arg16[%swap3A_467, %swap3A_468], %get3A_465 {strides = array<i32>} : memref<204x16xf32, #tpu.memory_space<vmem>>, vector<16xf32>,
    %swap3A_470 = arith.constant 1 : i32
    %swap3A_471 = arith.index_cast %swap3A_470 : i32 to index
    %swap3A_472 = arith.constant 0 : index
    %swap3A_473 = tpu.vector_load %arg16[%swap3A_471, %swap3A_472] {strides = array<i32>} : memref<204x16xf32, #tpu.memory_space<vmem>>, vector<16xf32>,
    tpu.vector_store %arg16[%swap3A_471, %swap3A_472], %get3A_465 {strides = array<i32>} : memref<204x16xf32, #tpu.memory_space<vmem>>, vector<16xf32>,
    %get3A_474 = arith.constant 201 : i32
    %get3A_475 = arith.index_cast %get3A_474 : i32 to index
    %get3A_476 = arith.constant 0 : index
    %get3A_477 = tpu.vector_load %arg16[%get3A_475, %get3A_476] {strides = array<i32>} : memref<204x16xf32, #tpu.memory_space<vmem>>, vector<16xf32>,
    %swap3A_478 = arith.constant 202 : i32
    %swap3A_479 = arith.index_cast %swap3A_478 : i32 to index
    %swap3A_480 = arith.constant 0 : index
    %swap3A_481 = tpu.vector_load %arg16[%swap3A_479, %swap3A_480] {strides = array<i32>} : memref<204x16xf32, #tpu.memory_space<vmem>>, vector<16xf32>,
    tpu.vector_store %arg16[%swap3A_479, %swap3A_480], %get3A_477 {strides = array<i32>} : memref<204x16xf32, #tpu.memory_space<vmem>>, vector<16xf32>,
    %swap3A_482 = arith.constant 203 : i32
    %swap3A_483 = arith.index_cast %swap3A_482 : i32 to index
    %swap3A_484 = arith.constant 0 : index
    %swap3A_485 = tpu.vector_load %arg16[%swap3A_483, %swap3A_484] {strides = array<i32>} : memref<204x16xf32, #tpu.memory_space<vmem>>, vector<16xf32>,
    tpu.vector_store %arg16[%swap3A_483, %swap3A_484], %get3A_477 {strides = array<i32>} : memref<204x16xf32, #tpu.memory_space<vmem>>, vector<16xf32>,
    %get3A_486 = arith.constant 2 : i32
    %get3A_487 = arith.index_cast %get3A_486 : i32 to index
    %get3A_488 = arith.constant 0 : index
    %get3A_489 = tpu.vector_load %arg17[%get3A_487, %get3A_488] {strides = array<i32>} : memref<204x16xf32, #tpu.memory_space<vmem>>, vector<16xf32>,
    %swap3A_490 = arith.constant 0 : i32
    %swap3A_491 = arith.index_cast %swap3A_490 : i32 to index
    %swap3A_492 = arith.constant 0 : index
    %swap3A_493 = tpu.vector_load %arg17[%swap3A_491, %swap3A_492] {strides = array<i32>} : memref<204x16xf32, #tpu.memory_space<vmem>>, vector<16xf32>,
    tpu.vector_store %arg17[%swap3A_491, %swap3A_492], %get3A_489 {strides = array<i32>} : memref<204x16xf32, #tpu.memory_space<vmem>>, vector<16xf32>,
    %swap3A_494 = arith.constant 1 : i32
    %swap3A_495 = arith.index_cast %swap3A_494 : i32 to index
    %swap3A_496 = arith.constant 0 : index
    %swap3A_497 = tpu.vector_load %arg17[%swap3A_495, %swap3A_496] {strides = array<i32>} : memref<204x16xf32, #tpu.memory_space<vmem>>, vector<16xf32>,
    tpu.vector_store %arg17[%swap3A_495, %swap3A_496], %get3A_489 {strides = array<i32>} : memref<204x16xf32, #tpu.memory_space<vmem>>, vector<16xf32>,
    %get3A_498 = arith.constant 201 : i32
    %get3A_499 = arith.index_cast %get3A_498 : i32 to index
    %get3A_500 = arith.constant 0 : index
    %get3A_501 = tpu.vector_load %arg17[%get3A_499, %get3A_500] {strides = array<i32>} : memref<204x16xf32, #tpu.memory_space<vmem>>, vector<16xf32>,
    %swap3A_502 = arith.constant 202 : i32
    %swap3A_503 = arith.index_cast %swap3A_502 : i32 to index
    %swap3A_504 = arith.constant 0 : index
    %swap3A_505 = tpu.vector_load %arg17[%swap3A_503, %swap3A_504] {strides = array<i32>} : memref<204x16xf32, #tpu.memory_space<vmem>>, vector<16xf32>,
    tpu.vector_store %arg17[%swap3A_503, %swap3A_504], %get3A_501 {strides = array<i32>} : memref<204x16xf32, #tpu.memory_space<vmem>>, vector<16xf32>,
    %swap3A_506 = arith.constant 203 : i32
    %swap3A_507 = arith.index_cast %swap3A_506 : i32 to index
    %swap3A_508 = arith.constant 0 : index
    %swap3A_509 = tpu.vector_load %arg17[%swap3A_507, %swap3A_508] {strides = array<i32>} : memref<204x16xf32, #tpu.memory_space<vmem>>, vector<16xf32>,
    tpu.vector_store %arg17[%swap3A_507, %swap3A_508], %get3A_501 {strides = array<i32>} : memref<204x16xf32, #tpu.memory_space<vmem>>, vector<16xf32>,
    %add3A_510 = arith.constant 127 : i32
    %add3A_511 = arith.addi %mul3A_2, %add3A_510 : i32
    %dma_start3A_512 = arith.constant 0 : i32
    %dma_start3A_513 = arith.constant 0 : i32
    %dma_start3A_514 = tpu.memref_slice %arg7[%add3A_511, %dma_start3A_512, %dma_start3A_513] : memref<4096x204x96xf32, #tpu.memory_space<hbm>> -> memref<1x204x64xf32, #tpu.memory_space<hbm>>
    %dma_start3A_515 = tpu.memref_squeeze %dma_start3A_514 : memref<1x204x64xf32, #tpu.memory_space<hbm>> -> memref<204x64xf32, #tpu.memory_space<hbm>>
    %dma_start3A_516 = arith.constant 0 : i32
    %dma_start3A_517 = arith.constant 0 : i32
    %dma_start3A_518 = tpu.memref_slice %arg7[%add3A_511, %dma_start3A_516, %dma_start3A_517] : memref<4096x204x96xf32, #tpu.memory_space<hbm>> -> memref<1x204x64xf32, #tpu.memory_space<hbm>>
    %dma_start3A_519 = tpu.memref_squeeze %dma_start3A_518 : memref<1x204x64xf32, #tpu.memory_space<hbm>> -> memref<204x64xf32, #tpu.memory_space<hbm>>
    tpu.enqueue_dma source(%arg15 : memref<204x64xf32, #tpu.memory_space<vmem>>) target(%dma_start3A_519 : memref<204x64xf32, #tpu.memory_space<hbm>>) target_semaphore(%arg21 : memref<!tpu.dma_semaphore, #tpu.memory_space<semaphore_mem>>)
    %dma_start3A_520 = arith.constant 0 : i32
    %dma_start3A_521 = arith.constant 64 : i32
    %dma_start3A_522 = tpu.memref_slice %arg7[%add3A_511, %dma_start3A_520, %dma_start3A_521] : memref<4096x204x96xf32, #tpu.memory_space<hbm>> -> memref<1x204x16xf32, #tpu.memory_space<hbm>>
    %dma_start3A_523 = tpu.memref_squeeze %dma_start3A_522 : memref<1x204x16xf32, #tpu.memory_space<hbm>> -> memref<204x16xf32, #tpu.memory_space<hbm>>
    %dma_start3A_524 = arith.constant 0 : i32
    %dma_start3A_525 = arith.constant 64 : i32
    %dma_start3A_526 = tpu.memref_slice %arg7[%add3A_511, %dma_start3A_524, %dma_start3A_525] : memref<4096x204x96xf32, #tpu.memory_space<hbm>> -> memref<1x204x16xf32, #tpu.memory_space<hbm>>
    %dma_start3A_527 = tpu.memref_squeeze %dma_start3A_526 : memref<1x204x16xf32, #tpu.memory_space<hbm>> -> memref<204x16xf32, #tpu.memory_space<hbm>>
    tpu.enqueue_dma source(%arg16 : memref<204x16xf32, #tpu.memory_space<vmem>>) target(%dma_start3A_527 : memref<204x16xf32, #tpu.memory_space<hbm>>) target_semaphore(%arg21 : memref<!tpu.dma_semaphore, #tpu.memory_space<semaphore_mem>>)
    %dma_start3A_528 = arith.constant 0 : i32
    %dma_start3A_529 = arith.constant 80 : i32
    %dma_start3A_530 = tpu.memref_slice %arg7[%add3A_511, %dma_start3A_528, %dma_start3A_529] : memref<4096x204x96xf32, #tpu.memory_space<hbm>> -> memref<1x204x16xf32, #tpu.memory_space<hbm>>
    %dma_start3A_531 = tpu.memref_squeeze %dma_start3A_530 : memref<1x204x16xf32, #tpu.memory_space<hbm>> -> memref<204x16xf32, #tpu.memory_space<hbm>>
    %dma_start3A_532 = arith.constant 0 : i32
    %dma_start3A_533 = arith.constant 80 : i32
    %dma_start3A_534 = tpu.memref_slice %arg7[%add3A_511, %dma_start3A_532, %dma_start3A_533] : memref<4096x204x96xf32, #tpu.memory_space<hbm>> -> memref<1x204x16xf32, #tpu.memory_space<hbm>>
    %dma_start3A_535 = tpu.memref_squeeze %dma_start3A_534 : memref<1x204x16xf32, #tpu.memory_space<hbm>> -> memref<204x16xf32, #tpu.memory_space<hbm>>
    tpu.enqueue_dma source(%arg17 : memref<204x16xf32, #tpu.memory_space<vmem>>) target(%dma_start3A_535 : memref<204x16xf32, #tpu.memory_space<hbm>>) target_semaphore(%arg21 : memref<!tpu.dma_semaphore, #tpu.memory_space<semaphore_mem>>)
    %add3A_536 = arith.constant 127 : i32
    %add3A_537 = arith.addi %mul3A_2, %add3A_536 : i32
    %sub3A = arith.constant 1 : i32
    %sub3A_538 = arith.subi %add3A_537, %sub3A : i32
    %dma_wait3A_539 = arith.constant 0 : i32
    %dma_wait3A_540 = arith.constant 0 : i32
    %dma_wait3A_541 = tpu.memref_slice %arg7[%sub3A_538, %dma_wait3A_539, %dma_wait3A_540] : memref<4096x204x96xf32, #tpu.memory_space<hbm>> -> memref<1x204x64xf32, #tpu.memory_space<hbm>>
    %dma_wait3A_542 = tpu.memref_squeeze %dma_wait3A_541 : memref<1x204x64xf32, #tpu.memory_space<hbm>> -> memref<204x64xf32, #tpu.memory_space<hbm>>
    %dma_wait3A_543 = arith.constant 0 : i32
    %dma_wait3A_544 = arith.constant 0 : i32
    %dma_wait3A_545 = tpu.memref_slice %arg7[%sub3A_538, %dma_wait3A_543, %dma_wait3A_544] : memref<4096x204x96xf32, #tpu.memory_space<hbm>> -> memref<1x204x64xf32, #tpu.memory_space<hbm>>
    %dma_wait3A_546 = tpu.memref_squeeze %dma_wait3A_545 : memref<1x204x64xf32, #tpu.memory_space<hbm>> -> memref<204x64xf32, #tpu.memory_space<hbm>>
    tpu.wait_dma2 semaphore(%arg20 : memref<!tpu.dma_semaphore, #tpu.memory_space<semaphore_mem>>) src(%arg12 : memref<204x64xf32, #tpu.memory_space<vmem>>) dst(%dma_wait3A_546 : memref<204x64xf32, #tpu.memory_space<hbm>>)
    %dma_wait3A_547 = arith.constant 0 : i32
    %dma_wait3A_548 = arith.constant 64 : i32
    %dma_wait3A_549 = tpu.memref_slice %arg7[%sub3A_538, %dma_wait3A_547, %dma_wait3A_548] : memref<4096x204x96xf32, #tpu.memory_space<hbm>> -> memref<1x204x16xf32, #tpu.memory_space<hbm>>
    %dma_wait3A_550 = tpu.memref_squeeze %dma_wait3A_549 : memref<1x204x16xf32, #tpu.memory_space<hbm>> -> memref<204x16xf32, #tpu.memory_space<hbm>>
    %dma_wait3A_551 = arith.constant 0 : i32
    %dma_wait3A_552 = arith.constant 64 : i32
    %dma_wait3A_553 = tpu.memref_slice %arg7[%sub3A_538, %dma_wait3A_551, %dma_wait3A_552] : memref<4096x204x96xf32, #tpu.memory_space<hbm>> -> memref<1x204x16xf32, #tpu.memory_space<hbm>>
    %dma_wait3A_554 = tpu.memref_squeeze %dma_wait3A_553 : memref<1x204x16xf32, #tpu.memory_space<hbm>> -> memref<204x16xf32, #tpu.memory_space<hbm>>
    tpu.wait_dma2 semaphore(%arg20 : memref<!tpu.dma_semaphore, #tpu.memory_space<semaphore_mem>>) src(%arg13 : memref<204x16xf32, #tpu.memory_space<vmem>>) dst(%dma_wait3A_554 : memref<204x16xf32, #tpu.memory_space<hbm>>)
    %dma_wait3A_555 = arith.constant 0 : i32
    %dma_wait3A_556 = arith.constant 80 : i32
    %dma_wait3A_557 = tpu.memref_slice %arg7[%sub3A_538, %dma_wait3A_555, %dma_wait3A_556] : memref<4096x204x96xf32, #tpu.memory_space<hbm>> -> memref<1x204x16xf32, #tpu.memory_space<hbm>>
    %dma_wait3A_558 = tpu.memref_squeeze %dma_wait3A_557 : memref<1x204x16xf32, #tpu.memory_space<hbm>> -> memref<204x16xf32, #tpu.memory_space<hbm>>
    %dma_wait3A_559 = arith.constant 0 : i32
    %dma_wait3A_560 = arith.constant 80 : i32
    %dma_wait3A_561 = tpu.memref_slice %arg7[%sub3A_538, %dma_wait3A_559, %dma_wait3A_560] : memref<4096x204x96xf32, #tpu.memory_space<hbm>> -> memref<1x204x16xf32, #tpu.memory_space<hbm>>
    %dma_wait3A_562 = tpu.memref_squeeze %dma_wait3A_561 : memref<1x204x16xf32, #tpu.memory_space<hbm>> -> memref<204x16xf32, #tpu.memory_space<hbm>>
    tpu.wait_dma2 semaphore(%arg20 : memref<!tpu.dma_semaphore, #tpu.memory_space<semaphore_mem>>) src(%arg14 : memref<204x16xf32, #tpu.memory_space<vmem>>) dst(%dma_wait3A_562 : memref<204x16xf32, #tpu.memory_space<hbm>>)
    %add3A_563 = arith.constant 127 : i32
    %add3A_564 = arith.addi %mul3A_2, %add3A_563 : i32
    %dma_wait3A_565 = arith.constant 0 : i32
    %dma_wait3A_566 = arith.constant 0 : i32
    %dma_wait3A_567 = tpu.memref_slice %arg7[%add3A_564, %dma_wait3A_565, %dma_wait3A_566] : memref<4096x204x96xf32, #tpu.memory_space<hbm>> -> memref<1x204x64xf32, #tpu.memory_space<hbm>>
    %dma_wait3A_568 = tpu.memref_squeeze %dma_wait3A_567 : memref<1x204x64xf32, #tpu.memory_space<hbm>> -> memref<204x64xf32, #tpu.memory_space<hbm>>
    %dma_wait3A_569 = arith.constant 0 : i32
    %dma_wait3A_570 = arith.constant 0 : i32
    %dma_wait3A_571 = tpu.memref_slice %arg7[%add3A_564, %dma_wait3A_569, %dma_wait3A_570] : memref<4096x204x96xf32, #tpu.memory_space<hbm>> -> memref<1x204x64xf32, #tpu.memory_space<hbm>>
    %dma_wait3A_572 = tpu.memref_squeeze %dma_wait3A_571 : memref<1x204x64xf32, #tpu.memory_space<hbm>> -> memref<204x64xf32, #tpu.memory_space<hbm>>
    tpu.wait_dma2 semaphore(%arg21 : memref<!tpu.dma_semaphore, #tpu.memory_space<semaphore_mem>>) src(%arg15 : memref<204x64xf32, #tpu.memory_space<vmem>>) dst(%dma_wait3A_572 : memref<204x64xf32, #tpu.memory_space<hbm>>)
    %dma_wait3A_573 = arith.constant 0 : i32
    %dma_wait3A_574 = arith.constant 64 : i32
    %dma_wait3A_575 = tpu.memref_slice %arg7[%add3A_564, %dma_wait3A_573, %dma_wait3A_574] : memref<4096x204x96xf32, #tpu.memory_space<hbm>> -> memref<1x204x16xf32, #tpu.memory_space<hbm>>
    %dma_wait3A_576 = tpu.memref_squeeze %dma_wait3A_575 : memref<1x204x16xf32, #tpu.memory_space<hbm>> -> memref<204x16xf32, #tpu.memory_space<hbm>>
    %dma_wait3A_577 = arith.constant 0 : i32
    %dma_wait3A_578 = arith.constant 64 : i32
    %dma_wait3A_579 = tpu.memref_slice %arg7[%add3A_564, %dma_wait3A_577, %dma_wait3A_578] : memref<4096x204x96xf32, #tpu.memory_space<hbm>> -> memref<1x204x16xf32, #tpu.memory_space<hbm>>
    %dma_wait3A_580 = tpu.memref_squeeze %dma_wait3A_579 : memref<1x204x16xf32, #tpu.memory_space<hbm>> -> memref<204x16xf32, #tpu.memory_space<hbm>>
    tpu.wait_dma2 semaphore(%arg21 : memref<!tpu.dma_semaphore, #tpu.memory_space<semaphore_mem>>) src(%arg16 : memref<204x16xf32, #tpu.memory_space<vmem>>) dst(%dma_wait3A_580 : memref<204x16xf32, #tpu.memory_space<hbm>>)
    %dma_wait3A_581 = arith.constant 0 : i32
    %dma_wait3A_582 = arith.constant 80 : i32
    %dma_wait3A_583 = tpu.memref_slice %arg7[%add3A_564, %dma_wait3A_581, %dma_wait3A_582] : memref<4096x204x96xf32, #tpu.memory_space<hbm>> -> memref<1x204x16xf32, #tpu.memory_space<hbm>>
    %dma_wait3A_584 = tpu.memref_squeeze %dma_wait3A_583 : memref<1x204x16xf32, #tpu.memory_space<hbm>> -> memref<204x16xf32, #tpu.memory_space<hbm>>
    %dma_wait3A_585 = arith.constant 0 : i32
    %dma_wait3A_586 = arith.constant 80 : i32
    %dma_wait3A_587 = tpu.memref_slice %arg7[%add3A_564, %dma_wait3A_585, %dma_wait3A_586] : memref<4096x204x96xf32, #tpu.memory_space<hbm>> -> memref<1x204x16xf32, #tpu.memory_space<hbm>>
    %dma_wait3A_588 = tpu.memref_squeeze %dma_wait3A_587 : memref<1x204x16xf32, #tpu.memory_space<hbm>> -> memref<204x16xf32, #tpu.memory_space<hbm>>
    tpu.wait_dma2 semaphore(%arg21 : memref<!tpu.dma_semaphore, #tpu.memory_space<semaphore_mem>>) src(%arg17 : memref<204x16xf32, #tpu.memory_space<vmem>>) dst(%dma_wait3A_588 : memref<204x16xf32, #tpu.memory_space<hbm>>)
    return
  }
}

</mosaic_0001>

<sc_bundles>
// kernel: kernel.3.cloned.1.call-start
scs
__scs_entry_jumppad:
0x0: {  	(pc) =	sbr.rel $0x88, $3  }
0x1: {  	(tag) =	ssettag $0x0;
	lr =	simm.s32 $0x1  }
0x2: {  	[smem:$0x3F9C] =	sst lr;
	_ =	strace $0xD0000000  }
0x3: {  	_ = 	snop  }
0x4: {  	_ = 	snop  }
0x5: {  	_ = 	snop  }
0x6: {  	_ = 	snop  }
0x7: {  	_ = 	snop  }
__scs_overlays_trampoline_lowered:
0x8: {  	[smem:$0x3FAB] =	sst s0  }
0x9: {  	[smem:$0x3FAC] =	sst s1  }
0xa: {  	[smem:$0x3FAD] =	sst s2  }
0xb: {  	[smem:$0x3FAE] =	sst s3  }
0xc: {  	[smem:$0x3FAF] =	sst s4  }
0xd: {  	[smem:$0x3FB0] =	sst s5  }
0xe: {  	[smem:$0x3FB1] =	sst s6  }
0xf: {  	[smem:$0x3FB2] =	sst s7  }
0x10: {  	[smem:$0x3FB3] =	sst s8  }
0x11: {  	[smem:$0x3FB4] =	sst s9;
	s0 =	simm.s32 @!p0 $0x0  }
0x12: {  	s1 =	sld [smem:$0x3F9A];
	s0 =	simm.s32 @p0 $0x1  }
0x13: {  	[smem:$0x3FB5] =	sst s0;
	s0 =	simm.s32 @!p1 $0x0  }
0x14: {  	s2 =	sld [smem:$0x3F99];
	s0 =	simm.s32 @p1 $0x1  }
0x15: {  	[smem:$0x3FB6] =	sst s0;
	s0 =	simm.s32 @!p2 $0x0  }
0x16: {  	s3 =	sld [smem:$0x3FDB];
	s0 =	simm.s32 @p2 $0x1  }
0x17: {  	s4 =	simm.s32 $0x1BF5;
	[smem:$0x3FB8] =	sst s0  }
0x18: {  	s0 =	sld [smem:$0x3F9B];
	_ =	swait.ge [sflag:s4], $0x0  }
0x19: {  	s7 =	sld [smem:$0x3F9C]  }
0x1a: {  	s8 =	sadd.s32 $0xFFFFE003, lr  }
0x1b: {  	s9 =	sadd.s32 $0xFFFFFEF7, lr;
	s5 =	simm.s32 $0xFFFFFFFF;
	p2 =	slt.u32 s8, $0xFFFFF086  }
0x1c: {  	p1 =	slt.u32 s9, $0xF7A;
	s5 =	simm.s32 @!p2 $0x0  }
0x1d: {  	s5 =	simm.s32 @p1 $0x1;
	p0 =	seq.s32 s7, s2  }
0x1e: {  	s7 =	smul.u32 @!p0 $0xF7A, s2;
	p2 =	seq.s32 @!p0 s5, $0x0  }
0x1f: {  	s9 =	smul.u32 $0xF7A, s1;
	s8 =	simm.s32 @!p0 $0x1BF5;
	p2 =	por !p2, p0  }
0x20: {  	[sflag:s8] =	ssyncset.s32 @!p0 $0xFFFFF086;
	s6 =	sadd.s32 @!p0 s3, s7;
	s7 =	simm.s32 @!p0 $0x108  }
0x21: {  	s3 =	sadd.s32 s3, s9;
	s6 =	sadd.s32 @!p0 $0x88, s6;
	s7 =	simm.s32 @p2 $0x1082  }
0x22: {  	[simem:s7], [sflag:s8] =	dma.local @!p0 [hbm:s6], $0xF7A  }
0x23: {  	s9 =	sor.u32 $0xD0000000, s2;
	s6 =	simm.s32 $0x108;
	_ =	swait.ge @!p0 [sflag:s8], $0x0  }
0x24: {  	s3 =	sadd.s32 $0x88, s3;
	s6 =	simm.s32 @!p1 $0x1082;
	[sflag:s4] =	ssyncset.s32 $0xFFFFF086  }
0x25: {  	[simem:s6], [sflag:s4] =	dma.local [hbm:s3], $0xF7A  }
0x26: {  	[smem:$0x3F9C] =	sst s1;
	(tag) =	ssettag s2;
	_ =	strace s9  }
0x27: {  	s1 =	sld [smem:$0x3FAC]  }
0x28: {  	s2 =	sld [smem:$0x3FAD]  }
0x29: {  	s4 =	sld [smem:$0x3FAF]  }
0x2a: {  	p0 =	seq.s32 s5, $0x0;
	s5 =	sld [smem:$0x3FB0]  }
0x2b: {  	s6 =	sld [smem:$0x3FB1]  }
0x2c: {  	s7 =	sld [smem:$0x3FB2]  }
0x2d: {  	s3 =	simm.s32 $0x108;
	s8 =	sld [smem:$0x3FB3]  }
0x2e: {  	s3 =	simm.s32 @!p0 $0x1082;
	s9 =	sld [smem:$0x3FB4]  }
0x2f: {  	lr =	sadd.s32 s0, s3;
	s0 =	sld [smem:$0x3FAB]  }
0x30: {  	s3 =	sld [smem:$0x3FAE]  }
0x31: {  	[smem:$0x3FB7] =	sst s10  }
0x32: {  	s10 =	sld [smem:$0x3FB5];
	_ =	sdelay $0x3  }
0x33: {  	p0 =	seq.s32 s10, $0x1;
	s10 =	sld [smem:$0x3FB7];
	_ =	sdelay $0x3  }
0x34: {  	[smem:$0x3FB7] =	sst s10  }
0x35: {  	s10 =	sld [smem:$0x3FB6];
	_ =	sdelay $0x3  }
0x36: {  	p1 =	seq.s32 s10, $0x1;
	s10 =	sld [smem:$0x3FB7];
	_ =	sdelay $0x3  }
0x37: {  	[smem:$0x3FB7] =	sst s10  }
0x38: {  	s10 =	sld [smem:$0x3FB8]  }
0x39: {  	_ = 	snop;
	(pc) =	sbr.ind lr, $3  }
0x3a: {  	_ = 	snop  }
0x3b: {  	_ = 	snop  }
0x3c: {  	p2 =	seq.s32 s10, $0x1;
	s10 =	sld [smem:$0x3FB7]  }
0x3d: {  	_ =	shalt  }
0x3e: {  	_ =	shalt  }
0x3f: {  	_ =	shalt  }
0x40: {  	_ =	shalt  }
0x41: {  	_ =	shalt  }
0x42: {  	_ =	shalt  }
0x43: {  	_ =	shalt  }
0x44: {  	_ =	shalt  }
0x45: {  	_ =	shalt  }
0x46: {  	_ =	shalt  }
0x47: {  	_ =	shalt  }
0x48: {  	_ =	shalt  }
0x49: {  	_ =	shalt  }
0x4a: {  	_ =	shalt  }
0x4b: {  	_ =	shalt  }
0x4c: {  	_ =	shalt  }
0x4d: {  	_ =	shalt  }
0x4e: {  	_ =	shalt  }
0x4f: {  	_ =	shalt  }
0x50: {  	_ =	shalt  }
0x51: {  	_ =	shalt  }
0x52: {  	_ =	shalt  }
0x53: {  	_ =	shalt  }
0x54: {  	_ =	shalt  }
0x55: {  	_ =	shalt  }
0x56: {  	_ =	shalt  }
0x57: {  	_ =	shalt  }
0x58: {  	_ =	shalt  }
0x59: {  	_ =	shalt  }
0x5a: {  	_ =	shalt  }
0x5b: {  	_ =	shalt  }
0x5c: {  	_ =	shalt  }
0x5d: {  	_ =	shalt  }
0x5e: {  	_ =	shalt  }
0x5f: {  	_ =	shalt  }
0x60: {  	_ =	shalt  }
0x61: {  	_ =	shalt  }
0x62: {  	_ =	shalt  }
0x63: {  	_ =	shalt  }
0x64: {  	_ =	shalt  }
0x65: {  	_ =	shalt  }
0x66: {  	_ =	shalt  }
0x67: {  	_ =	shalt  }
0x68: {  	_ =	shalt  }
0x69: {  	_ =	shalt  }
0x6a: {  	_ =	shalt  }
0x6b: {  	_ =	shalt  }
0x6c: {  	_ =	shalt  }
0x6d: {  	_ =	shalt  }
0x6e: {  	_ =	shalt  }
0x6f: {  	_ =	shalt  }
0x70: {  	_ =	shalt  }
0x71: {  	_ =	shalt  }
0x72: {  	_ =	shalt  }
0x73: {  	_ =	shalt  }
0x74: {  	_ =	shalt  }
0x75: {  	_ =	shalt  }
0x76: {  	_ =	shalt  }
0x77: {  	_ =	shalt  }
0x78: {  	_ =	shalt  }
0x79: {  	_ =	shalt  }
0x7a: {  	_ =	shalt  }
0x7b: {  	_ =	shalt  }
0x7c: {  	_ =	shalt  }
0x7d: {  	_ =	shalt  }
0x7e: {  	_ =	shalt  }
0x7f: {  	_ =	shalt  }
0x80: {  	_ =	shalt  }
0x81: {  	_ =	shalt  }
0x82: {  	_ =	shalt  }
0x83: {  	_ =	shalt  }
0x84: {  	_ =	shalt  }
0x85: {  	_ =	shalt  }
0x86: {  	_ =	shalt  }
0x87: {  	_ =	shalt  }
.Lfunc_end0:
.L_simem_size_0:
called_computation.1_lowered:
.L_overlay_start_0:
0x88: {  	s2 =	sld [smem:$0x3FD9]  }
0x89: {  	s3 =	sld [smem:$0x3FFE];
	_ =	sdelay $0x1  }
0x8a: {  	s1 =	srdreg.scid  }
0x8b: {  	s0 =	sand.u32 $0x1, s1  }
0x8c: {  	s17 =	sshll.u32 s0, $0xA;
	s2 =	sadd.s32 s3, s2  }
0x8d: {  	s2 =	sadd.s32 s2, s17  }
0x8e: {  	[smem:$0x3FC3] =	sst s2  }
0x8f: {  	_ = 	snop  }
0x90: {  	s2 =	sld [smem:$0x3FD0];
	(tm) =	ssettm $0x1  }
0x91: {  	s18 =	sld [smem:$0x3FFB];
	_ =	sdelay $0x3  }
0x92: {  	_ =	strace s18  }
0x93: {  	s3 =	sld [smem:$0x3FFC];
	_ =	sdelay $0x3  }
0x94: {  	_ =	strace s3  }
0x95: {  	s3 =	sld [smem:$0x3FFD];
	_ =	sdelay $0x3  }
0x96: {  	_ =	strace s3  }
0x97: {  	_ =	strace $0x8FFFFFFF  }
0x98: {  	s19 =	sld [smem:$0x3FDB];
	_ =	sdelay $0x1  }
0x99: {  	s4 =	simm.s32 $_scs_section_size  }
0x9a: {  	s5 =	simm.s32 $_size__tile_overlayer_lowered;
	s6 =	simm.s32 $_tile_overlayer_lowered  }
0x9b: {  	s22 =	simm.s32 $0x1BFF;
	s21 =	sshll.u32 s6, $0x1;
	s3 =	sadd.s32 s4, s19  }
0x9c: {  	s7 =	simm.s32 $0x0;
	s20 =	sshll.u32 s5, $0x1;
	s5 =	sadd.s32 s21, s3  }
0x9d: {  	[timem:s7], [sflag:s22] =	dma.local [hbm:s5], s20  }
0x9e: {  	_ =	swait.ge [sflag:s22], s20  }
0x9f: {  	s4 =	ssub.s32 $0x0, s20;
	[sflag:s22] =	ssyncset.done $0x0  }
0xa0: {  	[sflag:s22] =	ssyncadd.s32 s4;
	_ =	sdelay $0x1  }
0xa1: {  	s23 =	simm.s32 $0x1B8B  }
0xa2: {  	_ =	swait.ge [sflag:s23], $0x1  }
0xa3: {  	[sflag:s23] =	ssyncset.done $0x0  }
0xa4: {  	s25 =	simm.s32 $0x1B8E;
	s24 =	sld [smem:$0x3FFE];
	[sflag:s23] =	ssyncadd.s32 $0xFFFFFFFF  }
0xa5: {  	s26 =	simm.s32 $execute0_lowered;
	[smem:$0x3FD2] =	sst s25  }
0xa6: {  	s5 =	sshll.u32 s26, $0x1;
	_ =	strace $0x80000046;
	[dreg:$0x1] =	wrdreg $0xFFFFFFFF  }
0xa7: {  	s28 =	simm.s32 $_size_execute0_lowered;
	s3 =	sadd.s32 s3, s5;
	[dreg:$0x0] =	wrdreg $0x0  }
0xa8: {  	s5 =	sshll.u32 s28, $0x1;
	[dreg:$0x2] =	wrdreg s3  }
0xa9: {  	[dreg:$0x3] =	wrdreg s5  }
0xaa: {  	[dreg:$0x4] =	wrdreg $0xC0  }
0xab: {  	_ =	task [dreg:s7], $0x5FFFF  }
0xac: {  	[dreg:$0x1] =	wrdreg $0xFFFFFFFF  }
0xad: {  	[dreg:$0x0] =	wrdreg $0x60  }
0xae: {  	[dreg:$0x2] =	wrdreg s24  }
0xaf: {  	[dreg:$0x3] =	wrdreg s2  }
0xb0: {  	[dreg:$0x4] =	wrdreg $0x9  }
0xb1: {  	_ =	task.clear_ibuf [dreg:s7], $0x5FFFF;
	_ =	strace $0x90000046  }
0xb2: {  	s29 =	simm.s32 $0x9;
	_ =	strace $0x80000048  }
0xb3: {  	_ =	swait.ge [sflag:s29], $0x1  }
0xb4: {  	[sflag:s29] =	ssyncadd.s32 $0xFFFFFFFF  }
0xb5: {  	_ =	strace $0x90000048  }
0xb6: {  	_ =	sfence  }
0xb7: {  	s30 =	sld [smem:$0x0];
	_ =	sdelay $0x2  }
0xb8: {  	s31 =	sshll.u32 s1, $0xD;
	s1 =	sshrl.u32 s1, $0x2  }
0xb9: {  	s3 =	sand.u32 $0x4000, s31;
	s1 =	sadd.s32 s1, s30  }
0xba: {  	s0 =	sor.u32 s3, s0;
	s1 =	sshll.u32 s1, $0x11  }
0xbb: {  	s0 =	sor.u32 s1, s0  }
0xbc: {  	s0 =	sadd.s32 $0x8F2B, s0  }
0xbd: {  	[sflag:s0] =	ssyncadd.remote.s32 $0x1  }
0xbe: {  	_ =	sfence.sel $0xFFFF  }
0xbf: {  	[dreg:$0x0] =	wrdreg $0xFFFFFFFF;
	(pc) =	sbr.abs _section_cstart, $3  }
0xc0: {  	[dreg:$0x1] =	wrdreg $0xFFFFFFFF  }
0xc1: {  	_ =	task.clear_ibuf [dreg:s7], $0x2FFFF;
	_ =	strace $0x9FFFFFFF  }
0xc2: {  	(tm) =	ssettm $0x7FFFFFFF  }
0xc3: {  	_ =	shalt  }
tec
execute0_lowered:
.L_overlay_start_1:
0x0: {  	(tag) =	ssettag $0x1  }
0x1: {  	s0 =	rddreg [dreg:$0x0]  }
0x2: {  	s1 =	rddreg [dreg:$0x1]  }
0x3: {  	s2 =	srdreg.scid;
	s3 =	simm.s32 $0x0;
	s12 =	stileid.u32  }
0x4: {  	s29 =	simm.s32 $0x58E0;
	s30 =	simm.s32 $0x65A0;
	s31 =	simm.s32 $0x10  }
0x5: {  	s2 =	sand.u32 $0x1, s2;
	[smem:$0x7FF] =	sst s3;
	s25 =	sshll.u32 s12, $0x8  }
0x6: {  	s5 =	sadd.s32 $0x33000, s0;
	s6 =	sadd.s32 $0x1A000, s0;
	s15 =	smul.u32 $0x99000, s12  }
0x7: {  	s9 =	sadd.s32 $0x1000, s0;
	s22 =	smul.u32 $0x1900, s12;
	s12 =	simm.s32 $0x6C20  }
0x8: {  	s4 =	sshll.u32 s2, $0x7;
	_ =	strace $0x80000047;
	s18 =	smul.u32 $0x4C800, s2  }
0x9: {  	s7 =	ssub.s32 $0x2, s2;
	s23 =	smul.u32 $0xC80, s2;
	s3 =	sor.u32 s4, s25  }
0xa: {  	s10 =	sshrl.u32 s7, $0x1;
	s4 =	sadd.s32 $0x4C000, s0;
	s8 =	smul.u32 $0x19, s3  }
0xb: {  	s24 =	sadd.s32 s22, s5;
	s25 =	sadd.s32 s22, s6;
	s11 =	smul.u32 $0x4C80, s3  }
0xc: {  	s3 =	sadd.s32 $0xF43400, s0;
	s26 =	ssub.s32 s7, s10;
	s2 =	sadd.s32 s23, s25  }
0xd: {  	s0 =	smax.u32 s26, $0x1;
	s26 =	sadd.s32 s22, s9;
	s22 =	simm.s32 $0x68  }
0xe: {  	s28 =	sadd.s32 s5, s8;
	s10 =	sadd.s32 s6, s8;
	[dreg:$0xd] =	wrdreg s0  }
0xf: {  	s13 =	sshrl.u32 s11, $0x3;
	s8 =	sadd.s32 s9, s8;
	[dreg:$0x4] =	wrdreg s28  }
0x10: {  	s0 =	sadd.s32 s23, s26;
	s9 =	simm.s32 $0x2640;
	[dreg:$0x5] =	wrdreg s10  }
0x11: {  	s26 =	simm.s32 $0x60;
	[dreg:$0x6] =	wrdreg s8;
	s14 =	sadd.s32 s1, s13  }
0x12: {  	s11 =	simm.s32 $0x5F60;
	s28 =	sadd.s32 $0x32, s2;
	[dreg:$0x7] =	wrdreg s14  }
0x13: {  	s1 =	sadd.s32 s15, s1;
	s0 =	sadd.s32 $0x32, s0;
	[dreg:$0xf] =	wrdreg s28  }
0x14: {  	s10 =	simm.s32 $0x4040;
	s16 =	sadd.s32 $0x8, s14;
	[dreg:$0x10] =	wrdreg s0  }
0x15: {  	s13 =	simm.s32 $0xB8A0;
	s17 =	sadd.s32 $0xA, s14;
	[dreg:$0x8] =	wrdreg s16  }
0x16: {  	s8 =	simm.s32 $0xB200;
	s19 =	sadd.s32 $0x4BE70, s14;
	[dreg:$0x9] =	wrdreg s17  }
0x17: {  	s15 =	simm.s32 $0x3;
	s20 =	sadd.s32 $0x4BE78, s14;
	[dreg:$0xa] =	wrdreg s19  }
0x18: {  	s2 =	simm.s32 $0x0;
	s21 =	sadd.s32 $0x4BE7A, s14;
	[dreg:$0xb] =	wrdreg s20  }
0x19: {  	s1 =	sadd.s32 s18, s1;
	s18 =	simm.s32 $0x40;
	[dreg:$0xc] =	wrdreg s21  }
0x1a: {  	s14 =	simm.s32 $0x2;
	[dreg:$0x3] =	wrdreg s1;
	s1 =	sadd.s32 s23, s24  }
0x1b: {  	s20 =	simm.s32 $0x7240;
	s21 =	simm.s32 $0xA540;
	s1 =	sadd.s32 $0x32, s1  }
0x1c: {  	s16 =	simm.s32 $0x4;
	[dreg:$0xe] =	wrdreg s1;
	s1 =	simm.s32 $0x1  }
.LBB2_1:
0x1d: {  	[dreg:$0x11] =	wrdreg s2  }
0x1e: {  	s0 =	simm.s32 $0x0;
	s17 =	simm.s32 $0x2580;
	s5 =	simm.s32 $0x5  }
0x1f: {  	[tilespmem:s17], [sflag:$0x5] =	stream.linear.gather [hbm4b:s3+s0], $0x40, $0x38;
	[tilespmem:$0xBEC0] =	vst v63  }
0x20: {  	_ =	swait.ge [sflag:s5], $0x40  }
0x21: {  	[sflag:s5] =	ssyncset.done $0x0  }
0x22: {  	[sflag:s5] =	ssyncadd.s32 $0xFFFFFFC0  }
0x23: {  	v0 =	vld [tilespmem:$0x2580];
	_ =	sdelay $0x4  }
0x24: {  	[tilespmem:$0x25C0] =	vst v0  }
0x25: {  	[tilespmem:$0x2600] =	vst v0  }
0x26: {  	[tilespmem:$0x5840] =	vst v0  }
0x27: {  	v1 =	vld [tilespmem:$0x2590];
	[tilespmem:$0x5880] =	vst v0  }
0x28: {  	[tilespmem:$0x7240] =	vst v0  }
0x29: {  	[tilespmem:$0x7280] =	vst v0  }
0x2a: {  	[tilespmem:$0xA4C0] =	vst v0  }
0x2b: {  	[tilespmem:$0xA500] =	vst v0  }
0x2c: {  	[tilespmem:$0x25D0] =	vst v1  }
0x2d: {  	[tilespmem:$0x2610] =	vst v1  }
0x2e: {  	[tilespmem:$0x5850] =	vst v1  }
0x2f: {  	[tilespmem:$0x5890] =	vst v1;
	v0 =	vld [tilespmem:$0x25A0]  }
0x30: {  	[tilespmem:$0x7250] =	vst v1  }
0x31: {  	[tilespmem:$0x7290] =	vst v1  }
0x32: {  	[tilespmem:$0xA4D0] =	vst v1  }
0x33: {  	[tilespmem:$0xA510] =	vst v1  }
0x34: {  	[tilespmem:$0x25E0] =	vst v0  }
0x35: {  	[tilespmem:$0x2620] =	vst v0  }
0x36: {  	[tilespmem:$0x5860] =	vst v0  }
0x37: {  	v1 =	vld [tilespmem:$0x25B0];
	[tilespmem:$0x58A0] =	vst v0  }
0x38: {  	[tilespmem:$0x7260] =	vst v0  }
0x39: {  	[tilespmem:$0x72A0] =	vst v0  }
0x3a: {  	[tilespmem:$0xA4E0] =	vst v0  }
0x3b: {  	[tilespmem:$0xA520] =	vst v0  }
0x3c: {  	[tilespmem:$0x25F0] =	vst v1  }
0x3d: {  	[tilespmem:$0x2630] =	vst v1  }
0x3e: {  	[tilespmem:$0x5870] =	vst v1  }
0x3f: {  	[tilespmem:$0x58B0] =	vst v1  }
0x40: {  	[tilespmem:$0x7270] =	vst v1  }
0x41: {  	[tilespmem:$0x72B0] =	vst v1  }
0x42: {  	[tilespmem:$0xA4F0] =	vst v1  }
0x43: {  	s19 =	rddreg [dreg:$0x4];
	[tilespmem:$0xA530] =	vst v1  }
0x44: {  	[tilespmem:s0], [sflag:$0x5] =	stream.linear.gather [hbm4b:s19+s0], $0xC80, $0x38;
	[tilespmem:$0xBEC0] =	vst v63  }
0x45: {  	_ =	swait.ge [sflag:s5], $0xC80  }
0x46: {  	[sflag:s5] =	ssyncset.done $0x0  }
0x47: {  	s6 =	simm.s32 $0xC80;
	s23 =	rddreg [dreg:$0x5];
	[sflag:s5] =	ssyncadd.s32 $0xFFFFF380  }
0x48: {  	[tilespmem:s6], [sflag:$0x5] =	stream.linear.gather [hbm4b:s23+s0], $0xC80, $0x38;
	[tilespmem:$0xBEC0] =	vst v63  }
0x49: {  	_ =	swait.ge [sflag:s5], $0xC80  }
0x4a: {  	[sflag:s5] =	ssyncset.done $0x0  }
0x4b: {  	s7 =	simm.s32 $0x1900;
	s24 =	rddreg [dreg:$0x6];
	[sflag:s5] =	ssyncadd.s32 $0xFFFFF380  }
0x4c: {  	[tilespmem:s7], [sflag:$0x5] =	stream.linear.gather [hbm4b:s24+s0], $0xC80, $0x38;
	[tilespmem:$0xBEC0] =	vst v63  }
0x4d: {  	_ =	swait.ge [sflag:s5], $0xC80  }
0x4e: {  	[sflag:s5] =	ssyncset.done $0x0  }
0x4f: {  	[sflag:s5] =	ssyncadd.s32 $0xFFFFF380  }
0x50: {  	[tilespmem:s9], [sflag:$0x1] =	stream.indirect.gather [hbm4b:s3+s22], $0x40, s0, s22, $0xb8;
	[tilespmem:$0xBEC0] =	vst v63  }
0x51: {  	_ = 	snop  }
0x52: {  	[tilespmem:s29], [sflag:$0x1] =	stream.indirect.gather [hbm4b:s4+s22], $0x10, s6, s22, $0xb8;
	[tilespmem:$0xBEC0] =	vst v63  }
0x53: {  	_ = 	snop  }
0x54: {  	[tilespmem:s30], [sflag:$0x1] =	stream.indirect.gather [hbm4b:s4+s22], $0x10, s7, s22, $0xb8;
	[tilespmem:$0xBEC0] =	vst v63  }
0x55: {  	_ = 	snop  }
0x56: {  	[tilespmem:s10], [sflag:$0x1] =	stream.indirect.gather [hbm4b:s3+s26], $0x40, s22, s26, $0xb8;
	[tilespmem:$0xBEC0] =	vst v63  }
0x57: {  	s25 =	simm.s32 $0xCE8  }
0x58: {  	[tilespmem:s11], [sflag:$0x1] =	stream.indirect.gather [hbm4b:s4+s26], $0x10, s25, s26, $0xb8;
	[tilespmem:$0xBEC0] =	vst v63  }
0x59: {  	s2 =	simm.s32 $0x1968  }
0x5a: {  	[tilespmem:s12], [sflag:$0x1] =	stream.indirect.gather [hbm4b:s4+s26], $0x10, s2, s26, $0xb8;
	[tilespmem:$0xBEC0] =	vst v63  }
0x5b: {  	_ =	swait.ge [sflag:s1], $0x1A00  }
0x5c: {  	[sflag:s1] =	ssyncset.done $0x0  }
0x5d: {  	[sflag:s1] =	ssyncadd.s32 $0xFFFFE600  }
0x5e: {  	_ =	swait.ge [sflag:s1], $0x680  }
0x5f: {  	[sflag:s1] =	ssyncset.done $0x0  }
0x60: {  	[sflag:s1] =	ssyncadd.s32 $0xFFFFF980  }
0x61: {  	_ =	swait.ge [sflag:s1], $0x680  }
0x62: {  	[sflag:s1] =	ssyncset.done $0x0  }
0x63: {  	[sflag:s1] =	ssyncadd.s32 $0xFFFFF980  }
0x64: {  	_ =	swait.ge [sflag:s1], $0x1800  }
0x65: {  	[sflag:s1] =	ssyncset.done $0x0  }
0x66: {  	[sflag:s1] =	ssyncadd.s32 $0xFFFFE800  }
0x67: {  	_ =	swait.ge [sflag:s1], $0x600  }
0x68: {  	[sflag:s1] =	ssyncset.done $0x0  }
0x69: {  	[sflag:s1] =	ssyncadd.s32 $0xFFFFFA00  }
0x6a: {  	_ =	swait.ge [sflag:s1], $0x600  }
0x6b: {  	[sflag:s1] =	ssyncset.done $0x0  }
0x6c: {  	[sflag:s1] =	ssyncadd.s32 $0xFFFFFA00  }
0x6d: {  	v0 =	vld [tilespmem:$0x58E0];
	_ =	sdelay $0x1  }
0x6e: {  	v1 =	vld [tilespmem:$0x6550];
	_ =	sdelay $0x1  }
0x6f: {  	v2 =	vld [tilespmem:$0x65A0]  }
0x70: {  	[tilespmem:$0x58C0] =	vst v0  }
0x71: {  	[tilespmem:$0x58D0] =	vst v0;
	v0 =	vld [tilespmem:$0x7210]  }
0x72: {  	[tilespmem:$0x6560] =	vst v1  }
0x73: {  	[tilespmem:$0x6570] =	vst v1  }
0x74: {  	[tilespmem:$0x6580] =	vst v2  }
0x75: {  	[tilespmem:$0x6590] =	vst v2  }
0x76: {  	[tilespmem:$0x7220] =	vst v0  }
0x77: {  	s6 =	simm.s32 $0x25C0;
	s5 =	rddreg [dreg:$0x7];
	[tilespmem:$0x7230] =	vst v0  }
0x78: {  	[hbm4b:s5+s18] =	stream.strided.scatter [tilespmem:s6], [sflag:$0x3], $0x3300, s26, s18, $0x38;
	[tilespmem:$0xBEC0] =	vst v63  }
0x79: {  	s17 =	simm.s32 $0x58C0;
	s7 =	rddreg [dreg:$0x8]  }
0x7a: {  	[hbm4b:s7+s31] =	stream.strided.scatter [tilespmem:s17], [sflag:$0x3], $0xCC0, s26, s31, $0x38;
	[tilespmem:$0xBEC0] =	vst v63  }
0x7b: {  	s23 =	simm.s32 $0x6580;
	s19 =	rddreg [dreg:$0x9]  }
0x7c: {  	[hbm4b:s19+s31] =	stream.strided.scatter [tilespmem:s23], [sflag:$0x3], $0xCC0, s26, s31, $0x38;
	[tilespmem:$0xBEC0] =	vst v63  }
0x7d: {  	s24 =	simm.s32 $0xC8;
	s25 =	simm.s32 $0x72C0  }
0x7e: {  	[tilespmem:s25], [sflag:$0x2] =	stream.indirect.gather [hbm4b:s3+s22], $0x40, s24, s22, $0xb8;
	[tilespmem:$0xBEC0] =	vst v63  }
0x7f: {  	s5 =	simm.s32 $0xD48;
	s6 =	simm.s32 $0xA560  }
0x80: {  	[tilespmem:s6], [sflag:$0x2] =	stream.indirect.gather [hbm4b:s4+s22], $0x10, s5, s22, $0xb8;
	[tilespmem:$0xBEC0] =	vst v63  }
0x81: {  	s7 =	simm.s32 $0x19C8;
	s17 =	simm.s32 $0xB220  }
0x82: {  	[tilespmem:s17], [sflag:$0x2] =	stream.indirect.gather [hbm4b:s4+s22], $0x10, s7, s22, $0xb8;
	[tilespmem:$0xBEC0] =	vst v63  }
0x83: {  	s19 =	simm.s32 $0x130;
	s23 =	simm.s32 $0x8CC0  }
0x84: {  	[tilespmem:s23], [sflag:$0x2] =	stream.indirect.gather [hbm4b:s3+s26], $0x40, s19, s26, $0xb8;
	[tilespmem:$0xBEC0] =	vst v63  }
0x85: {  	s24 =	simm.s32 $0xDB0;
	s25 =	simm.s32 $0xABE0  }
0x86: {  	[tilespmem:s25], [sflag:$0x2] =	stream.indirect.gather [hbm4b:s4+s26], $0x10, s24, s26, $0xb8;
	[tilespmem:$0xBEC0] =	vst v63  }
0x87: {  	s5 =	simm.s32 $0x1A30  }
0x88: {  	[tilespmem:s13], [sflag:$0x2] =	stream.indirect.gather [hbm4b:s4+s26], $0x10, s5, s26, $0xb8;
	[tilespmem:$0xBEC0] =	vst v63  }
0x89: {  	_ =	swait.ge [sflag:s14], $0x1A00  }
0x8a: {  	[sflag:s14] =	ssyncset.done $0x0  }
0x8b: {  	[sflag:s14] =	ssyncadd.s32 $0xFFFFE600  }
0x8c: {  	_ =	swait.ge [sflag:s14], $0x680  }
0x8d: {  	[sflag:s14] =	ssyncset.done $0x0  }
0x8e: {  	[sflag:s14] =	ssyncadd.s32 $0xFFFFF980  }
0x8f: {  	_ =	swait.ge [sflag:s14], $0x680  }
0x90: {  	[sflag:s14] =	ssyncset.done $0x0  }
0x91: {  	[sflag:s14] =	ssyncadd.s32 $0xFFFFF980  }
0x92: {  	_ =	swait.ge [sflag:s14], $0x1800  }
0x93: {  	[sflag:s14] =	ssyncset.done $0x0  }
0x94: {  	[sflag:s14] =	ssyncadd.s32 $0xFFFFE800  }
0x95: {  	_ =	swait.ge [sflag:s14], $0x600  }
0x96: {  	[sflag:s14] =	ssyncset.done $0x0  }
0x97: {  	[sflag:s14] =	ssyncadd.s32 $0xFFFFFA00  }
0x98: {  	_ =	swait.ge [sflag:s14], $0x600  }
0x99: {  	[sflag:s14] =	ssyncset.done $0x0  }
0x9a: {  	[sflag:s14] =	ssyncadd.s32 $0xFFFFFA00  }
0x9b: {  	v0 =	vld [tilespmem:$0xB1D0]  }
0x9c: {  	v1 =	vld [tilespmem:$0xB220];
	_ =	sdelay $0x1  }
0x9d: {  	v2 =	vld [tilespmem:$0xBE90];
	_ =	sdelay $0x1  }
0x9e: {  	v3 =	vld [tilespmem:$0xA560];
	[tilespmem:$0xB1F0] =	vst v0  }
0x9f: {  	[tilespmem:$0xB210] =	vst v1  }
0xa0: {  	[tilespmem:$0xB200] =	vst v1  }
0xa1: {  	[tilespmem:$0xBEB0] =	vst v2  }
0xa2: {  	[tilespmem:$0xBEA0] =	vst v2  }
0xa3: {  	s6 =	rddreg [dreg:$0x3];
	[tilespmem:$0xA540] =	vst v3  }
0xa4: {  	s28 =	sadd.s32 $0x0, s6;
	[tilespmem:$0xA550] =	vst v3  }
0xa5: {  	s7 =	simm.s32 $0x2;
	s17 =	sadd.s32 $0x990, s28;
	[tilespmem:$0xB1E0] =	vst v0  }
0xa6: {  	[hbm4b:s17+s18] =	stream.strided.scatter [tilespmem:s20], [sflag:$0x4], $0x3300, s26, s18, $0x38;
	[tilespmem:$0xBEC0] =	vst v63  }
0xa7: {  	s0 =	sand.u32 $0xE, s7;
	s19 =	sadd.s32 $0x998, s28  }
0xa8: {  	[hbm4b:s19+s31] =	stream.strided.scatter [tilespmem:s21], [sflag:$0x4], $0xCC0, s26, s31, $0x38;
	[tilespmem:$0xBEC0] =	vst v63  }
0xa9: {  	p0 =	sne.s32 s0, $0x0;
	s23 =	sadd.s32 $0x99A, s28  }
0xaa: {  	[hbm4b:s23+s31] =	stream.strided.scatter [tilespmem:s8], [sflag:$0x4], $0xCC0, s26, s31, $0x38;
	[tilespmem:$0xBEC0] =	vst v63  }
0xab: {  	s2 =	simm.s32 @!p0 $0x0;
	s5 =	rddreg [dreg:$0xe];
	s17 =	simm.s32 @!p0 $0x5  }
0xac: {  	[tilespmem:s2], [sflag:$0x5] =	stream.linear.gather @!p0 [hbm4b:s5+s2], $0xC80, $0x38;
	[tilespmem:$0xBEC0] =	vst v63  }
0xad: {  	_ =	swait.ge @!p0 [sflag:s17], $0xC80  }
0xae: {  	[sflag:s17] =	ssyncset.done @!p0 $0x0  }
0xaf: {  	s19 =	simm.s32 @!p0 $0xC80;
	s6 =	rddreg [dreg:$0xf];
	[sflag:s17] =	ssyncadd.s32 @!p0 $0xFFFFF380  }
0xb0: {  	[tilespmem:s19], [sflag:$0x5] =	stream.linear.gather @!p0 [hbm4b:s6+s2], $0xC80, $0x38;
	[tilespmem:$0xBEC0] =	vst v63  }
0xb1: {  	_ =	swait.ge @!p0 [sflag:s17], $0xC80  }
0xb2: {  	[sflag:s17] =	ssyncset.done @!p0 $0x0  }
0xb3: {  	s19 =	simm.s32 @!p0 $0x1900;
	s7 =	rddreg [dreg:$0x10];
	[sflag:s17] =	ssyncadd.s32 @!p0 $0xFFFFF380  }
0xb4: {  	[tilespmem:s19], [sflag:$0x5] =	stream.linear.gather @!p0 [hbm4b:s7+s2], $0xC80, $0x38;
	[tilespmem:$0xBEC0] =	vst v63  }
0xb5: {  	_ =	swait.ge @!p0 [sflag:s17], $0xC80  }
0xb6: {  	[sflag:s17] =	ssyncset.done @!p0 $0x0  }
0xb7: {  	[sflag:s17] =	ssyncadd.s32 @!p0 $0xFFFFF380  }
0xb8: {  	_ =	swait.ge [sflag:s15], $0x3300  }
0xb9: {  	[sflag:s15] =	ssyncset.done $0x0  }
0xba: {  	[sflag:s15] =	ssyncadd.s32 $0xFFFFCD00  }
0xbb: {  	_ =	swait.ge [sflag:s15], $0xCC0  }
0xbc: {  	[sflag:s15] =	ssyncset.done $0x0  }
0xbd: {  	[sflag:s15] =	ssyncadd.s32 $0xFFFFF340  }
0xbe: {  	_ =	swait.ge [sflag:s15], $0xCC0  }
0xbf: {  	s0 =	smul.u32 $0xC8, s0;
	[sflag:s15] =	ssyncset.done $0x0  }
0xc0: {  	[sflag:s15] =	ssyncadd.s32 $0xFFFFF340  }
0xc1: {  	[tilespmem:s9], [sflag:$0x1] =	stream.indirect.gather [hbm4b:s3+s22], $0x40, s0, s22, $0xb8;
	[tilespmem:$0xBEC0] =	vst v63  }
0xc2: {  	s24 =	sadd.s32 $0xC80, s0  }
0xc3: {  	[tilespmem:s29], [sflag:$0x1] =	stream.indirect.gather [hbm4b:s4+s22], $0x10, s24, s22, $0xb8;
	[tilespmem:$0xBEC0] =	vst v63  }
0xc4: {  	s25 =	sadd.s32 $0x1900, s0  }
0xc5: {  	[tilespmem:s30], [sflag:$0x1] =	stream.indirect.gather [hbm4b:s4+s22], $0x10, s25, s22, $0xb8;
	[tilespmem:$0xBEC0] =	vst v63  }
0xc6: {  	s29 =	sadd.s32 $0x68, s0  }
0xc7: {  	[tilespmem:s10], [sflag:$0x1] =	stream.indirect.gather [hbm4b:s3+s26], $0x40, s29, s26, $0xb8;
	[tilespmem:$0xBEC0] =	vst v63  }
0xc8: {  	s30 =	sadd.s32 $0xCE8, s0  }
0xc9: {  	[tilespmem:s11], [sflag:$0x1] =	stream.indirect.gather [hbm4b:s4+s26], $0x10, s30, s26, $0xb8;
	[tilespmem:$0xBEC0] =	vst v63  }
0xca: {  	s0 =	sadd.s32 $0x1968, s0  }
0xcb: {  	[tilespmem:s12], [sflag:$0x1] =	stream.indirect.gather [hbm4b:s4+s26], $0x10, s0, s26, $0xb8;
	[tilespmem:$0xBEC0] =	vst v63  }
0xcc: {  	_ =	swait.ge [sflag:s1], $0x1A00  }
0xcd: {  	[sflag:s1] =	ssyncset.done $0x0  }
0xce: {  	[sflag:s1] =	ssyncadd.s32 $0xFFFFE600  }
0xcf: {  	_ =	swait.ge [sflag:s1], $0x680  }
0xd0: {  	[sflag:s1] =	ssyncset.done $0x0  }
0xd1: {  	[sflag:s1] =	ssyncadd.s32 $0xFFFFF980  }
0xd2: {  	_ =	swait.ge [sflag:s1], $0x680  }
0xd3: {  	[sflag:s1] =	ssyncset.done $0x0  }
0xd4: {  	[sflag:s1] =	ssyncadd.s32 $0xFFFFF980  }
0xd5: {  	_ =	swait.ge [sflag:s1], $0x1800  }
0xd6: {  	[sflag:s1] =	ssyncset.done $0x0  }
0xd7: {  	[sflag:s1] =	ssyncadd.s32 $0xFFFFE800  }
0xd8: {  	_ =	swait.ge [sflag:s1], $0x600  }
0xd9: {  	[sflag:s1] =	ssyncset.done $0x0  }
0xda: {  	[sflag:s1] =	ssyncadd.s32 $0xFFFFFA00  }
0xdb: {  	_ =	swait.ge [sflag:s1], $0x600  }
0xdc: {  	[sflag:s1] =	ssyncset.done $0x0  }
0xdd: {  	[sflag:s1] =	ssyncadd.s32 $0xFFFFFA00  }
0xde: {  	v1 =	vld [tilespmem:$0x58E0]  }
0xdf: {  	v2 =	vld [tilespmem:$0x6550]  }
0xe0: {  	v0 =	vld [tilespmem:$0x65A0]  }
0xe1: {  	v3 =	vld [tilespmem:$0x7210];
	_ =	sdelay $0x1  }
0xe2: {  	[tilespmem:$0x58C0] =	vst v1  }
0xe3: {  	[tilespmem:$0x6570] =	vst v2  }
0xe4: {  	[tilespmem:$0x6590] =	vst v0  }
0xe5: {  	s23 =	sadd.s32 $0x32, s5;
	[tilespmem:$0x7230] =	vst v3  }
0xe6: {  	s19 =	simm.s32 $0x1320;
	s2 =	sand.u32 $0xF, s15;
	s17 =	sadd.s32 $0x32, s7;
	[tilespmem:$0x7220] =	vst v3  }
0xe7: {  	s24 =	sadd.s32 $0x32, s6;
	s25 =	simm.s32 $0x3;
	s10 =	simm.s32 $0x4040;
	[tilespmem:$0x6560] =	vst v2  }
0xe8: {  	s11 =	simm.s32 $0x5F60;
	s0 =	sadd.s32 $0x1320, s28;
	s12 =	simm.s32 $0x6C20;
	[tilespmem:$0x58D0] =	vst v1  }
.LBB2_2:
0xe9: {  	[tilespmem:$0x6580] =	vst v0;
	s5 =	simm.s32 $0x25C0  }
0xea: {  	[hbm4b:s0+s18] =	stream.strided.scatter [tilespmem:s5], [sflag:$0x3], $0x3300, s26, s18, $0x38;
	[tilespmem:$0xBEC0] =	vst v63  }
0xeb: {  	s29 =	sadd.s32 $0x1328, s28;
	s9 =	simm.s32 $0x58C0  }
0xec: {  	[hbm4b:s29+s31] =	stream.strided.scatter [tilespmem:s9], [sflag:$0x3], $0xCC0, s26, s31, $0x38;
	[tilespmem:$0xBEC0] =	vst v63  }
0xed: {  	s28 =	sadd.s32 $0x132A, s28;
	s6 =	simm.s32 $0x6580  }
0xee: {  	[hbm4b:s28+s31] =	stream.strided.scatter [tilespmem:s6], [sflag:$0x3], $0xCC0, s26, s31, $0x38;
	[tilespmem:$0xBEC0] =	vst v63  }
0xef: {  	_ =	swait.ge [sflag:s16], $0x3300  }
0xf0: {  	[sflag:s16] =	ssyncset.done $0x0  }
0xf1: {  	[sflag:s16] =	ssyncadd.s32 $0xFFFFCD00  }
0xf2: {  	_ =	swait.ge [sflag:s16], $0xCC0  }
0xf3: {  	[sflag:s16] =	ssyncset.done $0x0  }
0xf4: {  	[sflag:s16] =	ssyncadd.s32 $0xFFFFF340  }
0xf5: {  	_ =	swait.ge [sflag:s16], $0xCC0  }
0xf6: {  	s25 =	sadd.s32 $0x2, s25;
	s28 =	smul.u32 $0xC8, s2;
	[sflag:s16] =	ssyncset.done $0x0  }
0xf7: {  	s7 =	sand.u32 $0xF, s25;
	s9 =	simm.s32 $0x72C0;
	[sflag:s16] =	ssyncadd.s32 $0xFFFFF340  }
0xf8: {  	[tilespmem:s9], [sflag:$0x2] =	stream.indirect.gather [hbm4b:s3+s22], $0x40, s28, s22, $0xb8;
	[tilespmem:$0xBEC0] =	vst v63  }
0xf9: {  	s2 =	smov.u32 s7;
	s6 =	simm.s32 $0xA560;
	s7 =	sadd.s32 $0xC80, s28  }
0xfa: {  	[tilespmem:s6], [sflag:$0x2] =	stream.indirect.gather [hbm4b:s4+s22], $0x10, s7, s22, $0xb8;
	[tilespmem:$0xBEC0] =	vst v63  }
0xfb: {  	s29 =	sadd.s32 $0x1900, s28;
	s9 =	simm.s32 $0xB220  }
0xfc: {  	[tilespmem:s9], [sflag:$0x2] =	stream.indirect.gather [hbm4b:s4+s22], $0x10, s29, s22, $0xb8;
	[tilespmem:$0xBEC0] =	vst v63  }
0xfd: {  	s7 =	sadd.s32 $0x68, s28;
	s6 =	simm.s32 $0x8CC0  }
0xfe: {  	[tilespmem:s6], [sflag:$0x2] =	stream.indirect.gather [hbm4b:s3+s26], $0x40, s7, s26, $0xb8;
	[tilespmem:$0xBEC0] =	vst v63  }
0xff: {  	s29 =	sadd.s32 $0xCE8, s28;
	s9 =	simm.s32 $0xABE0  }
0x100: {  	[tilespmem:s9], [sflag:$0x2] =	stream.indirect.gather [hbm4b:s4+s26], $0x10, s29, s26, $0xb8;
	[tilespmem:$0xBEC0] =	vst v63  }
0x101: {  	s7 =	sadd.s32 $0x1968, s28  }
0x102: {  	[tilespmem:s13], [sflag:$0x2] =	stream.indirect.gather [hbm4b:s4+s26], $0x10, s7, s26, $0xb8;
	[tilespmem:$0xBEC0] =	vst v63  }
0x103: {  	_ =	swait.ge [sflag:s14], $0x1A00  }
0x104: {  	[sflag:s14] =	ssyncset.done $0x0  }
0x105: {  	[sflag:s14] =	ssyncadd.s32 $0xFFFFE600  }
0x106: {  	_ =	swait.ge [sflag:s14], $0x680  }
0x107: {  	[sflag:s14] =	ssyncset.done $0x0  }
0x108: {  	[sflag:s14] =	ssyncadd.s32 $0xFFFFF980  }
0x109: {  	_ =	swait.ge [sflag:s14], $0x680  }
0x10a: {  	[sflag:s14] =	ssyncset.done $0x0  }
0x10b: {  	[sflag:s14] =	ssyncadd.s32 $0xFFFFF980  }
0x10c: {  	_ =	swait.ge [sflag:s14], $0x1800  }
0x10d: {  	[sflag:s14] =	ssyncset.done $0x0  }
0x10e: {  	[sflag:s14] =	ssyncadd.s32 $0xFFFFE800  }
0x10f: {  	_ =	swait.ge [sflag:s14], $0x600  }
0x110: {  	[sflag:s14] =	ssyncset.done $0x0  }
0x111: {  	[sflag:s14] =	ssyncadd.s32 $0xFFFFFA00  }
0x112: {  	_ =	swait.ge [sflag:s14], $0x600  }
0x113: {  	[sflag:s14] =	ssyncset.done $0x0  }
0x114: {  	[sflag:s14] =	ssyncadd.s32 $0xFFFFFA00  }
0x115: {  	v0 =	vld [tilespmem:$0xB1D0]  }
0x116: {  	v1 =	vld [tilespmem:$0xB220];
	_ =	sdelay $0x1  }
0x117: {  	v2 =	vld [tilespmem:$0xBE90];
	_ =	sdelay $0x1  }
0x118: {  	v3 =	vld [tilespmem:$0xA560];
	[tilespmem:$0xB1F0] =	vst v0  }
0x119: {  	[tilespmem:$0xB210] =	vst v1  }
0x11a: {  	[tilespmem:$0xB200] =	vst v1  }
0x11b: {  	[tilespmem:$0xBEB0] =	vst v2  }
0x11c: {  	[tilespmem:$0xBEA0] =	vst v2  }
0x11d: {  	s30 =	smov.u32 s19;
	s5 =	rddreg [dreg:$0x3];
	[tilespmem:$0xA540] =	vst v3  }
0x11e: {  	s28 =	sadd.s32 s30, s5;
	[tilespmem:$0xA550] =	vst v3  }
0x11f: {  	s29 =	sadd.s32 $0xFFFFFFFF, s25;
	s7 =	sadd.s32 $0x990, s28;
	[tilespmem:$0xB1E0] =	vst v0  }
0x120: {  	[hbm4b:s7+s18] =	stream.strided.scatter [tilespmem:s20], [sflag:$0x4], $0x3300, s26, s18, $0x38;
	[tilespmem:$0xBEC0] =	vst v63  }
0x121: {  	s30 =	sand.u32 $0xE, s29;
	s0 =	sadd.s32 $0x998, s28  }
0x122: {  	[hbm4b:s0+s31] =	stream.strided.scatter [tilespmem:s21], [sflag:$0x4], $0xCC0, s26, s31, $0x38;
	[tilespmem:$0xBEC0] =	vst v63  }
0x123: {  	s5 =	sadd.s32 $0x99A, s28;
	p1 =	sne.s32 s30, $0x0  }
0x124: {  	[hbm4b:s5+s31] =	stream.strided.scatter [tilespmem:s8], [sflag:$0x4], $0xCC0, s26, s31, $0x38;
	[tilespmem:$0xBEC0] =	vst v63  }
0x125: {  	s29 =	simm.s32 @!p1 $0x0;
	s6 =	simm.s32 @!p1 $0x5  }
0x126: {  	[tilespmem:s29], [sflag:$0x5] =	stream.linear.gather @!p1 [hbm4b:s23+s29], $0xC80, $0x38;
	[tilespmem:$0xBEC0] =	vst v63  }
0x127: {  	_ =	swait.ge @!p1 [sflag:s6], $0xC80  }
0x128: {  	[sflag:s6] =	ssyncset.done @!p1 $0x0  }
0x129: {  	s9 =	simm.s32 @!p1 $0xC80;
	[sflag:s6] =	ssyncadd.s32 @!p1 $0xFFFFF380  }
0x12a: {  	[tilespmem:s9], [sflag:$0x5] =	stream.linear.gather @!p1 [hbm4b:s24+s29], $0xC80, $0x38;
	[tilespmem:$0xBEC0] =	vst v63  }
0x12b: {  	_ =	swait.ge @!p1 [sflag:s6], $0xC80  }
0x12c: {  	[sflag:s6] =	ssyncset.done @!p1 $0x0  }
0x12d: {  	s0 =	simm.s32 @!p1 $0x1900;
	[sflag:s6] =	ssyncadd.s32 @!p1 $0xFFFFF380  }
0x12e: {  	[tilespmem:s0], [sflag:$0x5] =	stream.linear.gather @!p1 [hbm4b:s17+s29], $0xC80, $0x38;
	[tilespmem:$0xBEC0] =	vst v63  }
0x12f: {  	_ =	swait.ge @!p1 [sflag:s6], $0xC80  }
0x130: {  	[sflag:s6] =	ssyncset.done @!p1 $0x0  }
0x131: {  	[sflag:s6] =	ssyncadd.s32 @!p1 $0xFFFFF380  }
0x132: {  	_ =	swait.ge [sflag:s15], $0x3300  }
0x133: {  	[sflag:s15] =	ssyncset.done $0x0  }
0x134: {  	[sflag:s15] =	ssyncadd.s32 $0xFFFFCD00  }
0x135: {  	_ =	swait.ge [sflag:s15], $0xCC0  }
0x136: {  	[sflag:s15] =	ssyncset.done $0x0  }
0x137: {  	[sflag:s15] =	ssyncadd.s32 $0xFFFFF340  }
0x138: {  	_ =	swait.ge [sflag:s15], $0xCC0  }
0x139: {  	s0 =	smul.u32 $0xC8, s30;
	[sflag:s15] =	ssyncset.done $0x0  }
0x13a: {  	s9 =	simm.s32 $0x2640;
	[sflag:s15] =	ssyncadd.s32 $0xFFFFF340  }
0x13b: {  	[tilespmem:s9], [sflag:$0x1] =	stream.indirect.gather [hbm4b:s3+s22], $0x40, s0, s22, $0xb8;
	[tilespmem:$0xBEC0] =	vst v63  }
0x13c: {  	s29 =	simm.s32 $0x58E0;
	s6 =	sadd.s32 $0xC80, s0  }
0x13d: {  	[tilespmem:s29], [sflag:$0x1] =	stream.indirect.gather [hbm4b:s4+s22], $0x10, s6, s22, $0xb8;
	[tilespmem:$0xBEC0] =	vst v63  }
0x13e: {  	s30 =	simm.s32 $0x65A0;
	s7 =	sadd.s32 $0x1900, s0  }
0x13f: {  	[tilespmem:s30], [sflag:$0x1] =	stream.indirect.gather [hbm4b:s4+s22], $0x10, s7, s22, $0xb8;
	[tilespmem:$0xBEC0] =	vst v63  }
0x140: {  	s6 =	sadd.s32 $0x68, s0  }
0x141: {  	[tilespmem:s10], [sflag:$0x1] =	stream.indirect.gather [hbm4b:s3+s26], $0x40, s6, s26, $0xb8;
	[tilespmem:$0xBEC0] =	vst v63  }
0x142: {  	s7 =	sadd.s32 $0xCE8, s0  }
0x143: {  	[tilespmem:s11], [sflag:$0x1] =	stream.indirect.gather [hbm4b:s4+s26], $0x10, s7, s26, $0xb8;
	[tilespmem:$0xBEC0] =	vst v63  }
0x144: {  	s0 =	sadd.s32 $0x1968, s0  }
0x145: {  	[tilespmem:s12], [sflag:$0x1] =	stream.indirect.gather [hbm4b:s4+s26], $0x10, s0, s26, $0xb8;
	[tilespmem:$0xBEC0] =	vst v63  }
0x146: {  	_ =	swait.ge [sflag:s1], $0x1A00  }
0x147: {  	[sflag:s1] =	ssyncset.done $0x0  }
0x148: {  	[sflag:s1] =	ssyncadd.s32 $0xFFFFE600  }
0x149: {  	_ =	swait.ge [sflag:s1], $0x680  }
0x14a: {  	[sflag:s1] =	ssyncset.done $0x0  }
0x14b: {  	[sflag:s1] =	ssyncadd.s32 $0xFFFFF980  }
0x14c: {  	_ =	swait.ge [sflag:s1], $0x680  }
0x14d: {  	[sflag:s1] =	ssyncset.done $0x0  }
0x14e: {  	[sflag:s1] =	ssyncadd.s32 $0xFFFFF980  }
0x14f: {  	_ =	swait.ge [sflag:s1], $0x1800  }
0x150: {  	[sflag:s1] =	ssyncset.done $0x0  }
0x151: {  	[sflag:s1] =	ssyncadd.s32 $0xFFFFE800  }
0x152: {  	_ =	swait.ge [sflag:s1], $0x600  }
0x153: {  	[sflag:s1] =	ssyncset.done $0x0  }
0x154: {  	[sflag:s1] =	ssyncadd.s32 $0xFFFFFA00  }
0x155: {  	_ =	swait.ge [sflag:s1], $0x600  }
0x156: {  	[sflag:s1] =	ssyncset.done $0x0  }
0x157: {  	[sflag:s1] =	ssyncadd.s32 $0xFFFFFA00  }
0x158: {  	v1 =	vld [tilespmem:$0x58E0]  }
0x159: {  	v2 =	vld [tilespmem:$0x6550]  }
0x15a: {  	v0 =	vld [tilespmem:$0x65A0]  }
0x15b: {  	v3 =	vld [tilespmem:$0x7210];
	_ =	sdelay $0x1  }
0x15c: {  	s19 =	sadd.s32 $0x1320, s19;
	[tilespmem:$0x58C0] =	vst v1  }
0x15d: {  	p0 =	sne.s32 s19, $0x4B4E0;
	[tilespmem:$0x6570] =	vst v2  }
.Ltmp0:
0x15e: {  	[tilespmem:$0x6590] =	vst v0;
	(pc) =	sbr.rel @p0 .LBB2_2-.Ltmp0, $4  }
0x15f: {  	[tilespmem:$0x7230] =	vst v3  }
0x160: {  	[tilespmem:$0x7220] =	vst v3  }
0x161: {  	s23 =	sadd.s32 $0x32, s23;
	[tilespmem:$0x6560] =	vst v2  }
0x162: {  	s24 =	sadd.s32 $0x32, s24;
	s17 =	sadd.s32 $0x32, s17;
	s0 =	sadd.s32 $0x1320, s28;
	[tilespmem:$0x58D0] =	vst v1  }
0x163: {  	[tilespmem:$0x6580] =	vst v0;
	s5 =	simm.s32 $0x25C0  }
0x164: {  	[hbm4b:s0+s18] =	stream.strided.scatter [tilespmem:s5], [sflag:$0x3], $0x3300, s26, s18, $0x38;
	[tilespmem:$0xBEC0] =	vst v63  }
0x165: {  	s11 =	sadd.s32 $0x1328, s28;
	s12 =	simm.s32 $0x58C0  }
0x166: {  	[hbm4b:s11+s31] =	stream.strided.scatter [tilespmem:s12], [sflag:$0x3], $0xCC0, s26, s31, $0x38;
	[tilespmem:$0xBEC0] =	vst v63  }
0x167: {  	s17 =	sadd.s32 $0x132A, s28;
	s19 =	simm.s32 $0x6580  }
0x168: {  	[hbm4b:s17+s31] =	stream.strided.scatter [tilespmem:s19], [sflag:$0x3], $0xCC0, s26, s31, $0x38;
	[tilespmem:$0xBEC0] =	vst v63  }
0x169: {  	_ =	swait.ge [sflag:s16], $0x3300  }
0x16a: {  	[sflag:s16] =	ssyncset.done $0x0  }
0x16b: {  	[sflag:s16] =	ssyncadd.s32 $0xFFFFCD00  }
0x16c: {  	_ =	swait.ge [sflag:s16], $0xCC0  }
0x16d: {  	[sflag:s16] =	ssyncset.done $0x0  }
0x16e: {  	[sflag:s16] =	ssyncadd.s32 $0xFFFFF340  }
0x16f: {  	_ =	swait.ge [sflag:s16], $0xCC0  }
0x170: {  	s23 =	smul.u32 $0xC8, s2;
	[sflag:s16] =	ssyncset.done $0x0  }
0x171: {  	s24 =	simm.s32 $0x72C0;
	[sflag:s16] =	ssyncadd.s32 $0xFFFFF340  }
0x172: {  	[tilespmem:s24], [sflag:$0x2] =	stream.indirect.gather [hbm4b:s3+s22], $0x40, s23, s22, $0xb8;
	[tilespmem:$0xBEC0] =	vst v63  }
0x173: {  	s28 =	simm.s32 $0xA560;
	s25 =	sadd.s32 $0xC80, s23  }
0x174: {  	[tilespmem:s28], [sflag:$0x2] =	stream.indirect.gather [hbm4b:s4+s22], $0x10, s25, s22, $0xb8;
	[tilespmem:$0xBEC0] =	vst v63  }
0x175: {  	s7 =	simm.s32 $0xB220;
	s6 =	sadd.s32 $0x1900, s23  }
0x176: {  	[tilespmem:s7], [sflag:$0x2] =	stream.indirect.gather [hbm4b:s4+s22], $0x10, s6, s22, $0xb8;
	[tilespmem:$0xBEC0] =	vst v63  }
0x177: {  	s10 =	sadd.s32 $0x68, s23;
	s11 =	simm.s32 $0x8CC0  }
0x178: {  	[tilespmem:s11], [sflag:$0x2] =	stream.indirect.gather [hbm4b:s3+s26], $0x40, s10, s26, $0xb8;
	[tilespmem:$0xBEC0] =	vst v63  }
0x179: {  	s12 =	sadd.s32 $0xCE8, s23;
	s17 =	simm.s32 $0xABE0  }
0x17a: {  	[tilespmem:s17], [sflag:$0x2] =	stream.indirect.gather [hbm4b:s4+s26], $0x10, s12, s26, $0xb8;
	[tilespmem:$0xBEC0] =	vst v63  }
0x17b: {  	s0 =	sadd.s32 $0x1968, s23  }
0x17c: {  	[tilespmem:s13], [sflag:$0x2] =	stream.indirect.gather [hbm4b:s4+s26], $0x10, s0, s26, $0xb8;
	[tilespmem:$0xBEC0] =	vst v63  }
0x17d: {  	_ =	swait.ge [sflag:s14], $0x1A00  }
0x17e: {  	[sflag:s14] =	ssyncset.done $0x0  }
0x17f: {  	[sflag:s14] =	ssyncadd.s32 $0xFFFFE600  }
0x180: {  	_ =	swait.ge [sflag:s14], $0x680  }
0x181: {  	[sflag:s14] =	ssyncset.done $0x0  }
0x182: {  	[sflag:s14] =	ssyncadd.s32 $0xFFFFF980  }
0x183: {  	_ =	swait.ge [sflag:s14], $0x680  }
0x184: {  	[sflag:s14] =	ssyncset.done $0x0  }
0x185: {  	[sflag:s14] =	ssyncadd.s32 $0xFFFFF980  }
0x186: {  	_ =	swait.ge [sflag:s14], $0x1800  }
0x187: {  	[sflag:s14] =	ssyncset.done $0x0  }
0x188: {  	[sflag:s14] =	ssyncadd.s32 $0xFFFFE800  }
0x189: {  	_ =	swait.ge [sflag:s14], $0x600  }
0x18a: {  	[sflag:s14] =	ssyncset.done $0x0  }
0x18b: {  	[sflag:s14] =	ssyncadd.s32 $0xFFFFFA00  }
0x18c: {  	_ =	swait.ge [sflag:s14], $0x600  }
0x18d: {  	[sflag:s14] =	ssyncset.done $0x0  }
0x18e: {  	[sflag:s14] =	ssyncadd.s32 $0xFFFFFA00  }
0x18f: {  	v62 =	vld [tilespmem:$0xA560];
	_ =	sdelay $0x1  }
0x190: {  	v1 =	vld [tilespmem:$0xB1D0];
	_ =	sdelay $0x1  }
0x191: {  	v2 =	vld [tilespmem:$0xB220]  }
0x192: {  	[tilespmem:$0xA540] =	vst v62  }
0x193: {  	v63 =	vld [tilespmem:$0xBE90];
	[tilespmem:$0xA550] =	vst v62  }
0x194: {  	[tilespmem:$0xB1E0] =	vst v1  }
0x195: {  	[tilespmem:$0xB1F0] =	vst v1  }
0x196: {  	[tilespmem:$0xB200] =	vst v2  }
0x197: {  	[tilespmem:$0xB210] =	vst v2  }
0x198: {  	[tilespmem:$0xBEA0] =	vst v63  }
0x199: {  	s19 =	rddreg [dreg:$0xa];
	[tilespmem:$0xBEB0] =	vst v63  }
0x19a: {  	[hbm4b:s19+s18] =	stream.strided.scatter [tilespmem:s20], [sflag:$0x4], $0x3300, s26, s18, $0x38;
	[tilespmem:$0xBEC0] =	vst v63  }
0x19b: {  	s23 =	rddreg [dreg:$0xb]  }
0x19c: {  	[hbm4b:s23+s31] =	stream.strided.scatter [tilespmem:s21], [sflag:$0x4], $0xCC0, s26, s31, $0x38;
	[tilespmem:$0xBEC0] =	vst v63  }
0x19d: {  	s24 =	rddreg [dreg:$0xc]  }
0x19e: {  	[hbm4b:s24+s31] =	stream.strided.scatter [tilespmem:s8], [sflag:$0x4], $0xCC0, s26, s31, $0x38;
	[tilespmem:$0xBEC0] =	vst v63  }
0x19f: {  	_ =	swait.ge [sflag:s15], $0x3300  }
0x1a0: {  	[sflag:s15] =	ssyncset.done $0x0  }
0x1a1: {  	[sflag:s15] =	ssyncadd.s32 $0xFFFFCD00  }
0x1a2: {  	_ =	swait.ge [sflag:s15], $0xCC0  }
0x1a3: {  	[sflag:s15] =	ssyncset.done $0x0  }
0x1a4: {  	[sflag:s15] =	ssyncadd.s32 $0xFFFFF340  }
0x1a5: {  	_ =	swait.ge [sflag:s15], $0xCC0  }
0x1a6: {  	[sflag:s15] =	ssyncset.done $0x0  }
0x1a7: {  	[sflag:s15] =	ssyncadd.s32 $0xFFFFF340  }
0x1a8: {  	_ =	swait.ge [sflag:s16], $0x3300  }
0x1a9: {  	[sflag:s16] =	ssyncset.done $0x0  }
0x1aa: {  	[sflag:s16] =	ssyncadd.s32 $0xFFFFCD00  }
0x1ab: {  	_ =	swait.ge [sflag:s16], $0xCC0  }
0x1ac: {  	[sflag:s16] =	ssyncset.done $0x0  }
0x1ad: {  	[sflag:s16] =	ssyncadd.s32 $0xFFFFF340  }
0x1ae: {  	_ =	swait.ge [sflag:s16], $0xCC0  }
0x1af: {  	s25 =	rddreg [dreg:$0x11]  }
0x1b0: {  	s28 =	rddreg [dreg:$0xd];
	s2 =	sadd.s32 $0x1, s25  }
0x1b1: {  	p0 =	sne.s32 s2, s28  }
.Ltmp1:
0x1b2: {  	_ = 	snop;
	(pc) =	sbr.rel @p0 .LBB2_1-.Ltmp1, $3  }
0x1b3: {  	_ =	sdelay $0x1  }
0x1b4: {  	s10 =	simm.s32 $0x4040;
	[sflag:s16] =	ssyncset.done $0x0  }
0x1b5: {  	s11 =	simm.s32 $0x5F60;
	s12 =	simm.s32 $0x6C20;
	[sflag:s16] =	ssyncadd.s32 $0xFFFFF340  }
0x1b6: {  	_ =	sfence.sel $0x180000  }
0x1b7: {  	[bflag:$0x0] =	sbarrier.arrive $0xFFFF  }
0x1b8: {  	_ =	strace $0x90000047  }
0x1b9: {  	s0 =	stileid.u32;
	[bflag:$0x2] =	sbarrier.arrive $0xFFFF  }
0x1ba: {  	p0 =	sne.s32 s0, $0x0;
	s0 =	rddreg [dreg:$0x2]  }
0x1bb: {  	s0 =	sadd.s32 @!p0 $0x100000, s0  }
0x1bc: {  	[sflag:s0] =	ssyncadd.tile.s32 @!p0 $0x1;
	_ =	shalt  }
.Lfunc_end2:
_tile_overlayer_lowered:
.L_overlay_start_2:
0x1bd: {  	(tag) =	ssettag $0x2  }
0x1be: {  	s0 =	rddreg [dreg:$0x0];
	s2 =	stileid.u32  }
0x1bf: {  	s1 =	rddreg [dreg:$0x1];
	p0 =	sne.s32 s2, $0x0  }
0x1c0: {  	s3 =	rddreg [dreg:$0x2];
	[bflag:$0x3] =	sbarrier.arrive $0xFFFF;
	s2 =	simm.s32 @!p0 $0x1C05  }
0x1c1: {  	[timem:s3], [sflag:s2] =	dma.local @!p0 [hbm:s0], s1  }
0x1c2: {  	s0 =	simm.s32 @!p0 $0x5  }
0x1c3: {  	_ =	swait.ge @!p0 [sflag:s0], s1  }
0x1c4: {  	s1 =	ssub.s32 @!p0 $0x0, s1;
	[sflag:s0] =	ssyncset.done @!p0 $0x0  }
0x1c5: {  	[sflag:s0] =	ssyncadd.s32 @!p0 s1  }
0x1c6: {  	[bflag:$0x3] =	sbarrier.arrive $0xFFFF  }
0x1c7: {  	_ =	shalt  }

// kernel: sparse-core-data-format-call.cloned.1.call-start
scs
called_computation_lowered:
.L_overlay_start_0:
0x0: {  	s2 =	sld [smem:$0x3FD9]  }
0x1: {  	s3 =	sld [smem:$0x3FFE];
	_ =	sdelay $0x1  }
0x2: {  	s1 =	srdreg.scid  }
0x3: {  	s0 =	sand.u32 $0x1, s1  }
0x4: {  	s18 =	sshll.u32 s0, $0xA;
	s2 =	sadd.s32 s3, s2  }
0x5: {  	s2 =	sadd.s32 s2, s18  }
0x6: {  	[smem:$0x3FC3] =	sst s2  }
0x7: {  	_ = 	snop  }
0x8: {  	s2 =	sld [smem:$0x3FD0];
	(tm) =	ssettm $0x1  }
0x9: {  	s19 =	sld [smem:$0x3FFB];
	_ =	sdelay $0x3  }
0xa: {  	_ =	strace s19  }
0xb: {  	s3 =	sld [smem:$0x3FFC];
	_ =	sdelay $0x3  }
0xc: {  	_ =	strace s3  }
0xd: {  	s3 =	sld [smem:$0x3FFD];
	_ =	sdelay $0x3  }
0xe: {  	_ =	strace s3  }
0xf: {  	_ =	strace $0x8FFFFFFF  }
0x10: {  	s20 =	sld [smem:$0x3FDB];
	_ =	sdelay $0x1  }
0x11: {  	s4 =	simm.s32 $_scs_section_size  }
0x12: {  	s5 =	simm.s32 $_size__tile_overlayer_lowered;
	s6 =	simm.s32 $_tile_overlayer_lowered  }
0x13: {  	s23 =	simm.s32 $0x1BFF;
	s22 =	sshll.u32 s6, $0x1;
	s3 =	sadd.s32 s4, s20  }
0x14: {  	s7 =	simm.s32 $0x0;
	s21 =	sshll.u32 s5, $0x1;
	s5 =	sadd.s32 s22, s3  }
0x15: {  	[timem:s7], [sflag:s23] =	dma.local [hbm:s5], s21  }
0x16: {  	_ =	swait.ge [sflag:s23], s21  }
0x17: {  	s4 =	ssub.s32 $0x0, s21;
	[sflag:s23] =	ssyncset.done $0x0  }
0x18: {  	[sflag:s23] =	ssyncadd.s32 s4;
	_ =	sdelay $0x1  }
0x19: {  	s24 =	simm.s32 $0x1B8B  }
0x1a: {  	_ =	swait.ge [sflag:s24], $0x1  }
0x1b: {  	[sflag:s24] =	ssyncset.done $0x0  }
0x1c: {  	s26 =	simm.s32 $0x1B8E;
	s25 =	sld [smem:$0x3FFE];
	[sflag:s24] =	ssyncadd.s32 $0xFFFFFFFF  }
0x1d: {  	s27 =	simm.s32 $execute0_lowered;
	[smem:$0x3FD2] =	sst s26  }
0x1e: {  	s5 =	sshll.u32 s27, $0x1;
	_ =	strace $0x80000049;
	[dreg:$0x1] =	wrdreg $0xFFFFFFFF  }
0x1f: {  	s28 =	simm.s32 $_size_execute0_lowered;
	s3 =	sadd.s32 s3, s5;
	[dreg:$0x0] =	wrdreg $0x0  }
0x20: {  	s5 =	sshll.u32 s28, $0x1;
	[dreg:$0x2] =	wrdreg s3  }
0x21: {  	[dreg:$0x3] =	wrdreg s5  }
0x22: {  	[dreg:$0x4] =	wrdreg $0xC0  }
0x23: {  	_ =	task [dreg:s7], $0x5FFFF  }
0x24: {  	[dreg:$0x1] =	wrdreg $0xFFFFFFFF  }
0x25: {  	[dreg:$0x0] =	wrdreg $0x60  }
0x26: {  	[dreg:$0x2] =	wrdreg s25  }
0x27: {  	[dreg:$0x3] =	wrdreg s2  }
0x28: {  	[dreg:$0x4] =	wrdreg $0x9  }
0x29: {  	_ =	task.clear_ibuf [dreg:s7], $0x5FFFF;
	_ =	strace $0x90000049  }
0x2a: {  	s29 =	simm.s32 $0x9;
	_ =	strace $0x8000004B  }
0x2b: {  	_ =	swait.ge [sflag:s29], $0x1  }
0x2c: {  	[sflag:s29] =	ssyncadd.s32 $0xFFFFFFFF  }
0x2d: {  	_ =	strace $0x9000004B  }
0x2e: {  	_ =	sfence  }
0x2f: {  	s30 =	sld [smem:$0x0];
	_ =	sdelay $0x2  }
0x30: {  	s31 =	sshll.u32 s1, $0xD;
	s1 =	sshrl.u32 s1, $0x2  }
0x31: {  	s3 =	sand.u32 $0x4000, s31;
	s1 =	sadd.s32 s1, s30  }
0x32: {  	s0 =	sor.u32 s3, s0;
	s1 =	sshll.u32 s1, $0x11  }
0x33: {  	s0 =	sor.u32 s1, s0  }
0x34: {  	s0 =	sadd.s32 $0x8F2B, s0  }
0x35: {  	[sflag:s0] =	ssyncadd.remote.s32 $0x1  }
0x36: {  	_ =	sfence.sel $0xFFFF  }
0x37: {  	[dreg:$0x0] =	wrdreg $0xFFFFFFFF;
	(pc) =	sbr.abs _section_cstart, $3  }
0x38: {  	[dreg:$0x1] =	wrdreg $0xFFFFFFFF  }
0x39: {  	_ =	task.clear_ibuf [dreg:s7], $0x2FFFF;
	_ =	strace $0x9FFFFFFF  }
0x3a: {  	(tm) =	ssettm $0x7FFFFFFF  }
0x3b: {  	_ =	shalt  }
tec
execute0_lowered:
.L_overlay_start_1:
0x0: {  	(tag) =	ssettag $0x1  }
0x1: {  	s0 =	srdreg.scid  }
0x2: {  	s1 =	sshll.u32 s0, $0x4  }
0x3: {  	s6 =	rddreg [dreg:$0x0];
	s0 =	stileid.u32;
	s1 =	sand.u32 $0x10, s1  }
0x4: {  	s3 =	rddreg [dreg:$0x1];
	s1 =	sor.u32 s0, s1  }
0x5: {  	s5 =	simm.s32 $0x1;
	s31 =	simm.s32 $0x2;
	s2 =	sshll.u32 s1, $0x7  }
0x6: {  	s15 =	simm.s32 $0x0;
	s8 =	simm.s32 $0x8000;
	s4 =	ssub.s32 $0x1000, s2  }
0x7: {  	s14 =	simm.s32 $0x0;
	s9 =	simm.s32 $0x0;
	s30 =	sand.u32 $0xF80, s4  }
0x8: {  	s10 =	simm.s32 $0x0;
	s11 =	simm.s32 $0x0;
	p0 =	sne.s32 s30, $0x0  }
.Ltmp0:
0x9: {  	s7 =	sshrl.u32 s4, $0xC;
	s5 =	simm.s32 @!p0 $0x0;
	(pc) =	sbr.rel .LBB1_1-.Ltmp0, $4  }
0xa: {  	s13 =	simm.s32 $0x0;
	s1 =	rddreg [dreg:$0x2];
	s5 =	sadd.s32 s5, s7  }
0xb: {  	_ =	strace $0x8000004A;
	s4 =	simm.s32 $0x1;
	s5 =	smul.u32 $0xCC, s5  }
0xc: {  	s6 =	sadd.s32 $0x1000, s6;
	s12 =	smov.u32 s2;
	[sflag:s4] =	ssyncpa.u1 $0x0  }
0xd: {  	[sflag:s31] =	ssyncpa.u1 $0x0;
	p0 =	por $0x0, $0x0;
	s7 =	sor.u32 $0x1, s5  }
.LBB1_4:
0xe: {  	s20 =	sshra.s32 s20, $0x2;
	s28 =	sshll.u32 s10, $0x3;
	p1 =	sgt.s32 s9, $0xCB  }
0xf: {  	s21 =	smov.u32 s9;
	s23 =	sshra.s32 s9, $0x1F;
	s24 =	smov.u32 s10  }
0x10: {  	v5 =	vld [tilespmem:s17+$0xFFFFFFD0];
	[tilespmem:s18+$0x2040 ss:$0x81] =	vst.msk $0xffff, v4;
	s25 =	sshra.s32 s10, $0x1F;
	s26 =	sand.u32 $0x78, s10;
	s19 =	sadd.s32 s20, s19  }
0x11: {  	v58 =	vld [tilespmem:s17+$0xFFFFFFE0];
	[tilespmem:s18+$0x2850 ss:$0x81] =	vst.msk $0xffff, v3;
	s22 =	sshrl.u32 s28, $0xC;
	s21 =	simm.s32 @!p1 $0xCB;
	s23 =	sand.u32 s23, s9  }
0x12: {  	v59 =	vld [tilespmem:s17+$0xFFFFFFF0];
	[tilespmem:s18+$0x3060 ss:$0x81] =	vst.msk $0xffff, v2;
	p1 =	sgt.s32 s10, $0xF80;
	s29 =	sand.u32 s25, s10;
	s20 =	sand.u32 $0xC00, s28  }
0x13: {  	v60 =	vld [tilespmem:s17+$0x0];
	[tilespmem:s18+$0x0 ss:$0x81] =	vst.msk $0xffff, v0;
	s28 =	smul.u32 $0xC000, s9;
	s21 =	ssub.s32 s21, s23;
	s24 =	simm.s32 @!p1 $0xF80  }
0x14: {  	v61 =	vld [tilespmem:s17+$0x10];
	s30 =	smulhi.u32 $0x2AAAAAB, s22;
	[tilespmem:s19+$0x3870 ss:$0x81] =	vst.msk $0xffff, v1;
	s20 =	sor.u32 s26, s20;
	s31 =	ssub.s32 $0xCC, s21  }
0x15: {  	v62 =	vld [tilespmem:s17+$0x20];
	s23 =	ssub.s32 s24, s29;
	s21 =	sadd.s32 $0xFFFFFF35, s21;
	s25 =	smul.u32 $0x60, s31;
	[tilespmem:s19+$0x810 ss:$0x81] =	vst.msk $0xffff, v5  }
0x16: {  	v63 =	vld [tilespmem:s17+$0xFFFFFFC0];
	s18 =	smul.u32 $0x60, s30;
	p1 =	sgt.s32 s21, $0x0;
	s27 =	sadd.s32 $0xFFFFF080, s23;
	[tilespmem:s19+$0x1020 ss:$0x81] =	vst.msk $0xffff, v58  }
0x17: {  	s17 =	ssub.s32 $0x1000, s23;
	[tilespmem:s19+$0x1830 ss:$0x81] =	vst.msk $0xffff, v59;
	s25 =	simm.s32 @p1 $0x0;
	p1 =	sgt.s32 s27, $0x7F  }
0x18: {  	s29 =	sand.u32 $0x7, s10;
	[tilespmem:s19+$0x2040 ss:$0x81] =	vst.msk $0xffff, v60;
	s18 =	ssub.s32 s22, s18;
	s17 =	simm.s32 @p1 $0x0  }
0x19: {  	s21 =	sadd.s32 s3, s28;
	[tilespmem:s19+$0x2850 ss:$0x81] =	vst.msk $0xffff, v61;
	s18 =	sshll.u32 s18, $0x9;
	s17 =	smul.u32 s17, s25  }
0x1a: {  	s20 =	sshrl.u32 s20, $0x3;
	s30 =	sshll.u32 s29, $0x12;
	[tilespmem:s19+$0x3060 ss:$0x81] =	vst.msk $0xffff, v62;
	s18 =	sadd.s32 s18, s21  }
0x1b: {  	[tilespmem:s19+$0x0 ss:$0x81] =	vst.msk $0xffff, v63;
	s31 =	sor.u32 $0x400, s30;
	s18 =	sadd.s32 s20, s18;
	s17 =	sand.u32 $0x3FFFFFE0, s17  }
0x1c: {  	[hbm4b:s18+s31] =	stream.strided.scatter [tilespmem:s16], [sflag:$0x2], s17, s8, s31, $0x20;
	[tilespmem:$0x10100] =	vst v63  }
.LBB1_5:
0x1d: {  	p1 =	slt.u32 s13, $0x2  }
0x1e: {  	s17 =	smov.u32 s15;
	p2 =	sgt.s32 @!p1 s15, $0xCB;
	s16 =	sshra.s32 @!p1 s15, $0x1F  }
0x1f: {  	p3 =	sgt.s32 @!p1 s14, $0xF80;
	s18 =	sshra.s32 @!p1 s14, $0x1F;
	p2 =	por !p2, p1  }
0x20: {  	s15 =	sand.u32 @!p1 s16, s15;
	p3 =	por !p3, p1;
	s16 =	smov.u32 s14  }
0x21: {  	s14 =	sand.u32 @!p1 s18, s14;
	s17 =	simm.s32 @p2 $0xCB;
	s16 =	simm.s32 @p3 $0xF80  }
0x22: {  	s18 =	smov.u32 s12;
	s15 =	ssub.s32 @!p1 s17, s15;
	s14 =	ssub.s32 @!p1 s16, s14  }
0x23: {  	s16 =	sadd.s32 @!p1 $0xFFFFFF35, s15;
	s15 =	ssub.s32 @!p1 $0xCC, s15;
	s17 =	sadd.s32 @!p1 $0xFFFFF080, s14  }
0x24: {  	p2 =	sgt.s32 @!p1 s16, $0x0;
	s15 =	smul.u32 @!p1 $0x60, s15;
	p3 =	sgt.s32 @!p1 s17, $0x7F  }
0x25: {  	s14 =	ssub.s32 @!p1 $0x1000, s14;
	p2 =	por !p2, p1;
	p3 =	por !p3, p1  }
0x26: {  	s16 =	sadd.s32 $0x1, s11;
	s15 =	simm.s32 @!p2 $0x0;
	s14 =	simm.s32 @!p3 $0x0  }
0x27: {  	p2 =	sgt.s32 s16, $0xCB;
	s14 =	smul.u32 @!p1 s14, s15;
	s15 =	sadd.s32 $0x1000, s12  }
0x28: {  	s18 =	smov.u32 @p2 s15  }
0x29: {  	s16 =	simm.s32 @p2 $0x0;
	p2 =	sgt.s32 s18, $0xFFF  }
0x2a: {  	s18 =	smov.u32 @p2 s2;
	p2 =	sne.s32 s13, s7  }
.Ltmp1:
0x2b: {  	p0 =	por !p0, !p0;
	s17 =	simm.s32 @!p1 $0x2;
	(pc) =	sbr.rel @!p2 .LBB1_6-.Ltmp1, $4  }
0x2c: {  	s15 =	smov.u32 s9;
	s9 =	smov.u32 s11;
	s14 =	sand.u32 @!p1 $0x3FFFFFE0, s14  }
0x2d: {  	s11 =	smov.u32 s16;
	_ =	swait.ge @!p1 [sflag:s17], s14;
	s19 =	ssub.s32 @!p1 $0x0, s14  }
0x2e: {  	s14 =	smov.u32 s10;
	s13 =	sadd.s32 $0x1, s13;
	[sflag:s17] =	ssyncset.done @!p1 $0x0  }
0x2f: {  	s10 =	smov.u32 s12;
	s12 =	smov.u32 s18;
	[sflag:s17] =	ssyncadd.s32 @!p1 s19  }
.LBB1_1:
0x30: {  	p1 =	sge.u32 s13, s5  }
0x31: {  	s16 =	sand.u32 @!p1 $0x1FFFFFF, s11  }
0x32: {  	s17 =	smulhi.u32 @!p1 $0x2762763, s16;
	_ =	sdelay $0x1  }
0x33: {  	s17 =	sshrl.u32 @!p1 s17, $0x1  }
0x34: {  	s17 =	smul.u32 @!p1 $0xD0, s17  }
0x35: {  	s18 =	sxor.u32 @!p1 $0xFFFFFFFF, s13;
	s19 =	smul.u32 @!p1 $0xD00, s12  }
0x36: {  	s31 =	sadd.s32 $0xFFFFFFFF, s13;
	s18 =	sshll.u32 @!p1 s18, $0xE;
	s16 =	ssub.s32 @!p1 s16, s17  }
0x37: {  	s17 =	sand.u32 @!p1 $0x4000, s18;
	s18 =	sadd.s32 @!p1 s6, s19;
	s16 =	sshll.u32 @!p1 s16, $0x4  }
0x38: {  	s19 =	simm.s32 @!p1 $0x6800;
	s16 =	sadd.s32 @!p1 s16, s18;
	s18 =	simm.s32 @!p1 $0x80  }
0x39: {  	[tilespmem:s17], [sflag:$0x1] =	stream.strided.gather @!p1 [hbm4b:s16+s18], $0x4000, s19, s18, $0x38;
	[tilespmem:$0x10100] =	vst v63  }
0x3a: {  	p1 =	sge.u32 s31, s5  }
.Ltmp2:
0x3b: {  	_ = 	snop;
	(pc) =	sbr.rel @p1 .LBB1_5-.Ltmp2, $1  }
0x3c: {  	_ =	sdelay $0x3  }
0x3d: {  	s16 =	simm.s32 $0x1  }
0x3e: {  	_ =	swait.ge [sflag:s4], $0x4000;
	s16 =	simm.s32 @!p0 $0x0  }
0x3f: {  	[sflag:s4] =	ssyncset.done $0x0;
	s17 =	sshll.u32 s16, $0xE  }
0x40: {  	[sflag:s4] =	ssyncadd.s32 $0xFFFFC000;
	s17 =	sor.u32 $0x40, s17  }
0x41: {  	s16 =	smul.u32 $0x10200, s16;
	v0 =	vld [tilespmem:s17+$0x30]  }
0x42: {  	v1 =	vld [tilespmem:s17+$0xFFFFFFD0]  }
0x43: {  	s16 =	sshrl.u32 s16, $0x2;
	v5 =	vld [tilespmem:s17+$0xFFFFFFE0]  }
0x44: {  	v6 =	vld [tilespmem:s17+$0xFFFFFFF0];
	s19 =	sor.u32 $0x8000, s16  }
0x45: {  	s31 =	sand.u32 $0x1, s13;
	v4 =	vld [tilespmem:s17+$0x0];
	s18 =	sadd.s32 $0x0, s19  }
0x46: {  	v3 =	vld [tilespmem:s17+$0x10];
	s16 =	smul.u32 $0x10200, s31;
	[tilespmem:s18+$0x3870 ss:$0x81] =	vst.msk $0xffff, v0  }
0x47: {  	v2 =	vld [tilespmem:s17+$0x20];
	[tilespmem:s18+$0x810 ss:$0x81] =	vst.msk $0xffff, v1  }
0x48: {  	s16 =	sshrl.u32 s16, $0x2;
	v0 =	vld [tilespmem:s17+$0xFFFFFFC0];
	[tilespmem:s18+$0x1020 ss:$0x81] =	vst.msk $0xffff, v5;
	s17 =	sadd.s32 $0x80, s17  }
0x49: {  	s20 =	simm.s32 $0x4;
	s21 =	simm.s32 $0x8;
	s16 =	sor.u32 $0x8000, s16;
	[tilespmem:s18+$0x1830 ss:$0x81] =	vst.msk $0xffff, v6;
	v1 =	vld [tilespmem:s17+$0x30]  }
.LBB1_3:
0x4a: {  	p1 =	sne.s32 s21, $0x1FC;
	v5 =	vld [tilespmem:s17+$0xFFFFFFD0];
	[tilespmem:s18+$0x2040 ss:$0x81] =	vst.msk $0xffff, v4  }
0x4b: {  	v6 =	vld [tilespmem:s17+$0xFFFFFFE0];
	[tilespmem:s18+$0x2850 ss:$0x81] =	vst.msk $0xffff, v3  }
0x4c: {  	s22 =	sshra.s32 s20, $0x2;
	s20 =	smov.u32 s21;
	v7 =	vld [tilespmem:s17+$0xFFFFFFF0];
	[tilespmem:s18+$0x3060 ss:$0x81] =	vst.msk $0xffff, v2  }
.Ltmp3:
0x4d: {  	v4 =	vld [tilespmem:s17+$0x0];
	[tilespmem:s18+$0x0 ss:$0x81] =	vst.msk $0xffff, v0;
	s18 =	sadd.s32 s22, s19;
	(pc) =	sbr.rel @p1 .LBB1_3-.Ltmp3, $4  }
0x4e: {  	v3 =	vld [tilespmem:s17+$0x10];
	[tilespmem:s18+$0x3870 ss:$0x81] =	vst.msk $0xffff, v1  }
0x4f: {  	[tilespmem:s18+$0x810 ss:$0x81] =	vst.msk $0xffff, v5;
	v2 =	vld [tilespmem:s17+$0x20]  }
0x50: {  	v0 =	vld [tilespmem:s17+$0xFFFFFFC0];
	[tilespmem:s18+$0x1020 ss:$0x81] =	vst.msk $0xffff, v6;
	s17 =	sadd.s32 $0x80, s17  }
0x51: {  	s21 =	sadd.s32 $0x4, s21;
	v1 =	vld [tilespmem:s17+$0x30];
	[tilespmem:s18+$0x1830 ss:$0x81] =	vst.msk $0xffff, v7  }
.Ltmp4:
0x52: {  	_ = 	snop;
	(pc) =	sbr.rel .LBB1_4-.Ltmp4, $1  }
0x53: {  	_ =	sdelay $0x3  }
.LBB1_6:
0x54: {  	_ =	sfence.sel $0x180000  }
0x55: {  	s2 =	simm.s32 $0x1;
	[bflag:$0x0] =	sbarrier.arrive $0xFFFF  }
0x56: {  	s31 =	simm.s32 $0x2;
	[sflag:s2] =	ssyncpa.u1 $0x1  }
0x57: {  	[sflag:s31] =	ssyncpa.u1 $0x1  }
0x58: {  	p0 =	sne.s32 s0, $0x0;
	_ =	strace $0x9000004A  }
0x59: {  	s0 =	sadd.s32 @!p0 $0x100000, s1;
	[bflag:$0x2] =	sbarrier.arrive $0xFFFF  }
0x5a: {  	[sflag:s0] =	ssyncadd.tile.s32 @!p0 $0x1;
	_ =	shalt  }
.Lfunc_end1:
_tile_overlayer_lowered:
.L_overlay_start_2:
0x5b: {  	(tag) =	ssettag $0x2  }
0x5c: {  	s0 =	rddreg [dreg:$0x0];
	s2 =	stileid.u32  }
0x5d: {  	s1 =	rddreg [dreg:$0x1];
	p0 =	sne.s32 s2, $0x0  }
0x5e: {  	s3 =	rddreg [dreg:$0x2];
	[bflag:$0x3] =	sbarrier.arrive $0xFFFF;
	s2 =	simm.s32 @!p0 $0x1C01  }
0x5f: {  	[timem:s3], [sflag:s2] =	dma.local @!p0 [hbm:s0], s1  }
0x60: {  	s0 =	simm.s32 @!p0 $0x1  }
0x61: {  	_ =	swait.ge @!p0 [sflag:s0], s1  }
0x62: {  	s1 =	ssub.s32 @!p0 $0x0, s1;
	[sflag:s0] =	ssyncset.done @!p0 $0x0  }
0x63: {  	[sflag:s0] =	ssyncadd.s32 @!p0 s1  }
0x64: {  	[bflag:$0x3] =	sbarrier.arrive $0xFFFF  }
0x65: {  	_ =	shalt  }

</sc_bundles>
